<compile_context>
chip_gen: v7x
topology: tpu7x:2x2x1
jax: 0.10.2.dev20260603
libtpu: 0.0.44.dev20260713+nightly
codegen_flags: <defaults>
</compile_context>

<pallas_src>
import functools

import jax
import jax.numpy as jnp
from jax import lax
from jax.experimental import pallas as pl
from jax.experimental.pallas import tpu as pltpu
from jax.experimental.pallas import tpu_sc as plsc

VOCAB = 100000
EMB = 128
BATCH = 16384
NEG = 20

NUM_WORKERS = 32
CHUNK = 128

S = 4
BS = BATCH // S
NC_NEG = BS * NEG // (NUM_WORKERS * CHUNK)

_mesh = plsc.VectorSubcoreMesh(core_axis_name="c", subcore_axis_name="s")


@functools.partial(
    pl.kernel,
    out_type=(
        jax.ShapeDtypeStruct((BS, EMB), jnp.float32),
        jax.ShapeDtypeStruct((BS, EMB), jnp.float32),
        jax.ShapeDtypeStruct((BS * NEG, EMB), jnp.float32),
    ),
    mesh=_mesh,
    scratch_types=[
        pltpu.VMEM((NC_NEG + 4, CHUNK), jnp.int32),
        pltpu.VMEM((CHUNK, EMB), jnp.float32),
        pltpu.VMEM((CHUNK, EMB), jnp.float32),
        pltpu.VMEM((CHUNK, EMB), jnp.float32),
        pltpu.VMEM((CHUNK, EMB), jnp.float32),
        pltpu.VMEM((CHUNK, EMB), jnp.float32),
        pltpu.VMEM((CHUNK, EMB), jnp.float32),
        pltpu.SemaphoreType.DMA,
        pltpu.SemaphoreType.DMA,
        pltpu.SemaphoreType.DMA,
        pltpu.SemaphoreType.DMA,
        pltpu.SemaphoreType.DMA,
        pltpu.SemaphoreType.DMA,
        pltpu.SemaphoreType.DMA,
        pltpu.SemaphoreType.DMA,
        pltpu.SemaphoreType.DMA,
        pltpu.SemaphoreType.DMA,
        pltpu.SemaphoreType.DMA,
        pltpu.SemaphoreType.DMA,
    ],
)
def _sc_gather(center_hbm, context_hbm, idx_hbm,
               v_out, upos_out, uneg_out,
               idx_v, rbc, rbp, rb0, rb1, rb2, rb3,
               sgc, sgp, swc, swp, sg0, sg1, sg2, sg3, sw0, sw1, sw2, sw3):
    wid = lax.axis_index("s") * 2 + lax.axis_index("c")
    rb = (rb0, rb1, rb2, rb3)
    sg = (sg0, sg1, sg2, sg3)
    sw = (sw0, sw1, sw2, sw3)
    n = NC_NEG

    pltpu.sync_copy(idx_hbm.at[pl.ds(wid * (NC_NEG + 4), NC_NEG + 4)], idx_v)

    pltpu.async_copy(center_hbm.at[idx_v.at[0]], rbc, sgc)
    pltpu.async_copy(context_hbm.at[idx_v.at[1]], rbp, sgp)

    base = wid * CHUNK

    def gst(j, b):
        pltpu.async_copy(context_hbm.at[idx_v.at[2 + j]], rb[b], sg[b])

    def gwait(j, b):
        pltpu.make_async_copy(context_hbm.at[idx_v.at[2 + j]], rb[b], sg[b]).wait()

    def wst(j, b):
        pltpu.async_copy(
            rb[b], uneg_out.at[pl.ds(base + j * BS, CHUNK)], sw[b])

    def wwait(j, b):
        pltpu.make_async_copy(
            rb[b], uneg_out.at[pl.ds(base + j * BS, CHUNK)], sw[b]).wait()

    gst(0, 0)
    gst(1, 1)
    gst(2, 2)
    gwait(0, 0)
    gst(3, 3)
    wst(0, 0)

    @pl.loop(0, (n - 4) // 4)
    def _(t):
        for r in range(1, 5):
            j = r + 4 * t
            b = r % 4
            gwait(j, b)
            wwait(j - 1, (r - 1) % 4)
            gst(j + 3, (r + 3) % 4)
            wst(j, b)

    for r in range(3, 0, -1):
        j = n - r
        b = j % 4
        gwait(j, b)
        wwait(j - 1, (j - 1) % 4)
        wst(j, b)

    pltpu.make_async_copy(center_hbm.at[idx_v.at[0]], rbc, sgc).wait()
    pltpu.async_copy(rbc, v_out.at[pl.ds(wid * CHUNK, CHUNK)], swc)
    pltpu.make_async_copy(context_hbm.at[idx_v.at[1]], rbp, sgp).wait()
    pltpu.async_copy(rbp, upos_out.at[pl.ds(wid * CHUNK, CHUNK)], swp)
    wwait(n - 1, (n - 1) % 4)
    pltpu.make_async_copy(rbc, v_out.at[pl.ds(wid * CHUNK, CHUNK)], swc).wait()
    pltpu.make_async_copy(rbp, upos_out.at[pl.ds(wid * CHUNK, CHUNK)], swp).wait()


def _log_sigmoid(x):
    return jnp.minimum(x, 0.0) - jnp.log(1.0 + jnp.exp(-jnp.abs(x)))


BB = 1024


def _loss_body(v_ref, upos_ref, uneg_ref, e_ref, out_ref):
    i = pl.program_id(0)
    v = v_ref[...]
    parts = [v * upos_ref[...]]
    for k in range(NEG):
        parts.append(uneg_ref[k] * v)
    z = jnp.concatenate(parts, axis=1).astype(jnp.bfloat16)
    scores = lax.dot_general(z, e_ref[...], (((1,), (0,)), ((), ())),
                             preferred_element_type=jnp.float32)
    block_sum = jnp.sum(_log_sigmoid(scores)).reshape(1, 1)

    @pl.when(i == 0)
    def _():
        out_ref[...] = jnp.zeros((1, 1), jnp.float32)

    out_ref[...] += block_sum


_loss_call = pl.pallas_call(
    _loss_body,
    grid=(BS // BB,),
    in_specs=[
        pl.BlockSpec((BB, EMB), lambda i: (i, 0)),
        pl.BlockSpec((BB, EMB), lambda i: (i, 0)),
        pl.BlockSpec((NEG, BB, EMB), lambda i: (0, i, 0)),
        pl.BlockSpec(((NEG + 1) * EMB, NEG + 1), lambda i: (0, 0)),
    ],
    out_specs=pl.BlockSpec((1, 1), lambda i: (0, 0)),
    out_shape=jax.ShapeDtypeStruct((1, 1), jnp.float32),
)


def _make_e():
    sign = jnp.concatenate([jnp.ones((1,)), -jnp.ones((NEG,))]).astype(jnp.float32)
    eye = jnp.repeat(jnp.eye(NEG + 1, dtype=jnp.float32), EMB, axis=0)
    return (eye * sign[None, :]).astype(jnp.bfloat16)


def kernel(center_emb, context_emb, center_words, pos_context_words, neg_context_words):
    cw = center_words.astype(jnp.int32).reshape(S, NUM_WORKERS, 1, CHUNK)
    pw = pos_context_words.astype(jnp.int32).reshape(S, NUM_WORKERS, 1, CHUNK)
    nw = (neg_context_words.astype(jnp.int32).T
          .reshape(NEG, S, NUM_WORKERS, CHUNK).transpose(1, 2, 0, 3))
    pad = jnp.zeros((S, NUM_WORKERS, 2, CHUNK), jnp.int32)
    idx_all = jnp.concatenate([cw, pw, nw, pad], axis=2).reshape(
        S, NUM_WORKERS * (NC_NEG + 4), CHUNK)
    e = _make_e()
    total = jnp.zeros((1, 1), jnp.float32)
    for s in range(S):
        v, u_pos, u_neg = _sc_gather(center_emb, context_emb, idx_all[s])
        total = total + _loss_call(v, u_pos, u_neg.reshape(NEG, BS, EMB), e)
    return jnp.reshape(total * (-1.0 / BATCH), ())

# --- scband reference (transcript-rebuilt; emitter-appended) ---
"""Pipeline reference for scband-skip-gram-neg-sampling-5772436046013 (READ-ONLY COPY).

The authoritative reference and input builder live on the scoring server;
editing this copy changes nothing except your own understanding.
"""

import jax, jax.numpy as jnp
import numpy as np

VOCAB = 100000
EMB = 128
BATCH = 16384
NEG = 20


def _xavier_uniform(key, shape):
    fan_in, fan_out = shape[0], shape[1]
    bound = float(np.sqrt(6.0 / (fan_in + fan_out)))
    return jax.random.uniform(key, shape, dtype=jnp.float32, minval=-bound, maxval=bound)


def setup_inputs(seed: int = 0) -> dict:
    key = jax.random.key(seed)
    k1, k2, k3, k4, k5 = jax.random.split(key, 5)
    center_words = jax.random.randint(k1, (BATCH,), 0, VOCAB, dtype=jnp.int64 if jax.config.jax_enable_x64 else jnp.int32)
    pos_context_words = jax.random.randint(k2, (BATCH,), 0, VOCAB, dtype=jnp.int64 if jax.config.jax_enable_x64 else jnp.int32)
    neg_context_words = jax.random.randint(k3, (BATCH, NEG), 0, VOCAB, dtype=jnp.int64 if jax.config.jax_enable_x64 else jnp.int32)
    center_emb = _xavier_uniform(k4, (VOCAB, EMB))
    context_emb = _xavier_uniform(k5, (VOCAB, EMB))
    return {
        "center_emb": center_emb,
        "context_emb": context_emb,
        "center_words": center_words,
        "pos_context_words": pos_context_words,
        "neg_context_words": neg_context_words,
    }


def reference(center_emb, context_emb, center_words, pos_context_words, neg_context_words):
    # v = self.center_embeddings(center_words)            -> [B, D]
    v = jnp.take(center_emb, center_words, axis=0)
    # u_pos = self.context_embeddings(pos_context_words)  -> [B, D]
    u_pos = jnp.take(context_emb, pos_context_words, axis=0)
    # u_neg = self.context_embeddings(neg_context_words)  -> [B, K, D]
    u_neg = jnp.take(context_emb, neg_context_words, axis=0)
    # pos_score = sum(v * u_pos, dim=1)
    pos_score = jnp.sum(v * u_pos, axis=1)
    pos_loss = jax.nn.log_sigmoid(pos_score)
    # neg_score = bmm(u_neg, v.unsqueeze(2)).squeeze(2)   -> [B, K]
    neg_score = jnp.einsum("bkd,bd->bk", u_neg, v)
    neg_loss = jnp.sum(jax.nn.log_sigmoid(-neg_score), axis=1)
    loss = -jnp.mean(pos_loss + neg_loss)
    return loss

if __name__ == "__main__":
    import jax
    _d = setup_inputs()
    print(jax.jit(kernel)(*tuple(_d.values())))

</pallas_src>

<mosaic_0001>
#map = affine_map<(d0, d1) -> (0, 0)>
module attributes {stable_mosaic.version = 14 : i64} {
  func.func @_sc_gather(%arg0: i32, %arg1: i32, %arg2: memref<100000x128xf32, #tpu.memory_space<hbm>>, %arg3: memref<100000x128xf32, #tpu.memory_space<hbm>>, %arg4: memref<768x128xi32, #tpu.memory_space<hbm>>, %arg5: memref<4096x128xf32, #tpu.memory_space<hbm>>, %arg6: memref<4096x128xf32, #tpu.memory_space<hbm>>, %arg7: memref<81920x128xf32, #tpu.memory_space<hbm>>, %arg8: memref<24x128xi32, #tpu.memory_space<vmem>>, %arg9: memref<128x128xf32, #tpu.memory_space<vmem>>, %arg10: memref<128x128xf32, #tpu.memory_space<vmem>>, %arg11: memref<128x128xf32, #tpu.memory_space<vmem>>, %arg12: memref<128x128xf32, #tpu.memory_space<vmem>>, %arg13: memref<128x128xf32, #tpu.memory_space<vmem>>, %arg14: memref<128x128xf32, #tpu.memory_space<vmem>>, %arg15: memref<!tpu.dma_semaphore, #tpu.memory_space<semaphore_mem>>, %arg16: memref<!tpu.dma_semaphore, #tpu.memory_space<semaphore_mem>>, %arg17: memref<!tpu.dma_semaphore, #tpu.memory_space<semaphore_mem>>, %arg18: memref<!tpu.dma_semaphore, #tpu.memory_space<semaphore_mem>>, %arg19: memref<!tpu.dma_semaphore, #tpu.memory_space<semaphore_mem>>, %arg20: memref<!tpu.dma_semaphore, #tpu.memory_space<semaphore_mem>>, %arg21: memref<!tpu.dma_semaphore, #tpu.memory_space<semaphore_mem>>, %arg22: memref<!tpu.dma_semaphore, #tpu.memory_space<semaphore_mem>>, %arg23: memref<!tpu.dma_semaphore, #tpu.memory_space<semaphore_mem>>, %arg24: memref<!tpu.dma_semaphore, #tpu.memory_space<semaphore_mem>>, %arg25: memref<!tpu.dma_semaphore, #tpu.memory_space<semaphore_mem>>, %arg26: memref<!tpu.dma_semaphore, #tpu.memory_space<semaphore_mem>>) attributes {dimension_semantics = [#tpu.dimension_semantics<core_parallel>, #tpu.dimension_semantics<subcore_parallel>], iteration_bounds = array<i64: 2, 16>, scalar_prefetch = 0 : i64, scratch_operands = 19 : i64, tpu.core_type = #tpu.core_type<sc_vector_subcore>, window_params = [{transform_indices = #map}, {transform_indices = #map}, {transform_indices = #map}, {transform_indices = #map}, {transform_indices = #map}, {transform_indices = #map}]} {
    %mul3A = arith.constant 2 : i32
    %mul3A_0 = arith.muli %arg1, %mul3A : i32
    %add3A = arith.addi %mul3A_0, %arg0 : i32
    %mul3A_1 = arith.constant 24 : i32
    %mul3A_2 = arith.muli %add3A, %mul3A_1 : i32
    "tpu.region"() ({
      %run_scoped3A = tpu.sem_alloc : memref<!tpu.dma_semaphore, #tpu.memory_space<semaphore_mem>>
      %dma_start3A_163 = arith.constant 0 : i32
      %dma_start3A_164 = tpu.memref_slice %arg4[%mul3A_2, %dma_start3A_163] : memref<768x128xi32, #tpu.memory_space<hbm>> -> memref<24x128xi32, #tpu.memory_space<hbm>>
      %dma_start3A_165 = arith.constant 0 : i32
      %dma_start3A_166 = tpu.memref_slice %arg4[%mul3A_2, %dma_start3A_165] : memref<768x128xi32, #tpu.memory_space<hbm>> -> memref<24x128xi32, #tpu.memory_space<hbm>>
      tpu.enqueue_dma source(%dma_start3A_166 : memref<24x128xi32, #tpu.memory_space<hbm>>) target(%arg8 : memref<24x128xi32, #tpu.memory_space<vmem>>) target_semaphore(%run_scoped3A : memref<!tpu.dma_semaphore, #tpu.memory_space<semaphore_mem>>)
      %dma_wait3A_167 = arith.constant 0 : i32
      %dma_wait3A_168 = tpu.memref_slice %arg4[%mul3A_2, %dma_wait3A_167] : memref<768x128xi32, #tpu.memory_space<hbm>> -> memref<24x128xi32, #tpu.memory_space<hbm>>
      %dma_wait3A_169 = arith.constant 0 : i32
      %dma_wait3A_170 = tpu.memref_slice %arg4[%mul3A_2, %dma_wait3A_169] : memref<768x128xi32, #tpu.memory_space<hbm>> -> memref<24x128xi32, #tpu.memory_space<hbm>>
      tpu.wait_dma2 semaphore(%run_scoped3A : memref<!tpu.dma_semaphore, #tpu.memory_space<semaphore_mem>>) src(%dma_wait3A_170 : memref<24x128xi32, #tpu.memory_space<hbm>>) dst(%arg8 : memref<24x128xi32, #tpu.memory_space<vmem>>)
      tpu.yield
    }) : () -> ()
    %dma_start3A = arith.constant 0 : i32
    %dma_start3A_3 = arith.constant 0 : i32
    %dma_start3A_4 = tpu.memref_slice %arg8[%dma_start3A, %dma_start3A_3] : memref<24x128xi32, #tpu.memory_space<vmem>> -> memref<1x128xi32, #tpu.memory_space<vmem>>
    %dma_start3A_5 = tpu.memref_squeeze %dma_start3A_4 : memref<1x128xi32, #tpu.memory_space<vmem>> -> memref<128xi32, #tpu.memory_space<vmem>>
    %dma_start3A_6 = arith.constant 0 : i32
    %dma_start3A_7 = arith.constant 0 : i32
    %dma_start3A_8 = tpu.memref_slice %arg2[%dma_start3A_6, %dma_start3A_7] : memref<100000x128xf32, #tpu.memory_space<hbm>> -> memref<100000x128xf32, #tpu.memory_space<hbm>>
    tpu.enqueue_indirect_dma source(%dma_start3A_8 : memref<100000x128xf32, #tpu.memory_space<hbm>>) target(%arg9 : memref<128x128xf32, #tpu.memory_space<vmem>>) offsets(%dma_start3A_5 : memref<128xi32, #tpu.memory_space<vmem>>) semaphore(%arg15 : memref<!tpu.dma_semaphore, #tpu.memory_space<semaphore_mem>>)
    %dma_start3A_9 = arith.constant 1 : i32
    %dma_start3A_10 = arith.constant 0 : i32
    %dma_start3A_11 = tpu.memref_slice %arg8[%dma_start3A_9, %dma_start3A_10] : memref<24x128xi32, #tpu.memory_space<vmem>> -> memref<1x128xi32, #tpu.memory_space<vmem>>
    %dma_start3A_12 = tpu.memref_squeeze %dma_start3A_11 : memref<1x128xi32, #tpu.memory_space<vmem>> -> memref<128xi32, #tpu.memory_space<vmem>>
    %dma_start3A_13 = arith.constant 0 : i32
    %dma_start3A_14 = arith.constant 0 : i32
    %dma_start3A_15 = tpu.memref_slice %arg3[%dma_start3A_13, %dma_start3A_14] : memref<100000x128xf32, #tpu.memory_space<hbm>> -> memref<100000x128xf32, #tpu.memory_space<hbm>>
    tpu.enqueue_indirect_dma source(%dma_start3A_15 : memref<100000x128xf32, #tpu.memory_space<hbm>>) target(%arg10 : memref<128x128xf32, #tpu.memory_space<vmem>>) offsets(%dma_start3A_12 : memref<128xi32, #tpu.memory_space<vmem>>) semaphore(%arg16 : memref<!tpu.dma_semaphore, #tpu.memory_space<semaphore_mem>>)
    %mul3A_16 = arith.constant 128 : i32
    %mul3A_17 = arith.muli %add3A, %mul3A_16 : i32
    %dma_start3A_18 = arith.constant 2 : i32
    %dma_start3A_19 = arith.constant 0 : i32
    %dma_start3A_20 = tpu.memref_slice %arg8[%dma_start3A_18, %dma_start3A_19] : memref<24x128xi32, #tpu.memory_space<vmem>> -> memref<1x128xi32, #tpu.memory_space<vmem>>
    %dma_start3A_21 = tpu.memref_squeeze %dma_start3A_20 : memref<1x128xi32, #tpu.memory_space<vmem>> -> memref<128xi32, #tpu.memory_space<vmem>>
    %dma_start3A_22 = arith.constant 0 : i32
    %dma_start3A_23 = arith.constant 0 : i32
    %dma_start3A_24 = tpu.memref_slice %arg3[%dma_start3A_22, %dma_start3A_23] : memref<100000x128xf32, #tpu.memory_space<hbm>> -> memref<100000x128xf32, #tpu.memory_space<hbm>>
    tpu.enqueue_indirect_dma source(%dma_start3A_24 : memref<100000x128xf32, #tpu.memory_space<hbm>>) target(%arg11 : memref<128x128xf32, #tpu.memory_space<vmem>>) offsets(%dma_start3A_21 : memref<128xi32, #tpu.memory_space<vmem>>) semaphore(%arg19 : memref<!tpu.dma_semaphore, #tpu.memory_space<semaphore_mem>>)
    %dma_start3A_25 = arith.constant 3 : i32
    %dma_start3A_26 = arith.constant 0 : i32
    %dma_start3A_27 = tpu.memref_slice %arg8[%dma_start3A_25, %dma_start3A_26] : memref<24x128xi32, #tpu.memory_space<vmem>> -> memref<1x128xi32, #tpu.memory_space<vmem>>
    %dma_start3A_28 = tpu.memref_squeeze %dma_start3A_27 : memref<1x128xi32, #tpu.memory_space<vmem>> -> memref<128xi32, #tpu.memory_space<vmem>>
    %dma_start3A_29 = arith.constant 0 : i32
    %dma_start3A_30 = arith.constant 0 : i32
    %dma_start3A_31 = tpu.memref_slice %arg3[%dma_start3A_29, %dma_start3A_30] : memref<100000x128xf32, #tpu.memory_space<hbm>> -> memref<100000x128xf32, #tpu.memory_space<hbm>>
    tpu.enqueue_indirect_dma source(%dma_start3A_31 : memref<100000x128xf32, #tpu.memory_space<hbm>>) target(%arg12 : memref<128x128xf32, #tpu.memory_space<vmem>>) offsets(%dma_start3A_28 : memref<128xi32, #tpu.memory_space<vmem>>) semaphore(%arg20 : memref<!tpu.dma_semaphore, #tpu.memory_space<semaphore_mem>>)
    %dma_start3A_32 = arith.constant 4 : i32
    %dma_start3A_33 = arith.constant 0 : i32
    %dma_start3A_34 = tpu.memref_slice %arg8[%dma_start3A_32, %dma_start3A_33] : memref<24x128xi32, #tpu.memory_space<vmem>> -> memref<1x128xi32, #tpu.memory_space<vmem>>
    %dma_start3A_35 = tpu.memref_squeeze %dma_start3A_34 : memref<1x128xi32, #tpu.memory_space<vmem>> -> memref<128xi32, #tpu.memory_space<vmem>>
    %dma_start3A_36 = arith.constant 0 : i32
    %dma_start3A_37 = arith.constant 0 : i32
    %dma_start3A_38 = tpu.memref_slice %arg3[%dma_start3A_36, %dma_start3A_37] : memref<100000x128xf32, #tpu.memory_space<hbm>> -> memref<100000x128xf32, #tpu.memory_space<hbm>>
    tpu.enqueue_indirect_dma source(%dma_start3A_38 : memref<100000x128xf32, #tpu.memory_space<hbm>>) target(%arg13 : memref<128x128xf32, #tpu.memory_space<vmem>>) offsets(%dma_start3A_35 : memref<128xi32, #tpu.memory_space<vmem>>) semaphore(%arg21 : memref<!tpu.dma_semaphore, #tpu.memory_space<semaphore_mem>>)
    %dma_wait3A = arith.constant 2 : i32
    %dma_wait3A_39 = arith.constant 0 : i32
    %dma_wait3A_40 = tpu.memref_slice %arg8[%dma_wait3A, %dma_wait3A_39] : memref<24x128xi32, #tpu.memory_space<vmem>> -> memref<1x128xi32, #tpu.memory_space<vmem>>
    %dma_wait3A_41 = tpu.memref_squeeze %dma_wait3A_40 : memref<1x128xi32, #tpu.memory_space<vmem>> -> memref<128xi32, #tpu.memory_space<vmem>>
    %dma_wait3A_42 = arith.constant 0 : i32
    %dma_wait3A_43 = arith.constant 0 : i32
    %dma_wait3A_44 = tpu.memref_slice %arg3[%dma_wait3A_42, %dma_wait3A_43] : memref<100000x128xf32, #tpu.memory_space<hbm>> -> memref<100000x128xf32, #tpu.memory_space<hbm>>
    tpu.wait_indirect_dma semaphore(%arg19 : memref<!tpu.dma_semaphore, #tpu.memory_space<semaphore_mem>>) src(%dma_wait3A_44 : memref<100000x128xf32, #tpu.memory_space<hbm>>) dst(%arg11 : memref<128x128xf32, #tpu.memory_space<vmem>>)
    %dma_start3A_45 = arith.constant 5 : i32
    %dma_start3A_46 = arith.constant 0 : i32
    %dma_start3A_47 = tpu.memref_slice %arg8[%dma_start3A_45, %dma_start3A_46] : memref<24x128xi32, #tpu.memory_space<vmem>> -> memref<1x128xi32, #tpu.memory_space<vmem>>
    %dma_start3A_48 = tpu.memref_squeeze %dma_start3A_47 : memref<1x128xi32, #tpu.memory_space<vmem>> -> memref<128xi32, #tpu.memory_space<vmem>>
    %dma_start3A_49 = arith.constant 0 : i32
    %dma_start3A_50 = arith.constant 0 : i32
    %dma_start3A_51 = tpu.memref_slice %arg3[%dma_start3A_49, %dma_start3A_50] : memref<100000x128xf32, #tpu.memory_space<hbm>> -> memref<100000x128xf32, #tpu.memory_space<hbm>>
    tpu.enqueue_indirect_dma source(%dma_start3A_51 : memref<100000x128xf32, #tpu.memory_space<hbm>>) target(%arg14 : memref<128x128xf32, #tpu.memory_space<vmem>>) offsets(%dma_start3A_48 : memref<128xi32, #tpu.memory_space<vmem>>) semaphore(%arg22 : memref<!tpu.dma_semaphore, #tpu.memory_space<semaphore_mem>>)
    %add3A_52 = arith.constant 0 : i32
    %add3A_53 = arith.addi %mul3A_17, %add3A_52 : i32
    %dma_start3A_54 = arith.constant 0 : i32
    %dma_start3A_55 = tpu.memref_slice %arg7[%add3A_53, %dma_start3A_54] : memref<81920x128xf32, #tpu.memory_space<hbm>> -> memref<128x128xf32, #tpu.memory_space<hbm>>
    %dma_start3A_56 = arith.constant 0 : i32
    %dma_start3A_57 = tpu.memref_slice %arg7[%add3A_53, %dma_start3A_56] : memref<81920x128xf32, #tpu.memory_space<hbm>> -> memref<128x128xf32, #tpu.memory_space<hbm>>
    tpu.enqueue_dma source(%arg11 : memref<128x128xf32, #tpu.memory_space<vmem>>) target(%dma_start3A_57 : memref<128x128xf32, #tpu.memory_space<hbm>>) target_semaphore(%arg23 : memref<!tpu.dma_semaphore, #tpu.memory_space<semaphore_mem>>)
    %scan3A = arith.constant 0 : i32
    %scan3A_58 = arith.constant 4 : i32
    %scan3A_59 = arith.addi %scan3A, %scan3A_58 : i32
    %scan3A_60 = arith.constant 1 : i32
    scf.for %scan3A_163 = %scan3A to %scan3A_59 step %scan3A_60  : i32 {
      %mul3A_164 = arith.constant 1 : i32
      %mul3A_165 = arith.muli %scan3A_163, %mul3A_164 : i32
      %add3A_166 = arith.constant 0 : i32
      %add3A_167 = arith.addi %add3A_166, %mul3A_165 : i32
      %mul3A_168 = arith.constant 4 : i32
      %mul3A_169 = arith.muli %mul3A_168, %add3A_167 : i32
      %add3A_170 = arith.constant 1 : i32
      %add3A_171 = arith.addi %add3A_170, %mul3A_169 : i32
      %add3A_172 = arith.constant 2 : i32
      %add3A_173 = arith.addi %add3A_172, %add3A_171 : i32
      %dma_wait3A_174 = arith.constant 0 : i32
      %dma_wait3A_175 = tpu.memref_slice %arg8[%add3A_173, %dma_wait3A_174] : memref<24x128xi32, #tpu.memory_space<vmem>> -> memref<1x128xi32, #tpu.memory_space<vmem>>
      %dma_wait3A_176 = tpu.memref_squeeze %dma_wait3A_175 : memref<1x128xi32, #tpu.memory_space<vmem>> -> memref<128xi32, #tpu.memory_space<vmem>>
      %dma_wait3A_177 = arith.constant 0 : i32
      %dma_wait3A_178 = arith.constant 0 : i32
      %dma_wait3A_179 = tpu.memref_slice %arg3[%dma_wait3A_177, %dma_wait3A_178] : memref<100000x128xf32, #tpu.memory_space<hbm>> -> memref<100000x128xf32, #tpu.memory_space<hbm>>
      tpu.wait_indirect_dma semaphore(%arg20 : memref<!tpu.dma_semaphore, #tpu.memory_space<semaphore_mem>>) src(%dma_wait3A_179 : memref<100000x128xf32, #tpu.memory_space<hbm>>) dst(%arg12 : memref<128x128xf32, #tpu.memory_space<vmem>>)
      %sub3A = arith.constant 1 : i32
      %sub3A_180 = arith.subi %add3A_171, %sub3A : i32
      %mul3A_181 = arith.constant 4096 : i32
      %mul3A_182 = arith.muli %sub3A_180, %mul3A_181 : i32
      %add3A_183 = arith.addi %mul3A_17, %mul3A_182 : i32
      %dma_wait3A_184 = arith.constant 0 : i32
      %dma_wait3A_185 = tpu.memref_slice %arg7[%add3A_183, %dma_wait3A_184] : memref<81920x128xf32, #tpu.memory_space<hbm>> -> memref<128x128xf32, #tpu.memory_space<hbm>>
      %dma_wait3A_186 = arith.constant 0 : i32
      %dma_wait3A_187 = tpu.memref_slice %arg7[%add3A_183, %dma_wait3A_186] : memref<81920x128xf32, #tpu.memory_space<hbm>> -> memref<128x128xf32, #tpu.memory_space<hbm>>
      tpu.wait_dma2 semaphore(%arg23 : memref<!tpu.dma_semaphore, #tpu.memory_space<semaphore_mem>>) src(%arg11 : memref<128x128xf32, #tpu.memory_space<vmem>>) dst(%dma_wait3A_187 : memref<128x128xf32, #tpu.memory_space<hbm>>)
      %add3A_188 = arith.constant 3 : i32
      %add3A_189 = arith.addi %add3A_171, %add3A_188 : i32
      %add3A_190 = arith.constant 2 : i32
      %add3A_191 = arith.addi %add3A_190, %add3A_189 : i32
      %dma_start3A_192 = arith.constant 0 : i32
      %dma_start3A_193 = tpu.memref_slice %arg8[%add3A_191, %dma_start3A_192] : memref<24x128xi32, #tpu.memory_space<vmem>> -> memref<1x128xi32, #tpu.memory_space<vmem>>
      %dma_start3A_194 = tpu.memref_squeeze %dma_start3A_193 : memref<1x128xi32, #tpu.memory_space<vmem>> -> memref<128xi32, #tpu.memory_space<vmem>>
      %dma_start3A_195 = arith.constant 0 : i32
      %dma_start3A_196 = arith.constant 0 : i32
      %dma_start3A_197 = tpu.memref_slice %arg3[%dma_start3A_195, %dma_start3A_196] : memref<100000x128xf32, #tpu.memory_space<hbm>> -> memref<100000x128xf32, #tpu.memory_space<hbm>>
      tpu.enqueue_indirect_dma source(%dma_start3A_197 : memref<100000x128xf32, #tpu.memory_space<hbm>>) target(%arg11 : memref<128x128xf32, #tpu.memory_space<vmem>>) offsets(%dma_start3A_194 : memref<128xi32, #tpu.memory_space<vmem>>) semaphore(%arg19 : memref<!tpu.dma_semaphore, #tpu.memory_space<semaphore_mem>>)
      %mul3A_198 = arith.constant 4096 : i32
      %mul3A_199 = arith.muli %add3A_171, %mul3A_198 : i32
      %add3A_200 = arith.addi %mul3A_17, %mul3A_199 : i32
      %dma_start3A_201 = arith.constant 0 : i32
      %dma_start3A_202 = tpu.memref_slice %arg7[%add3A_200, %dma_start3A_201] : memref<81920x128xf32, #tpu.memory_space<hbm>> -> memref<128x128xf32, #tpu.memory_space<hbm>>
      %dma_start3A_203 = arith.constant 0 : i32
      %dma_start3A_204 = tpu.memref_slice %arg7[%add3A_200, %dma_start3A_203] : memref<81920x128xf32, #tpu.memory_space<hbm>> -> memref<128x128xf32, #tpu.memory_space<hbm>>
      tpu.enqueue_dma source(%arg12 : memref<128x128xf32, #tpu.memory_space<vmem>>) target(%dma_start3A_204 : memref<128x128xf32, #tpu.memory_space<hbm>>) target_semaphore(%arg24 : memref<!tpu.dma_semaphore, #tpu.memory_space<semaphore_mem>>)
      %mul3A_205 = arith.constant 4 : i32
      %mul3A_206 = arith.muli %mul3A_205, %add3A_167 : i32
      %add3A_207 = arith.constant 2 : i32
      %add3A_208 = arith.addi %add3A_207, %mul3A_206 : i32
      %add3A_209 = arith.constant 2 : i32
      %add3A_210 = arith.addi %add3A_209, %add3A_208 : i32
      %dma_wait3A_211 = arith.constant 0 : i32
      %dma_wait3A_212 = tpu.memref_slice %arg8[%add3A_210, %dma_wait3A_211] : memref<24x128xi32, #tpu.memory_space<vmem>> -> memref<1x128xi32, #tpu.memory_space<vmem>>
      %dma_wait3A_213 = tpu.memref_squeeze %dma_wait3A_212 : memref<1x128xi32, #tpu.memory_space<vmem>> -> memref<128xi32, #tpu.memory_space<vmem>>
      %dma_wait3A_214 = arith.constant 0 : i32
      %dma_wait3A_215 = arith.constant 0 : i32
      %dma_wait3A_216 = tpu.memref_slice %arg3[%dma_wait3A_214, %dma_wait3A_215] : memref<100000x128xf32, #tpu.memory_space<hbm>> -> memref<100000x128xf32, #tpu.memory_space<hbm>>
      tpu.wait_indirect_dma semaphore(%arg21 : memref<!tpu.dma_semaphore, #tpu.memory_space<semaphore_mem>>) src(%dma_wait3A_216 : memref<100000x128xf32, #tpu.memory_space<hbm>>) dst(%arg13 : memref<128x128xf32, #tpu.memory_space<vmem>>)
      %sub3A_217 = arith.constant 1 : i32
      %sub3A_218 = arith.subi %add3A_208, %sub3A_217 : i32
      %mul3A_219 = arith.constant 4096 : i32
      %mul3A_220 = arith.muli %sub3A_218, %mul3A_219 : i32
      %add3A_221 = arith.addi %mul3A_17, %mul3A_220 : i32
      %dma_wait3A_222 = arith.constant 0 : i32
      %dma_wait3A_223 = tpu.memref_slice %arg7[%add3A_221, %dma_wait3A_222] : memref<81920x128xf32, #tpu.memory_space<hbm>> -> memref<128x128xf32, #tpu.memory_space<hbm>>
      %dma_wait3A_224 = arith.constant 0 : i32
      %dma_wait3A_225 = tpu.memref_slice %arg7[%add3A_221, %dma_wait3A_224] : memref<81920x128xf32, #tpu.memory_space<hbm>> -> memref<128x128xf32, #tpu.memory_space<hbm>>
      tpu.wait_dma2 semaphore(%arg24 : memref<!tpu.dma_semaphore, #tpu.memory_space<semaphore_mem>>) src(%arg12 : memref<128x128xf32, #tpu.memory_space<vmem>>) dst(%dma_wait3A_225 : memref<128x128xf32, #tpu.memory_space<hbm>>)
      %add3A_226 = arith.constant 3 : i32
      %add3A_227 = arith.addi %add3A_208, %add3A_226 : i32
      %add3A_228 = arith.constant 2 : i32
      %add3A_229 = arith.addi %add3A_228, %add3A_227 : i32
      %dma_start3A_230 = arith.constant 0 : i32
      %dma_start3A_231 = tpu.memref_slice %arg8[%add3A_229, %dma_start3A_230] : memref<24x128xi32, #tpu.memory_space<vmem>> -> memref<1x128xi32, #tpu.memory_space<vmem>>
      %dma_start3A_232 = tpu.memref_squeeze %dma_start3A_231 : memref<1x128xi32, #tpu.memory_space<vmem>> -> memref<128xi32, #tpu.memory_space<vmem>>
      %dma_start3A_233 = arith.constant 0 : i32
      %dma_start3A_234 = arith.constant 0 : i32
      %dma_start3A_235 = tpu.memref_slice %arg3[%dma_start3A_233, %dma_start3A_234] : memref<100000x128xf32, #tpu.memory_space<hbm>> -> memref<100000x128xf32, #tpu.memory_space<hbm>>
      tpu.enqueue_indirect_dma source(%dma_start3A_235 : memref<100000x128xf32, #tpu.memory_space<hbm>>) target(%arg12 : memref<128x128xf32, #tpu.memory_space<vmem>>) offsets(%dma_start3A_232 : memref<128xi32, #tpu.memory_space<vmem>>) semaphore(%arg20 : memref<!tpu.dma_semaphore, #tpu.memory_space<semaphore_mem>>)
      %mul3A_236 = arith.constant 4096 : i32
      %mul3A_237 = arith.muli %add3A_208, %mul3A_236 : i32
      %add3A_238 = arith.addi %mul3A_17, %mul3A_237 : i32
      %dma_start3A_239 = arith.constant 0 : i32
      %dma_start3A_240 = tpu.memref_slice %arg7[%add3A_238, %dma_start3A_239] : memref<81920x128xf32, #tpu.memory_space<hbm>> -> memref<128x128xf32, #tpu.memory_space<hbm>>
      %dma_start3A_241 = arith.constant 0 : i32
      %dma_start3A_242 = tpu.memref_slice %arg7[%add3A_238, %dma_start3A_241] : memref<81920x128xf32, #tpu.memory_space<hbm>> -> memref<128x128xf32, #tpu.memory_space<hbm>>
      tpu.enqueue_dma source(%arg13 : memref<128x128xf32, #tpu.memory_space<vmem>>) target(%dma_start3A_242 : memref<128x128xf32, #tpu.memory_space<hbm>>) target_semaphore(%arg25 : memref<!tpu.dma_semaphore, #tpu.memory_space<semaphore_mem>>)
      %mul3A_243 = arith.constant 4 : i32
      %mul3A_244 = arith.muli %mul3A_243, %add3A_167 : i32
      %add3A_245 = arith.constant 3 : i32
      %add3A_246 = arith.addi %add3A_245, %mul3A_244 : i32
      %add3A_247 = arith.constant 2 : i32
      %add3A_248 = arith.addi %add3A_247, %add3A_246 : i32
      %dma_wait3A_249 = arith.constant 0 : i32
      %dma_wait3A_250 = tpu.memref_slice %arg8[%add3A_248, %dma_wait3A_249] : memref<24x128xi32, #tpu.memory_space<vmem>> -> memref<1x128xi32, #tpu.memory_space<vmem>>
      %dma_wait3A_251 = tpu.memref_squeeze %dma_wait3A_250 : memref<1x128xi32, #tpu.memory_space<vmem>> -> memref<128xi32, #tpu.memory_space<vmem>>
      %dma_wait3A_252 = arith.constant 0 : i32
      %dma_wait3A_253 = arith.constant 0 : i32
      %dma_wait3A_254 = tpu.memref_slice %arg3[%dma_wait3A_252, %dma_wait3A_253] : memref<100000x128xf32, #tpu.memory_space<hbm>> -> memref<100000x128xf32, #tpu.memory_space<hbm>>
      tpu.wait_indirect_dma semaphore(%arg22 : memref<!tpu.dma_semaphore, #tpu.memory_space<semaphore_mem>>) src(%dma_wait3A_254 : memref<100000x128xf32, #tpu.memory_space<hbm>>) dst(%arg14 : memref<128x128xf32, #tpu.memory_space<vmem>>)
      %sub3A_255 = arith.constant 1 : i32
      %sub3A_256 = arith.subi %add3A_246, %sub3A_255 : i32
      %mul3A_257 = arith.constant 4096 : i32
      %mul3A_258 = arith.muli %sub3A_256, %mul3A_257 : i32
      %add3A_259 = arith.addi %mul3A_17, %mul3A_258 : i32
      %dma_wait3A_260 = arith.constant 0 : i32
      %dma_wait3A_261 = tpu.memref_slice %arg7[%add3A_259, %dma_wait3A_260] : memref<81920x128xf32, #tpu.memory_space<hbm>> -> memref<128x128xf32, #tpu.memory_space<hbm>>
      %dma_wait3A_262 = arith.constant 0 : i32
      %dma_wait3A_263 = tpu.memref_slice %arg7[%add3A_259, %dma_wait3A_262] : memref<81920x128xf32, #tpu.memory_space<hbm>> -> memref<128x128xf32, #tpu.memory_space<hbm>>
      tpu.wait_dma2 semaphore(%arg25 : memref<!tpu.dma_semaphore, #tpu.memory_space<semaphore_mem>>) src(%arg13 : memref<128x128xf32, #tpu.memory_space<vmem>>) dst(%dma_wait3A_263 : memref<128x128xf32, #tpu.memory_space<hbm>>)
      %add3A_264 = arith.constant 3 : i32
      %add3A_265 = arith.addi %add3A_246, %add3A_264 : i32
      %add3A_266 = arith.constant 2 : i32
      %add3A_267 = arith.addi %add3A_266, %add3A_265 : i32
      %dma_start3A_268 = arith.constant 0 : i32
      %dma_start3A_269 = tpu.memref_slice %arg8[%add3A_267, %dma_start3A_268] : memref<24x128xi32, #tpu.memory_space<vmem>> -> memref<1x128xi32, #tpu.memory_space<vmem>>
      %dma_start3A_270 = tpu.memref_squeeze %dma_start3A_269 : memref<1x128xi32, #tpu.memory_space<vmem>> -> memref<128xi32, #tpu.memory_space<vmem>>
      %dma_start3A_271 = arith.constant 0 : i32
      %dma_start3A_272 = arith.constant 0 : i32
      %dma_start3A_273 = tpu.memref_slice %arg3[%dma_start3A_271, %dma_start3A_272] : memref<100000x128xf32, #tpu.memory_space<hbm>> -> memref<100000x128xf32, #tpu.memory_space<hbm>>
      tpu.enqueue_indirect_dma source(%dma_start3A_273 : memref<100000x128xf32, #tpu.memory_space<hbm>>) target(%arg13 : memref<128x128xf32, #tpu.memory_space<vmem>>) offsets(%dma_start3A_270 : memref<128xi32, #tpu.memory_space<vmem>>) semaphore(%arg21 : memref<!tpu.dma_semaphore, #tpu.memory_space<semaphore_mem>>)
      %mul3A_274 = arith.constant 4096 : i32
      %mul3A_275 = arith.muli %add3A_246, %mul3A_274 : i32
      %add3A_276 = arith.addi %mul3A_17, %mul3A_275 : i32
      %dma_start3A_277 = arith.constant 0 : i32
      %dma_start3A_278 = tpu.memref_slice %arg7[%add3A_276, %dma_start3A_277] : memref<81920x128xf32, #tpu.memory_space<hbm>> -> memref<128x128xf32, #tpu.memory_space<hbm>>
      %dma_start3A_279 = arith.constant 0 : i32
      %dma_start3A_280 = tpu.memref_slice %arg7[%add3A_276, %dma_start3A_279] : memref<81920x128xf32, #tpu.memory_space<hbm>> -> memref<128x128xf32, #tpu.memory_space<hbm>>
      tpu.enqueue_dma source(%arg14 : memref<128x128xf32, #tpu.memory_space<vmem>>) target(%dma_start3A_280 : memref<128x128xf32, #tpu.memory_space<hbm>>) target_semaphore(%arg26 : memref<!tpu.dma_semaphore, #tpu.memory_space<semaphore_mem>>)
      %mul3A_281 = arith.constant 4 : i32
      %mul3A_282 = arith.muli %mul3A_281, %add3A_167 : i32
      %add3A_283 = arith.constant 4 : i32
      %add3A_284 = arith.addi %add3A_283, %mul3A_282 : i32
      %add3A_285 = arith.constant 2 : i32
      %add3A_286 = arith.addi %add3A_285, %add3A_284 : i32
      %dma_wait3A_287 = arith.constant 0 : i32
      %dma_wait3A_288 = tpu.memref_slice %arg8[%add3A_286, %dma_wait3A_287] : memref<24x128xi32, #tpu.memory_space<vmem>> -> memref<1x128xi32, #tpu.memory_space<vmem>>
      %dma_wait3A_289 = tpu.memref_squeeze %dma_wait3A_288 : memref<1x128xi32, #tpu.memory_space<vmem>> -> memref<128xi32, #tpu.memory_space<vmem>>
      %dma_wait3A_290 = arith.constant 0 : i32
      %dma_wait3A_291 = arith.constant 0 : i32
      %dma_wait3A_292 = tpu.memref_slice %arg3[%dma_wait3A_290, %dma_wait3A_291] : memref<100000x128xf32, #tpu.memory_space<hbm>> -> memref<100000x128xf32, #tpu.memory_space<hbm>>
      tpu.wait_indirect_dma semaphore(%arg19 : memref<!tpu.dma_semaphore, #tpu.memory_space<semaphore_mem>>) src(%dma_wait3A_292 : memref<100000x128xf32, #tpu.memory_space<hbm>>) dst(%arg11 : memref<128x128xf32, #tpu.memory_space<vmem>>)
      %sub3A_293 = arith.constant 1 : i32
      %sub3A_294 = arith.subi %add3A_284, %sub3A_293 : i32
      %mul3A_295 = arith.constant 4096 : i32
      %mul3A_296 = arith.muli %sub3A_294, %mul3A_295 : i32
      %add3A_297 = arith.addi %mul3A_17, %mul3A_296 : i32
      %dma_wait3A_298 = arith.constant 0 : i32
      %dma_wait3A_299 = tpu.memref_slice %arg7[%add3A_297, %dma_wait3A_298] : memref<81920x128xf32, #tpu.memory_space<hbm>> -> memref<128x128xf32, #tpu.memory_space<hbm>>
      %dma_wait3A_300 = arith.constant 0 : i32
      %dma_wait3A_301 = tpu.memref_slice %arg7[%add3A_297, %dma_wait3A_300] : memref<81920x128xf32, #tpu.memory_space<hbm>> -> memref<128x128xf32, #tpu.memory_space<hbm>>
      tpu.wait_dma2 semaphore(%arg26 : memref<!tpu.dma_semaphore, #tpu.memory_space<semaphore_mem>>) src(%arg14 : memref<128x128xf32, #tpu.memory_space<vmem>>) dst(%dma_wait3A_301 : memref<128x128xf32, #tpu.memory_space<hbm>>)
      %add3A_302 = arith.constant 3 : i32
      %add3A_303 = arith.addi %add3A_284, %add3A_302 : i32
      %add3A_304 = arith.constant 2 : i32
      %add3A_305 = arith.addi %add3A_304, %add3A_303 : i32
      %dma_start3A_306 = arith.constant 0 : i32
      %dma_start3A_307 = tpu.memref_slice %arg8[%add3A_305, %dma_start3A_306] : memref<24x128xi32, #tpu.memory_space<vmem>> -> memref<1x128xi32, #tpu.memory_space<vmem>>
      %dma_start3A_308 = tpu.memref_squeeze %dma_start3A_307 : memref<1x128xi32, #tpu.memory_space<vmem>> -> memref<128xi32, #tpu.memory_space<vmem>>
      %dma_start3A_309 = arith.constant 0 : i32
      %dma_start3A_310 = arith.constant 0 : i32
      %dma_start3A_311 = tpu.memref_slice %arg3[%dma_start3A_309, %dma_start3A_310] : memref<100000x128xf32, #tpu.memory_space<hbm>> -> memref<100000x128xf32, #tpu.memory_space<hbm>>
      tpu.enqueue_indirect_dma source(%dma_start3A_311 : memref<100000x128xf32, #tpu.memory_space<hbm>>) target(%arg14 : memref<128x128xf32, #tpu.memory_space<vmem>>) offsets(%dma_start3A_308 : memref<128xi32, #tpu.memory_space<vmem>>) semaphore(%arg22 : memref<!tpu.dma_semaphore, #tpu.memory_space<semaphore_mem>>)
      %mul3A_312 = arith.constant 4096 : i32
      %mul3A_313 = arith.muli %add3A_284, %mul3A_312 : i32
      %add3A_314 = arith.addi %mul3A_17, %mul3A_313 : i32
      %dma_start3A_315 = arith.constant 0 : i32
      %dma_start3A_316 = tpu.memref_slice %arg7[%add3A_314, %dma_start3A_315] : memref<81920x128xf32, #tpu.memory_space<hbm>> -> memref<128x128xf32, #tpu.memory_space<hbm>>
      %dma_start3A_317 = arith.constant 0 : i32
      %dma_start3A_318 = tpu.memref_slice %arg7[%add3A_314, %dma_start3A_317] : memref<81920x128xf32, #tpu.memory_space<hbm>> -> memref<128x128xf32, #tpu.memory_space<hbm>>
      tpu.enqueue_dma source(%arg11 : memref<128x128xf32, #tpu.memory_space<vmem>>) target(%dma_start3A_318 : memref<128x128xf32, #tpu.memory_space<hbm>>) target_semaphore(%arg23 : memref<!tpu.dma_semaphore, #tpu.memory_space<semaphore_mem>>)
    }
    %scan3A_61 = arith.constant 4 : i32
    %dma_wait3A_62 = arith.constant 19 : i32
    %dma_wait3A_63 = arith.constant 0 : i32
    %dma_wait3A_64 = tpu.memref_slice %arg8[%dma_wait3A_62, %dma_wait3A_63] : memref<24x128xi32, #tpu.memory_space<vmem>> -> memref<1x128xi32, #tpu.memory_space<vmem>>
    %dma_wait3A_65 = tpu.memref_squeeze %dma_wait3A_64 : memref<1x128xi32, #tpu.memory_space<vmem>> -> memref<128xi32, #tpu.memory_space<vmem>>
    %dma_wait3A_66 = arith.constant 0 : i32
    %dma_wait3A_67 = arith.constant 0 : i32
    %dma_wait3A_68 = tpu.memref_slice %arg3[%dma_wait3A_66, %dma_wait3A_67] : memref<100000x128xf32, #tpu.memory_space<hbm>> -> memref<100000x128xf32, #tpu.memory_space<hbm>>
    tpu.wait_indirect_dma semaphore(%arg20 : memref<!tpu.dma_semaphore, #tpu.memory_space<semaphore_mem>>) src(%dma_wait3A_68 : memref<100000x128xf32, #tpu.memory_space<hbm>>) dst(%arg12 : memref<128x128xf32, #tpu.memory_space<vmem>>)
    %add3A_69 = arith.constant 65536 : i32
    %add3A_70 = arith.addi %mul3A_17, %add3A_69 : i32
    %dma_wait3A_71 = arith.constant 0 : i32
    %dma_wait3A_72 = tpu.memref_slice %arg7[%add3A_70, %dma_wait3A_71] : memref<81920x128xf32, #tpu.memory_space<hbm>> -> memref<128x128xf32, #tpu.memory_space<hbm>>
    %dma_wait3A_73 = arith.constant 0 : i32
    %dma_wait3A_74 = tpu.memref_slice %arg7[%add3A_70, %dma_wait3A_73] : memref<81920x128xf32, #tpu.memory_space<hbm>> -> memref<128x128xf32, #tpu.memory_space<hbm>>
    tpu.wait_dma2 semaphore(%arg23 : memref<!tpu.dma_semaphore, #tpu.memory_space<semaphore_mem>>) src(%arg11 : memref<128x128xf32, #tpu.memory_space<vmem>>) dst(%dma_wait3A_74 : memref<128x128xf32, #tpu.memory_space<hbm>>)
    %add3A_75 = arith.constant 69632 : i32
    %add3A_76 = arith.addi %mul3A_17, %add3A_75 : i32
    %dma_start3A_77 = arith.constant 0 : i32
    %dma_start3A_78 = tpu.memref_slice %arg7[%add3A_76, %dma_start3A_77] : memref<81920x128xf32, #tpu.memory_space<hbm>> -> memref<128x128xf32, #tpu.memory_space<hbm>>
    %dma_start3A_79 = arith.constant 0 : i32
    %dma_start3A_80 = tpu.memref_slice %arg7[%add3A_76, %dma_start3A_79] : memref<81920x128xf32, #tpu.memory_space<hbm>> -> memref<128x128xf32, #tpu.memory_space<hbm>>
    tpu.enqueue_dma source(%arg12 : memref<128x128xf32, #tpu.memory_space<vmem>>) target(%dma_start3A_80 : memref<128x128xf32, #tpu.memory_space<hbm>>) target_semaphore(%arg24 : memref<!tpu.dma_semaphore, #tpu.memory_space<semaphore_mem>>)
    %dma_wait3A_81 = arith.constant 20 : i32
    %dma_wait3A_82 = arith.constant 0 : i32
    %dma_wait3A_83 = tpu.memref_slice %arg8[%dma_wait3A_81, %dma_wait3A_82] : memref<24x128xi32, #tpu.memory_space<vmem>> -> memref<1x128xi32, #tpu.memory_space<vmem>>
    %dma_wait3A_84 = tpu.memref_squeeze %dma_wait3A_83 : memref<1x128xi32, #tpu.memory_space<vmem>> -> memref<128xi32, #tpu.memory_space<vmem>>
    %dma_wait3A_85 = arith.constant 0 : i32
    %dma_wait3A_86 = arith.constant 0 : i32
    %dma_wait3A_87 = tpu.memref_slice %arg3[%dma_wait3A_85, %dma_wait3A_86] : memref<100000x128xf32, #tpu.memory_space<hbm>> -> memref<100000x128xf32, #tpu.memory_space<hbm>>
    tpu.wait_indirect_dma semaphore(%arg21 : memref<!tpu.dma_semaphore, #tpu.memory_space<semaphore_mem>>) src(%dma_wait3A_87 : memref<100000x128xf32, #tpu.memory_space<hbm>>) dst(%arg13 : memref<128x128xf32, #tpu.memory_space<vmem>>)
    %add3A_88 = arith.constant 69632 : i32
    %add3A_89 = arith.addi %mul3A_17, %add3A_88 : i32
    %dma_wait3A_90 = arith.constant 0 : i32
    %dma_wait3A_91 = tpu.memref_slice %arg7[%add3A_89, %dma_wait3A_90] : memref<81920x128xf32, #tpu.memory_space<hbm>> -> memref<128x128xf32, #tpu.memory_space<hbm>>
    %dma_wait3A_92 = arith.constant 0 : i32
    %dma_wait3A_93 = tpu.memref_slice %arg7[%add3A_89, %dma_wait3A_92] : memref<81920x128xf32, #tpu.memory_space<hbm>> -> memref<128x128xf32, #tpu.memory_space<hbm>>
    tpu.wait_dma2 semaphore(%arg24 : memref<!tpu.dma_semaphore, #tpu.memory_space<semaphore_mem>>) src(%arg12 : memref<128x128xf32, #tpu.memory_space<vmem>>) dst(%dma_wait3A_93 : memref<128x128xf32, #tpu.memory_space<hbm>>)
    %add3A_94 = arith.constant 73728 : i32
    %add3A_95 = arith.addi %mul3A_17, %add3A_94 : i32
    %dma_start3A_96 = arith.constant 0 : i32
    %dma_start3A_97 = tpu.memref_slice %arg7[%add3A_95, %dma_start3A_96] : memref<81920x128xf32, #tpu.memory_space<hbm>> -> memref<128x128xf32, #tpu.memory_space<hbm>>
    %dma_start3A_98 = arith.constant 0 : i32
    %dma_start3A_99 = tpu.memref_slice %arg7[%add3A_95, %dma_start3A_98] : memref<81920x128xf32, #tpu.memory_space<hbm>> -> memref<128x128xf32, #tpu.memory_space<hbm>>
    tpu.enqueue_dma source(%arg13 : memref<128x128xf32, #tpu.memory_space<vmem>>) target(%dma_start3A_99 : memref<128x128xf32, #tpu.memory_space<hbm>>) target_semaphore(%arg25 : memref<!tpu.dma_semaphore, #tpu.memory_space<semaphore_mem>>)
    %dma_wait3A_100 = arith.constant 21 : i32
    %dma_wait3A_101 = arith.constant 0 : i32
    %dma_wait3A_102 = tpu.memref_slice %arg8[%dma_wait3A_100, %dma_wait3A_101] : memref<24x128xi32, #tpu.memory_space<vmem>> -> memref<1x128xi32, #tpu.memory_space<vmem>>
    %dma_wait3A_103 = tpu.memref_squeeze %dma_wait3A_102 : memref<1x128xi32, #tpu.memory_space<vmem>> -> memref<128xi32, #tpu.memory_space<vmem>>
    %dma_wait3A_104 = arith.constant 0 : i32
    %dma_wait3A_105 = arith.constant 0 : i32
    %dma_wait3A_106 = tpu.memref_slice %arg3[%dma_wait3A_104, %dma_wait3A_105] : memref<100000x128xf32, #tpu.memory_space<hbm>> -> memref<100000x128xf32, #tpu.memory_space<hbm>>
    tpu.wait_indirect_dma semaphore(%arg22 : memref<!tpu.dma_semaphore, #tpu.memory_space<semaphore_mem>>) src(%dma_wait3A_106 : memref<100000x128xf32, #tpu.memory_space<hbm>>) dst(%arg14 : memref<128x128xf32, #tpu.memory_space<vmem>>)
    %add3A_107 = arith.constant 73728 : i32
    %add3A_108 = arith.addi %mul3A_17, %add3A_107 : i32
    %dma_wait3A_109 = arith.constant 0 : i32
    %dma_wait3A_110 = tpu.memref_slice %arg7[%add3A_108, %dma_wait3A_109] : memref<81920x128xf32, #tpu.memory_space<hbm>> -> memref<128x128xf32, #tpu.memory_space<hbm>>
    %dma_wait3A_111 = arith.constant 0 : i32
    %dma_wait3A_112 = tpu.memref_slice %arg7[%add3A_108, %dma_wait3A_111] : memref<81920x128xf32, #tpu.memory_space<hbm>> -> memref<128x128xf32, #tpu.memory_space<hbm>>
    tpu.wait_dma2 semaphore(%arg25 : memref<!tpu.dma_semaphore, #tpu.memory_space<semaphore_mem>>) src(%arg13 : memref<128x128xf32, #tpu.memory_space<vmem>>) dst(%dma_wait3A_112 : memref<128x128xf32, #tpu.memory_space<hbm>>)
    %add3A_113 = arith.constant 77824 : i32
    %add3A_114 = arith.addi %mul3A_17, %add3A_113 : i32
    %dma_start3A_115 = arith.constant 0 : i32
    %dma_start3A_116 = tpu.memref_slice %arg7[%add3A_114, %dma_start3A_115] : memref<81920x128xf32, #tpu.memory_space<hbm>> -> memref<128x128xf32, #tpu.memory_space<hbm>>
    %dma_start3A_117 = arith.constant 0 : i32
    %dma_start3A_118 = tpu.memref_slice %arg7[%add3A_114, %dma_start3A_117] : memref<81920x128xf32, #tpu.memory_space<hbm>> -> memref<128x128xf32, #tpu.memory_space<hbm>>
    tpu.enqueue_dma source(%arg14 : memref<128x128xf32, #tpu.memory_space<vmem>>) target(%dma_start3A_118 : memref<128x128xf32, #tpu.memory_space<hbm>>) target_semaphore(%arg26 : memref<!tpu.dma_semaphore, #tpu.memory_space<semaphore_mem>>)
    %dma_wait3A_119 = arith.constant 0 : i32
    %dma_wait3A_120 = arith.constant 0 : i32
    %dma_wait3A_121 = tpu.memref_slice %arg8[%dma_wait3A_119, %dma_wait3A_120] : memref<24x128xi32, #tpu.memory_space<vmem>> -> memref<1x128xi32, #tpu.memory_space<vmem>>
    %dma_wait3A_122 = tpu.memref_squeeze %dma_wait3A_121 : memref<1x128xi32, #tpu.memory_space<vmem>> -> memref<128xi32, #tpu.memory_space<vmem>>
    %dma_wait3A_123 = arith.constant 0 : i32
    %dma_wait3A_124 = arith.constant 0 : i32
    %dma_wait3A_125 = tpu.memref_slice %arg2[%dma_wait3A_123, %dma_wait3A_124] : memref<100000x128xf32, #tpu.memory_space<hbm>> -> memref<100000x128xf32, #tpu.memory_space<hbm>>
    tpu.wait_indirect_dma semaphore(%arg15 : memref<!tpu.dma_semaphore, #tpu.memory_space<semaphore_mem>>) src(%dma_wait3A_125 : memref<100000x128xf32, #tpu.memory_space<hbm>>) dst(%arg9 : memref<128x128xf32, #tpu.memory_space<vmem>>)
    %mul3A_126 = arith.constant 128 : i32
    %mul3A_127 = arith.muli %add3A, %mul3A_126 : i32
    %dma_start3A_128 = arith.constant 0 : i32
    %dma_start3A_129 = tpu.memref_slice %arg5[%mul3A_127, %dma_start3A_128] : memref<4096x128xf32, #tpu.memory_space<hbm>> -> memref<128x128xf32, #tpu.memory_space<hbm>>
    %dma_start3A_130 = arith.constant 0 : i32
    %dma_start3A_131 = tpu.memref_slice %arg5[%mul3A_127, %dma_start3A_130] : memref<4096x128xf32, #tpu.memory_space<hbm>> -> memref<128x128xf32, #tpu.memory_space<hbm>>
    tpu.enqueue_dma source(%arg9 : memref<128x128xf32, #tpu.memory_space<vmem>>) target(%dma_start3A_131 : memref<128x128xf32, #tpu.memory_space<hbm>>) target_semaphore(%arg17 : memref<!tpu.dma_semaphore, #tpu.memory_space<semaphore_mem>>)
    %dma_wait3A_132 = arith.constant 1 : i32
    %dma_wait3A_133 = arith.constant 0 : i32
    %dma_wait3A_134 = tpu.memref_slice %arg8[%dma_wait3A_132, %dma_wait3A_133] : memref<24x128xi32, #tpu.memory_space<vmem>> -> memref<1x128xi32, #tpu.memory_space<vmem>>
    %dma_wait3A_135 = tpu.memref_squeeze %dma_wait3A_134 : memref<1x128xi32, #tpu.memory_space<vmem>> -> memref<128xi32, #tpu.memory_space<vmem>>
    %dma_wait3A_136 = arith.constant 0 : i32
    %dma_wait3A_137 = arith.constant 0 : i32
    %dma_wait3A_138 = tpu.memref_slice %arg3[%dma_wait3A_136, %dma_wait3A_137] : memref<100000x128xf32, #tpu.memory_space<hbm>> -> memref<100000x128xf32, #tpu.memory_space<hbm>>
    tpu.wait_indirect_dma semaphore(%arg16 : memref<!tpu.dma_semaphore, #tpu.memory_space<semaphore_mem>>) src(%dma_wait3A_138 : memref<100000x128xf32, #tpu.memory_space<hbm>>) dst(%arg10 : memref<128x128xf32, #tpu.memory_space<vmem>>)
    %mul3A_139 = arith.constant 128 : i32
    %mul3A_140 = arith.muli %add3A, %mul3A_139 : i32
    %dma_start3A_141 = arith.constant 0 : i32
    %dma_start3A_142 = tpu.memref_slice %arg6[%mul3A_140, %dma_start3A_141] : memref<4096x128xf32, #tpu.memory_space<hbm>> -> memref<128x128xf32, #tpu.memory_space<hbm>>
    %dma_start3A_143 = arith.constant 0 : i32
    %dma_start3A_144 = tpu.memref_slice %arg6[%mul3A_140, %dma_start3A_143] : memref<4096x128xf32, #tpu.memory_space<hbm>> -> memref<128x128xf32, #tpu.memory_space<hbm>>
    tpu.enqueue_dma source(%arg10 : memref<128x128xf32, #tpu.memory_space<vmem>>) target(%dma_start3A_144 : memref<128x128xf32, #tpu.memory_space<hbm>>) target_semaphore(%arg18 : memref<!tpu.dma_semaphore, #tpu.memory_space<semaphore_mem>>)
    %add3A_145 = arith.constant 77824 : i32
    %add3A_146 = arith.addi %mul3A_17, %add3A_145 : i32
    %dma_wait3A_147 = arith.constant 0 : i32
    %dma_wait3A_148 = tpu.memref_slice %arg7[%add3A_146, %dma_wait3A_147] : memref<81920x128xf32, #tpu.memory_space<hbm>> -> memref<128x128xf32, #tpu.memory_space<hbm>>
    %dma_wait3A_149 = arith.constant 0 : i32
    %dma_wait3A_150 = tpu.memref_slice %arg7[%add3A_146, %dma_wait3A_149] : memref<81920x128xf32, #tpu.memory_space<hbm>> -> memref<128x128xf32, #tpu.memory_space<hbm>>
    tpu.wait_dma2 semaphore(%arg26 : memref<!tpu.dma_semaphore, #tpu.memory_space<semaphore_mem>>) src(%arg14 : memref<128x128xf32, #tpu.memory_space<vmem>>) dst(%dma_wait3A_150 : memref<128x128xf32, #tpu.memory_space<hbm>>)
    %mul3A_151 = arith.constant 128 : i32
    %mul3A_152 = arith.muli %add3A, %mul3A_151 : i32
    %dma_wait3A_153 = arith.constant 0 : i32
    %dma_wait3A_154 = tpu.memref_slice %arg5[%mul3A_152, %dma_wait3A_153] : memref<4096x128xf32, #tpu.memory_space<hbm>> -> memref<128x128xf32, #tpu.memory_space<hbm>>
    %dma_wait3A_155 = arith.constant 0 : i32
    %dma_wait3A_156 = tpu.memref_slice %arg5[%mul3A_152, %dma_wait3A_155] : memref<4096x128xf32, #tpu.memory_space<hbm>> -> memref<128x128xf32, #tpu.memory_space<hbm>>
    tpu.wait_dma2 semaphore(%arg17 : memref<!tpu.dma_semaphore, #tpu.memory_space<semaphore_mem>>) src(%arg9 : memref<128x128xf32, #tpu.memory_space<vmem>>) dst(%dma_wait3A_156 : memref<128x128xf32, #tpu.memory_space<hbm>>)
    %mul3A_157 = arith.constant 128 : i32
    %mul3A_158 = arith.muli %add3A, %mul3A_157 : i32
    %dma_wait3A_159 = arith.constant 0 : i32
    %dma_wait3A_160 = tpu.memref_slice %arg6[%mul3A_158, %dma_wait3A_159] : memref<4096x128xf32, #tpu.memory_space<hbm>> -> memref<128x128xf32, #tpu.memory_space<hbm>>
    %dma_wait3A_161 = arith.constant 0 : i32
    %dma_wait3A_162 = tpu.memref_slice %arg6[%mul3A_158, %dma_wait3A_161] : memref<4096x128xf32, #tpu.memory_space<hbm>> -> memref<128x128xf32, #tpu.memory_space<hbm>>
    tpu.wait_dma2 semaphore(%arg18 : memref<!tpu.dma_semaphore, #tpu.memory_space<semaphore_mem>>) src(%arg10 : memref<128x128xf32, #tpu.memory_space<vmem>>) dst(%dma_wait3A_162 : memref<128x128xf32, #tpu.memory_space<hbm>>)
    return
  }
}

#map = affine_map<(d0, d1) -> (0, 0)>
module attributes {stable_mosaic.version = 14 : i64} {
  func.func @_sc_gather(%arg0: i32, %arg1: i32, %arg2: memref<100000x128xf32, #tpu.memory_space<hbm>>, %arg3: memref<100000x128xf32, #tpu.memory_space<hbm>>, %arg4: memref<768x128xi32, #tpu.memory_space<hbm>>, %arg5: memref<4096x128xf32, #tpu.memory_space<hbm>>, %arg6: memref<4096x128xf32, #tpu.memory_space<hbm>>, %arg7: memref<81920x128xf32, #tpu.memory_space<hbm>>, %arg8: memref<24x128xi32, #tpu.memory_space<vmem>>, %arg9: memref<128x128xf32, #tpu.memory_space<vmem>>, %arg10: memref<128x128xf32, #tpu.memory_space<vmem>>, %arg11: memref<128x128xf32, #tpu.memory_space<vmem>>, %arg12: memref<128x128xf32, #tpu.memory_space<vmem>>, %arg13: memref<128x128xf32, #tpu.memory_space<vmem>>, %arg14: memref<128x128xf32, #tpu.memory_space<vmem>>, %arg15: memref<!tpu.dma_semaphore, #tpu.memory_space<semaphore_mem>>, %arg16: memref<!tpu.dma_semaphore, #tpu.memory_space<semaphore_mem>>, %arg17: memref<!tpu.dma_semaphore, #tpu.memory_space<semaphore_mem>>, %arg18: memref<!tpu.dma_semaphore, #tpu.memory_space<semaphore_mem>>, %arg19: memref<!tpu.dma_semaphore, #tpu.memory_space<semaphore_mem>>, %arg20: memref<!tpu.dma_semaphore, #tpu.memory_space<semaphore_mem>>, %arg21: memref<!tpu.dma_semaphore, #tpu.memory_space<semaphore_mem>>, %arg22: memref<!tpu.dma_semaphore, #tpu.memory_space<semaphore_mem>>, %arg23: memref<!tpu.dma_semaphore, #tpu.memory_space<semaphore_mem>>, %arg24: memref<!tpu.dma_semaphore, #tpu.memory_space<semaphore_mem>>, %arg25: memref<!tpu.dma_semaphore, #tpu.memory_space<semaphore_mem>>, %arg26: memref<!tpu.dma_semaphore, #tpu.memory_space<semaphore_mem>>) attributes {dimension_semantics = [#tpu.dimension_semantics<core_parallel>, #tpu.dimension_semantics<subcore_parallel>], iteration_bounds = array<i64: 2, 16>, scalar_prefetch = 0 : i64, scratch_operands = 19 : i64, tpu.core_type = #tpu.core_type<sc_vector_subcore>, window_params = [{transform_indices = #map}, {transform_indices = #map}, {transform_indices = #map}, {transform_indices = #map}, {transform_indices = #map}, {transform_indices = #map}]} {
    %mul3A = arith.constant 2 : i32
    %mul3A_0 = arith.muli %arg1, %mul3A : i32
    %add3A = arith.addi %mul3A_0, %arg0 : i32
    %mul3A_1 = arith.constant 24 : i32
    %mul3A_2 = arith.muli %add3A, %mul3A_1 : i32
    "tpu.region"() ({
      %run_scoped3A = tpu.sem_alloc : memref<!tpu.dma_semaphore, #tpu.memory_space<semaphore_mem>>
      %dma_start3A_163 = arith.constant 0 : i32
      %dma_start3A_164 = tpu.memref_slice %arg4[%mul3A_2, %dma_start3A_163] : memref<768x128xi32, #tpu.memory_space<hbm>> -> memref<24x128xi32, #tpu.memory_space<hbm>>
      %dma_start3A_165 = arith.constant 0 : i32
      %dma_start3A_166 = tpu.memref_slice %arg4[%mul3A_2, %dma_start3A_165] : memref<768x128xi32, #tpu.memory_space<hbm>> -> memref<24x128xi32, #tpu.memory_space<hbm>>
      tpu.enqueue_dma source(%dma_start3A_166 : memref<24x128xi32, #tpu.memory_space<hbm>>) target(%arg8 : memref<24x128xi32, #tpu.memory_space<vmem>>) target_semaphore(%run_scoped3A : memref<!tpu.dma_semaphore, #tpu.memory_space<semaphore_mem>>)
      %dma_wait3A_167 = arith.constant 0 : i32
      %dma_wait3A_168 = tpu.memref_slice %arg4[%mul3A_2, %dma_wait3A_167] : memref<768x128xi32, #tpu.memory_space<hbm>> -> memref<24x128xi32, #tpu.memory_space<hbm>>
      %dma_wait3A_169 = arith.constant 0 : i32
      %dma_wait3A_170 = tpu.memref_slice %arg4[%mul3A_2, %dma_wait3A_169] : memref<768x128xi32, #tpu.memory_space<hbm>> -> memref<24x128xi32, #tpu.memory_space<hbm>>
      tpu.wait_dma2 semaphore(%run_scoped3A : memref<!tpu.dma_semaphore, #tpu.memory_space<semaphore_mem>>) src(%dma_wait3A_170 : memref<24x128xi32, #tpu.memory_space<hbm>>) dst(%arg8 : memref<24x128xi32, #tpu.memory_space<vmem>>)
      tpu.yield
    }) : () -> ()
    %dma_start3A = arith.constant 0 : i32
    %dma_start3A_3 = arith.constant 0 : i32
    %dma_start3A_4 = tpu.memref_slice %arg8[%dma_start3A, %dma_start3A_3] : memref<24x128xi32, #tpu.memory_space<vmem>> -> memref<1x128xi32, #tpu.memory_space<vmem>>
    %dma_start3A_5 = tpu.memref_squeeze %dma_start3A_4 : memref<1x128xi32, #tpu.memory_space<vmem>> -> memref<128xi32, #tpu.memory_space<vmem>>
    %dma_start3A_6 = arith.constant 0 : i32
    %dma_start3A_7 = arith.constant 0 : i32
    %dma_start3A_8 = tpu.memref_slice %arg2[%dma_start3A_6, %dma_start3A_7] : memref<100000x128xf32, #tpu.memory_space<hbm>> -> memref<100000x128xf32, #tpu.memory_space<hbm>>
    tpu.enqueue_indirect_dma source(%dma_start3A_8 : memref<100000x128xf32, #tpu.memory_space<hbm>>) target(%arg9 : memref<128x128xf32, #tpu.memory_space<vmem>>) offsets(%dma_start3A_5 : memref<128xi32, #tpu.memory_space<vmem>>) semaphore(%arg15 : memref<!tpu.dma_semaphore, #tpu.memory_space<semaphore_mem>>)
    %dma_start3A_9 = arith.constant 1 : i32
    %dma_start3A_10 = arith.constant 0 : i32
    %dma_start3A_11 = tpu.memref_slice %arg8[%dma_start3A_9, %dma_start3A_10] : memref<24x128xi32, #tpu.memory_space<vmem>> -> memref<1x128xi32, #tpu.memory_space<vmem>>
    %dma_start3A_12 = tpu.memref_squeeze %dma_start3A_11 : memref<1x128xi32, #tpu.memory_space<vmem>> -> memref<128xi32, #tpu.memory_space<vmem>>
    %dma_start3A_13 = arith.constant 0 : i32
    %dma_start3A_14 = arith.constant 0 : i32
    %dma_start3A_15 = tpu.memref_slice %arg3[%dma_start3A_13, %dma_start3A_14] : memref<100000x128xf32, #tpu.memory_space<hbm>> -> memref<100000x128xf32, #tpu.memory_space<hbm>>
    tpu.enqueue_indirect_dma source(%dma_start3A_15 : memref<100000x128xf32, #tpu.memory_space<hbm>>) target(%arg10 : memref<128x128xf32, #tpu.memory_space<vmem>>) offsets(%dma_start3A_12 : memref<128xi32, #tpu.memory_space<vmem>>) semaphore(%arg16 : memref<!tpu.dma_semaphore, #tpu.memory_space<semaphore_mem>>)
    %mul3A_16 = arith.constant 128 : i32
    %mul3A_17 = arith.muli %add3A, %mul3A_16 : i32
    %dma_start3A_18 = arith.constant 2 : i32
    %dma_start3A_19 = arith.constant 0 : i32
    %dma_start3A_20 = tpu.memref_slice %arg8[%dma_start3A_18, %dma_start3A_19] : memref<24x128xi32, #tpu.memory_space<vmem>> -> memref<1x128xi32, #tpu.memory_space<vmem>>
    %dma_start3A_21 = tpu.memref_squeeze %dma_start3A_20 : memref<1x128xi32, #tpu.memory_space<vmem>> -> memref<128xi32, #tpu.memory_space<vmem>>
    %dma_start3A_22 = arith.constant 0 : i32
    %dma_start3A_23 = arith.constant 0 : i32
    %dma_start3A_24 = tpu.memref_slice %arg3[%dma_start3A_22, %dma_start3A_23] : memref<100000x128xf32, #tpu.memory_space<hbm>> -> memref<100000x128xf32, #tpu.memory_space<hbm>>
    tpu.enqueue_indirect_dma source(%dma_start3A_24 : memref<100000x128xf32, #tpu.memory_space<hbm>>) target(%arg11 : memref<128x128xf32, #tpu.memory_space<vmem>>) offsets(%dma_start3A_21 : memref<128xi32, #tpu.memory_space<vmem>>) semaphore(%arg19 : memref<!tpu.dma_semaphore, #tpu.memory_space<semaphore_mem>>)
    %dma_start3A_25 = arith.constant 3 : i32
    %dma_start3A_26 = arith.constant 0 : i32
    %dma_start3A_27 = tpu.memref_slice %arg8[%dma_start3A_25, %dma_start3A_26] : memref<24x128xi32, #tpu.memory_space<vmem>> -> memref<1x128xi32, #tpu.memory_space<vmem>>
    %dma_start3A_28 = tpu.memref_squeeze %dma_start3A_27 : memref<1x128xi32, #tpu.memory_space<vmem>> -> memref<128xi32, #tpu.memory_space<vmem>>
    %dma_start3A_29 = arith.constant 0 : i32
    %dma_start3A_30 = arith.constant 0 : i32
    %dma_start3A_31 = tpu.memref_slice %arg3[%dma_start3A_29, %dma_start3A_30] : memref<100000x128xf32, #tpu.memory_space<hbm>> -> memref<100000x128xf32, #tpu.memory_space<hbm>>
    tpu.enqueue_indirect_dma source(%dma_start3A_31 : memref<100000x128xf32, #tpu.memory_space<hbm>>) target(%arg12 : memref<128x128xf32, #tpu.memory_space<vmem>>) offsets(%dma_start3A_28 : memref<128xi32, #tpu.memory_space<vmem>>) semaphore(%arg20 : memref<!tpu.dma_semaphore, #tpu.memory_space<semaphore_mem>>)
    %dma_start3A_32 = arith.constant 4 : i32
    %dma_start3A_33 = arith.constant 0 : i32
    %dma_start3A_34 = tpu.memref_slice %arg8[%dma_start3A_32, %dma_start3A_33] : memref<24x128xi32, #tpu.memory_space<vmem>> -> memref<1x128xi32, #tpu.memory_space<vmem>>
    %dma_start3A_35 = tpu.memref_squeeze %dma_start3A_34 : memref<1x128xi32, #tpu.memory_space<vmem>> -> memref<128xi32, #tpu.memory_space<vmem>>
    %dma_start3A_36 = arith.constant 0 : i32
    %dma_start3A_37 = arith.constant 0 : i32
    %dma_start3A_38 = tpu.memref_slice %arg3[%dma_start3A_36, %dma_start3A_37] : memref<100000x128xf32, #tpu.memory_space<hbm>> -> memref<100000x128xf32, #tpu.memory_space<hbm>>
    tpu.enqueue_indirect_dma source(%dma_start3A_38 : memref<100000x128xf32, #tpu.memory_space<hbm>>) target(%arg13 : memref<128x128xf32, #tpu.memory_space<vmem>>) offsets(%dma_start3A_35 : memref<128xi32, #tpu.memory_space<vmem>>) semaphore(%arg21 : memref<!tpu.dma_semaphore, #tpu.memory_space<semaphore_mem>>)
    %dma_wait3A = arith.constant 2 : i32
    %dma_wait3A_39 = arith.constant 0 : i32
    %dma_wait3A_40 = tpu.memref_slice %arg8[%dma_wait3A, %dma_wait3A_39] : memref<24x128xi32, #tpu.memory_space<vmem>> -> memref<1x128xi32, #tpu.memory_space<vmem>>
    %dma_wait3A_41 = tpu.memref_squeeze %dma_wait3A_40 : memref<1x128xi32, #tpu.memory_space<vmem>> -> memref<128xi32, #tpu.memory_space<vmem>>
    %dma_wait3A_42 = arith.constant 0 : i32
    %dma_wait3A_43 = arith.constant 0 : i32
    %dma_wait3A_44 = tpu.memref_slice %arg3[%dma_wait3A_42, %dma_wait3A_43] : memref<100000x128xf32, #tpu.memory_space<hbm>> -> memref<100000x128xf32, #tpu.memory_space<hbm>>
    tpu.wait_indirect_dma semaphore(%arg19 : memref<!tpu.dma_semaphore, #tpu.memory_space<semaphore_mem>>) src(%dma_wait3A_44 : memref<100000x128xf32, #tpu.memory_space<hbm>>) dst(%arg11 : memref<128x128xf32, #tpu.memory_space<vmem>>)
    %dma_start3A_45 = arith.constant 5 : i32
    %dma_start3A_46 = arith.constant 0 : i32
    %dma_start3A_47 = tpu.memref_slice %arg8[%dma_start3A_45, %dma_start3A_46] : memref<24x128xi32, #tpu.memory_space<vmem>> -> memref<1x128xi32, #tpu.memory_space<vmem>>
    %dma_start3A_48 = tpu.memref_squeeze %dma_start3A_47 : memref<1x128xi32, #tpu.memory_space<vmem>> -> memref<128xi32, #tpu.memory_space<vmem>>
    %dma_start3A_49 = arith.constant 0 : i32
    %dma_start3A_50 = arith.constant 0 : i32
    %dma_start3A_51 = tpu.memref_slice %arg3[%dma_start3A_49, %dma_start3A_50] : memref<100000x128xf32, #tpu.memory_space<hbm>> -> memref<100000x128xf32, #tpu.memory_space<hbm>>
    tpu.enqueue_indirect_dma source(%dma_start3A_51 : memref<100000x128xf32, #tpu.memory_space<hbm>>) target(%arg14 : memref<128x128xf32, #tpu.memory_space<vmem>>) offsets(%dma_start3A_48 : memref<128xi32, #tpu.memory_space<vmem>>) semaphore(%arg22 : memref<!tpu.dma_semaphore, #tpu.memory_space<semaphore_mem>>)
    %add3A_52 = arith.constant 0 : i32
    %add3A_53 = arith.addi %mul3A_17, %add3A_52 : i32
    %dma_start3A_54 = arith.constant 0 : i32
    %dma_start3A_55 = tpu.memref_slice %arg7[%add3A_53, %dma_start3A_54] : memref<81920x128xf32, #tpu.memory_space<hbm>> -> memref<128x128xf32, #tpu.memory_space<hbm>>
    %dma_start3A_56 = arith.constant 0 : i32
    %dma_start3A_57 = tpu.memref_slice %arg7[%add3A_53, %dma_start3A_56] : memref<81920x128xf32, #tpu.memory_space<hbm>> -> memref<128x128xf32, #tpu.memory_space<hbm>>
    tpu.enqueue_dma source(%arg11 : memref<128x128xf32, #tpu.memory_space<vmem>>) target(%dma_start3A_57 : memref<128x128xf32, #tpu.memory_space<hbm>>) target_semaphore(%arg23 : memref<!tpu.dma_semaphore, #tpu.memory_space<semaphore_mem>>)
    %scan3A = arith.constant 0 : i32
    %scan3A_58 = arith.constant 4 : i32
    %scan3A_59 = arith.addi %scan3A, %scan3A_58 : i32
    %scan3A_60 = arith.constant 1 : i32
    scf.for %scan3A_163 = %scan3A to %scan3A_59 step %scan3A_60  : i32 {
      %mul3A_164 = arith.constant 1 : i32
      %mul3A_165 = arith.muli %scan3A_163, %mul3A_164 : i32
      %add3A_166 = arith.constant 0 : i32
      %add3A_167 = arith.addi %add3A_166, %mul3A_165 : i32
      %mul3A_168 = arith.constant 4 : i32
      %mul3A_169 = arith.muli %mul3A_168, %add3A_167 : i32
      %add3A_170 = arith.constant 1 : i32
      %add3A_171 = arith.addi %add3A_170, %mul3A_169 : i32
      %add3A_172 = arith.constant 2 : i32
      %add3A_173 = arith.addi %add3A_172, %add3A_171 : i32
      %dma_wait3A_174 = arith.constant 0 : i32
      %dma_wait3A_175 = tpu.memref_slice %arg8[%add3A_173, %dma_wait3A_174] : memref<24x128xi32, #tpu.memory_space<vmem>> -> memref<1x128xi32, #tpu.memory_space<vmem>>
      %dma_wait3A_176 = tpu.memref_squeeze %dma_wait3A_175 : memref<1x128xi32, #tpu.memory_space<vmem>> -> memref<128xi32, #tpu.memory_space<vmem>>
      %dma_wait3A_177 = arith.constant 0 : i32
      %dma_wait3A_178 = arith.constant 0 : i32
      %dma_wait3A_179 = tpu.memref_slice %arg3[%dma_wait3A_177, %dma_wait3A_178] : memref<100000x128xf32, #tpu.memory_space<hbm>> -> memref<100000x128xf32, #tpu.memory_space<hbm>>
      tpu.wait_indirect_dma semaphore(%arg20 : memref<!tpu.dma_semaphore, #tpu.memory_space<semaphore_mem>>) src(%dma_wait3A_179 : memref<100000x128xf32, #tpu.memory_space<hbm>>) dst(%arg12 : memref<128x128xf32, #tpu.memory_space<vmem>>)
      %sub3A = arith.constant 1 : i32
      %sub3A_180 = arith.subi %add3A_171, %sub3A : i32
      %mul3A_181 = arith.constant 4096 : i32
      %mul3A_182 = arith.muli %sub3A_180, %mul3A_181 : i32
      %add3A_183 = arith.addi %mul3A_17, %mul3A_182 : i32
      %dma_wait3A_184 = arith.constant 0 : i32
      %dma_wait3A_185 = tpu.memref_slice %arg7[%add3A_183, %dma_wait3A_184] : memref<81920x128xf32, #tpu.memory_space<hbm>> -> memref<128x128xf32, #tpu.memory_space<hbm>>
      %dma_wait3A_186 = arith.constant 0 : i32
      %dma_wait3A_187 = tpu.memref_slice %arg7[%add3A_183, %dma_wait3A_186] : memref<81920x128xf32, #tpu.memory_space<hbm>> -> memref<128x128xf32, #tpu.memory_space<hbm>>
      tpu.wait_dma2 semaphore(%arg23 : memref<!tpu.dma_semaphore, #tpu.memory_space<semaphore_mem>>) src(%arg11 : memref<128x128xf32, #tpu.memory_space<vmem>>) dst(%dma_wait3A_187 : memref<128x128xf32, #tpu.memory_space<hbm>>)
      %add3A_188 = arith.constant 3 : i32
      %add3A_189 = arith.addi %add3A_171, %add3A_188 : i32
      %add3A_190 = arith.constant 2 : i32
      %add3A_191 = arith.addi %add3A_190, %add3A_189 : i32
      %dma_start3A_192 = arith.constant 0 : i32
      %dma_start3A_193 = tpu.memref_slice %arg8[%add3A_191, %dma_start3A_192] : memref<24x128xi32, #tpu.memory_space<vmem>> -> memref<1x128xi32, #tpu.memory_space<vmem>>
      %dma_start3A_194 = tpu.memref_squeeze %dma_start3A_193 : memref<1x128xi32, #tpu.memory_space<vmem>> -> memref<128xi32, #tpu.memory_space<vmem>>
      %dma_start3A_195 = arith.constant 0 : i32
      %dma_start3A_196 = arith.constant 0 : i32
      %dma_start3A_197 = tpu.memref_slice %arg3[%dma_start3A_195, %dma_start3A_196] : memref<100000x128xf32, #tpu.memory_space<hbm>> -> memref<100000x128xf32, #tpu.memory_space<hbm>>
      tpu.enqueue_indirect_dma source(%dma_start3A_197 : memref<100000x128xf32, #tpu.memory_space<hbm>>) target(%arg11 : memref<128x128xf32, #tpu.memory_space<vmem>>) offsets(%dma_start3A_194 : memref<128xi32, #tpu.memory_space<vmem>>) semaphore(%arg19 : memref<!tpu.dma_semaphore, #tpu.memory_space<semaphore_mem>>)
      %mul3A_198 = arith.constant 4096 : i32
      %mul3A_199 = arith.muli %add3A_171, %mul3A_198 : i32
      %add3A_200 = arith.addi %mul3A_17, %mul3A_199 : i32
      %dma_start3A_201 = arith.constant 0 : i32
      %dma_start3A_202 = tpu.memref_slice %arg7[%add3A_200, %dma_start3A_201] : memref<81920x128xf32, #tpu.memory_space<hbm>> -> memref<128x128xf32, #tpu.memory_space<hbm>>
      %dma_start3A_203 = arith.constant 0 : i32
      %dma_start3A_204 = tpu.memref_slice %arg7[%add3A_200, %dma_start3A_203] : memref<81920x128xf32, #tpu.memory_space<hbm>> -> memref<128x128xf32, #tpu.memory_space<hbm>>
      tpu.enqueue_dma source(%arg12 : memref<128x128xf32, #tpu.memory_space<vmem>>) target(%dma_start3A_204 : memref<128x128xf32, #tpu.memory_space<hbm>>) target_semaphore(%arg24 : memref<!tpu.dma_semaphore, #tpu.memory_space<semaphore_mem>>)
      %mul3A_205 = arith.constant 4 : i32
      %mul3A_206 = arith.muli %mul3A_205, %add3A_167 : i32
      %add3A_207 = arith.constant 2 : i32
      %add3A_208 = arith.addi %add3A_207, %mul3A_206 : i32
      %add3A_209 = arith.constant 2 : i32
      %add3A_210 = arith.addi %add3A_209, %add3A_208 : i32
      %dma_wait3A_211 = arith.constant 0 : i32
      %dma_wait3A_212 = tpu.memref_slice %arg8[%add3A_210, %dma_wait3A_211] : memref<24x128xi32, #tpu.memory_space<vmem>> -> memref<1x128xi32, #tpu.memory_space<vmem>>
      %dma_wait3A_213 = tpu.memref_squeeze %dma_wait3A_212 : memref<1x128xi32, #tpu.memory_space<vmem>> -> memref<128xi32, #tpu.memory_space<vmem>>
      %dma_wait3A_214 = arith.constant 0 : i32
      %dma_wait3A_215 = arith.constant 0 : i32
      %dma_wait3A_216 = tpu.memref_slice %arg3[%dma_wait3A_214, %dma_wait3A_215] : memref<100000x128xf32, #tpu.memory_space<hbm>> -> memref<100000x128xf32, #tpu.memory_space<hbm>>
      tpu.wait_indirect_dma semaphore(%arg21 : memref<!tpu.dma_semaphore, #tpu.memory_space<semaphore_mem>>) src(%dma_wait3A_216 : memref<100000x128xf32, #tpu.memory_space<hbm>>) dst(%arg13 : memref<128x128xf32, #tpu.memory_space<vmem>>)
      %sub3A_217 = arith.constant 1 : i32
      %sub3A_218 = arith.subi %add3A_208, %sub3A_217 : i32
      %mul3A_219 = arith.constant 4096 : i32
      %mul3A_220 = arith.muli %sub3A_218, %mul3A_219 : i32
      %add3A_221 = arith.addi %mul3A_17, %mul3A_220 : i32
      %dma_wait3A_222 = arith.constant 0 : i32
      %dma_wait3A_223 = tpu.memref_slice %arg7[%add3A_221, %dma_wait3A_222] : memref<81920x128xf32, #tpu.memory_space<hbm>> -> memref<128x128xf32, #tpu.memory_space<hbm>>
      %dma_wait3A_224 = arith.constant 0 : i32
      %dma_wait3A_225 = tpu.memref_slice %arg7[%add3A_221, %dma_wait3A_224] : memref<81920x128xf32, #tpu.memory_space<hbm>> -> memref<128x128xf32, #tpu.memory_space<hbm>>
      tpu.wait_dma2 semaphore(%arg24 : memref<!tpu.dma_semaphore, #tpu.memory_space<semaphore_mem>>) src(%arg12 : memref<128x128xf32, #tpu.memory_space<vmem>>) dst(%dma_wait3A_225 : memref<128x128xf32, #tpu.memory_space<hbm>>)
      %add3A_226 = arith.constant 3 : i32
      %add3A_227 = arith.addi %add3A_208, %add3A_226 : i32
      %add3A_228 = arith.constant 2 : i32
      %add3A_229 = arith.addi %add3A_228, %add3A_227 : i32
      %dma_start3A_230 = arith.constant 0 : i32
      %dma_start3A_231 = tpu.memref_slice %arg8[%add3A_229, %dma_start3A_230] : memref<24x128xi32, #tpu.memory_space<vmem>> -> memref<1x128xi32, #tpu.memory_space<vmem>>
      %dma_start3A_232 = tpu.memref_squeeze %dma_start3A_231 : memref<1x128xi32, #tpu.memory_space<vmem>> -> memref<128xi32, #tpu.memory_space<vmem>>
      %dma_start3A_233 = arith.constant 0 : i32
      %dma_start3A_234 = arith.constant 0 : i32
      %dma_start3A_235 = tpu.memref_slice %arg3[%dma_start3A_233, %dma_start3A_234] : memref<100000x128xf32, #tpu.memory_space<hbm>> -> memref<100000x128xf32, #tpu.memory_space<hbm>>
      tpu.enqueue_indirect_dma source(%dma_start3A_235 : memref<100000x128xf32, #tpu.memory_space<hbm>>) target(%arg12 : memref<128x128xf32, #tpu.memory_space<vmem>>) offsets(%dma_start3A_232 : memref<128xi32, #tpu.memory_space<vmem>>) semaphore(%arg20 : memref<!tpu.dma_semaphore, #tpu.memory_space<semaphore_mem>>)
      %mul3A_236 = arith.constant 4096 : i32
      %mul3A_237 = arith.muli %add3A_208, %mul3A_236 : i32
      %add3A_238 = arith.addi %mul3A_17, %mul3A_237 : i32
      %dma_start3A_239 = arith.constant 0 : i32
      %dma_start3A_240 = tpu.memref_slice %arg7[%add3A_238, %dma_start3A_239] : memref<81920x128xf32, #tpu.memory_space<hbm>> -> memref<128x128xf32, #tpu.memory_space<hbm>>
      %dma_start3A_241 = arith.constant 0 : i32
      %dma_start3A_242 = tpu.memref_slice %arg7[%add3A_238, %dma_start3A_241] : memref<81920x128xf32, #tpu.memory_space<hbm>> -> memref<128x128xf32, #tpu.memory_space<hbm>>
      tpu.enqueue_dma source(%arg13 : memref<128x128xf32, #tpu.memory_space<vmem>>) target(%dma_start3A_242 : memref<128x128xf32, #tpu.memory_space<hbm>>) target_semaphore(%arg25 : memref<!tpu.dma_semaphore, #tpu.memory_space<semaphore_mem>>)
      %mul3A_243 = arith.constant 4 : i32
      %mul3A_244 = arith.muli %mul3A_243, %add3A_167 : i32
      %add3A_245 = arith.constant 3 : i32
      %add3A_246 = arith.addi %add3A_245, %mul3A_244 : i32
      %add3A_247 = arith.constant 2 : i32
      %add3A_248 = arith.addi %add3A_247, %add3A_246 : i32
      %dma_wait3A_249 = arith.constant 0 : i32
      %dma_wait3A_250 = tpu.memref_slice %arg8[%add3A_248, %dma_wait3A_249] : memref<24x128xi32, #tpu.memory_space<vmem>> -> memref<1x128xi32, #tpu.memory_space<vmem>>
      %dma_wait3A_251 = tpu.memref_squeeze %dma_wait3A_250 : memref<1x128xi32, #tpu.memory_space<vmem>> -> memref<128xi32, #tpu.memory_space<vmem>>
      %dma_wait3A_252 = arith.constant 0 : i32
      %dma_wait3A_253 = arith.constant 0 : i32
      %dma_wait3A_254 = tpu.memref_slice %arg3[%dma_wait3A_252, %dma_wait3A_253] : memref<100000x128xf32, #tpu.memory_space<hbm>> -> memref<100000x128xf32, #tpu.memory_space<hbm>>
      tpu.wait_indirect_dma semaphore(%arg22 : memref<!tpu.dma_semaphore, #tpu.memory_space<semaphore_mem>>) src(%dma_wait3A_254 : memref<100000x128xf32, #tpu.memory_space<hbm>>) dst(%arg14 : memref<128x128xf32, #tpu.memory_space<vmem>>)
      %sub3A_255 = arith.constant 1 : i32
      %sub3A_256 = arith.subi %add3A_246, %sub3A_255 : i32
      %mul3A_257 = arith.constant 4096 : i32
      %mul3A_258 = arith.muli %sub3A_256, %mul3A_257 : i32
      %add3A_259 = arith.addi %mul3A_17, %mul3A_258 : i32
      %dma_wait3A_260 = arith.constant 0 : i32
      %dma_wait3A_261 = tpu.memref_slice %arg7[%add3A_259, %dma_wait3A_260] : memref<81920x128xf32, #tpu.memory_space<hbm>> -> memref<128x128xf32, #tpu.memory_space<hbm>>
      %dma_wait3A_262 = arith.constant 0 : i32
      %dma_wait3A_263 = tpu.memref_slice %arg7[%add3A_259, %dma_wait3A_262] : memref<81920x128xf32, #tpu.memory_space<hbm>> -> memref<128x128xf32, #tpu.memory_space<hbm>>
      tpu.wait_dma2 semaphore(%arg25 : memref<!tpu.dma_semaphore, #tpu.memory_space<semaphore_mem>>) src(%arg13 : memref<128x128xf32, #tpu.memory_space<vmem>>) dst(%dma_wait3A_263 : memref<128x128xf32, #tpu.memory_space<hbm>>)
      %add3A_264 = arith.constant 3 : i32
      %add3A_265 = arith.addi %add3A_246, %add3A_264 : i32
      %add3A_266 = arith.constant 2 : i32
      %add3A_267 = arith.addi %add3A_266, %add3A_265 : i32
      %dma_start3A_268 = arith.constant 0 : i32
      %dma_start3A_269 = tpu.memref_slice %arg8[%add3A_267, %dma_start3A_268] : memref<24x128xi32, #tpu.memory_space<vmem>> -> memref<1x128xi32, #tpu.memory_space<vmem>>
      %dma_start3A_270 = tpu.memref_squeeze %dma_start3A_269 : memref<1x128xi32, #tpu.memory_space<vmem>> -> memref<128xi32, #tpu.memory_space<vmem>>
      %dma_start3A_271 = arith.constant 0 : i32
      %dma_start3A_272 = arith.constant 0 : i32
      %dma_start3A_273 = tpu.memref_slice %arg3[%dma_start3A_271, %dma_start3A_272] : memref<100000x128xf32, #tpu.memory_space<hbm>> -> memref<100000x128xf32, #tpu.memory_space<hbm>>
      tpu.enqueue_indirect_dma source(%dma_start3A_273 : memref<100000x128xf32, #tpu.memory_space<hbm>>) target(%arg13 : memref<128x128xf32, #tpu.memory_space<vmem>>) offsets(%dma_start3A_270 : memref<128xi32, #tpu.memory_space<vmem>>) semaphore(%arg21 : memref<!tpu.dma_semaphore, #tpu.memory_space<semaphore_mem>>)
      %mul3A_274 = arith.constant 4096 : i32
      %mul3A_275 = arith.muli %add3A_246, %mul3A_274 : i32
      %add3A_276 = arith.addi %mul3A_17, %mul3A_275 : i32
      %dma_start3A_277 = arith.constant 0 : i32
      %dma_start3A_278 = tpu.memref_slice %arg7[%add3A_276, %dma_start3A_277] : memref<81920x128xf32, #tpu.memory_space<hbm>> -> memref<128x128xf32, #tpu.memory_space<hbm>>
      %dma_start3A_279 = arith.constant 0 : i32
      %dma_start3A_280 = tpu.memref_slice %arg7[%add3A_276, %dma_start3A_279] : memref<81920x128xf32, #tpu.memory_space<hbm>> -> memref<128x128xf32, #tpu.memory_space<hbm>>
      tpu.enqueue_dma source(%arg14 : memref<128x128xf32, #tpu.memory_space<vmem>>) target(%dma_start3A_280 : memref<128x128xf32, #tpu.memory_space<hbm>>) target_semaphore(%arg26 : memref<!tpu.dma_semaphore, #tpu.memory_space<semaphore_mem>>)
      %mul3A_281 = arith.constant 4 : i32
      %mul3A_282 = arith.muli %mul3A_281, %add3A_167 : i32
      %add3A_283 = arith.constant 4 : i32
      %add3A_284 = arith.addi %add3A_283, %mul3A_282 : i32
      %add3A_285 = arith.constant 2 : i32
      %add3A_286 = arith.addi %add3A_285, %add3A_284 : i32
      %dma_wait3A_287 = arith.constant 0 : i32
      %dma_wait3A_288 = tpu.memref_slice %arg8[%add3A_286, %dma_wait3A_287] : memref<24x128xi32, #tpu.memory_space<vmem>> -> memref<1x128xi32, #tpu.memory_space<vmem>>
      %dma_wait3A_289 = tpu.memref_squeeze %dma_wait3A_288 : memref<1x128xi32, #tpu.memory_space<vmem>> -> memref<128xi32, #tpu.memory_space<vmem>>
      %dma_wait3A_290 = arith.constant 0 : i32
      %dma_wait3A_291 = arith.constant 0 : i32
      %dma_wait3A_292 = tpu.memref_slice %arg3[%dma_wait3A_290, %dma_wait3A_291] : memref<100000x128xf32, #tpu.memory_space<hbm>> -> memref<100000x128xf32, #tpu.memory_space<hbm>>
      tpu.wait_indirect_dma semaphore(%arg19 : memref<!tpu.dma_semaphore, #tpu.memory_space<semaphore_mem>>) src(%dma_wait3A_292 : memref<100000x128xf32, #tpu.memory_space<hbm>>) dst(%arg11 : memref<128x128xf32, #tpu.memory_space<vmem>>)
      %sub3A_293 = arith.constant 1 : i32
      %sub3A_294 = arith.subi %add3A_284, %sub3A_293 : i32
      %mul3A_295 = arith.constant 4096 : i32
      %mul3A_296 = arith.muli %sub3A_294, %mul3A_295 : i32
      %add3A_297 = arith.addi %mul3A_17, %mul3A_296 : i32
      %dma_wait3A_298 = arith.constant 0 : i32
      %dma_wait3A_299 = tpu.memref_slice %arg7[%add3A_297, %dma_wait3A_298] : memref<81920x128xf32, #tpu.memory_space<hbm>> -> memref<128x128xf32, #tpu.memory_space<hbm>>
      %dma_wait3A_300 = arith.constant 0 : i32
      %dma_wait3A_301 = tpu.memref_slice %arg7[%add3A_297, %dma_wait3A_300] : memref<81920x128xf32, #tpu.memory_space<hbm>> -> memref<128x128xf32, #tpu.memory_space<hbm>>
      tpu.wait_dma2 semaphore(%arg26 : memref<!tpu.dma_semaphore, #tpu.memory_space<semaphore_mem>>) src(%arg14 : memref<128x128xf32, #tpu.memory_space<vmem>>) dst(%dma_wait3A_301 : memref<128x128xf32, #tpu.memory_space<hbm>>)
      %add3A_302 = arith.constant 3 : i32
      %add3A_303 = arith.addi %add3A_284, %add3A_302 : i32
      %add3A_304 = arith.constant 2 : i32
      %add3A_305 = arith.addi %add3A_304, %add3A_303 : i32
      %dma_start3A_306 = arith.constant 0 : i32
      %dma_start3A_307 = tpu.memref_slice %arg8[%add3A_305, %dma_start3A_306] : memref<24x128xi32, #tpu.memory_space<vmem>> -> memref<1x128xi32, #tpu.memory_space<vmem>>
      %dma_start3A_308 = tpu.memref_squeeze %dma_start3A_307 : memref<1x128xi32, #tpu.memory_space<vmem>> -> memref<128xi32, #tpu.memory_space<vmem>>
      %dma_start3A_309 = arith.constant 0 : i32
      %dma_start3A_310 = arith.constant 0 : i32
      %dma_start3A_311 = tpu.memref_slice %arg3[%dma_start3A_309, %dma_start3A_310] : memref<100000x128xf32, #tpu.memory_space<hbm>> -> memref<100000x128xf32, #tpu.memory_space<hbm>>
      tpu.enqueue_indirect_dma source(%dma_start3A_311 : memref<100000x128xf32, #tpu.memory_space<hbm>>) target(%arg14 : memref<128x128xf32, #tpu.memory_space<vmem>>) offsets(%dma_start3A_308 : memref<128xi32, #tpu.memory_space<vmem>>) semaphore(%arg22 : memref<!tpu.dma_semaphore, #tpu.memory_space<semaphore_mem>>)
      %mul3A_312 = arith.constant 4096 : i32
      %mul3A_313 = arith.muli %add3A_284, %mul3A_312 : i32
      %add3A_314 = arith.addi %mul3A_17, %mul3A_313 : i32
      %dma_start3A_315 = arith.constant 0 : i32
      %dma_start3A_316 = tpu.memref_slice %arg7[%add3A_314, %dma_start3A_315] : memref<81920x128xf32, #tpu.memory_space<hbm>> -> memref<128x128xf32, #tpu.memory_space<hbm>>
      %dma_start3A_317 = arith.constant 0 : i32
      %dma_start3A_318 = tpu.memref_slice %arg7[%add3A_314, %dma_start3A_317] : memref<81920x128xf32, #tpu.memory_space<hbm>> -> memref<128x128xf32, #tpu.memory_space<hbm>>
      tpu.enqueue_dma source(%arg11 : memref<128x128xf32, #tpu.memory_space<vmem>>) target(%dma_start3A_318 : memref<128x128xf32, #tpu.memory_space<hbm>>) target_semaphore(%arg23 : memref<!tpu.dma_semaphore, #tpu.memory_space<semaphore_mem>>)
    }
    %scan3A_61 = arith.constant 4 : i32
    %dma_wait3A_62 = arith.constant 19 : i32
    %dma_wait3A_63 = arith.constant 0 : i32
    %dma_wait3A_64 = tpu.memref_slice %arg8[%dma_wait3A_62, %dma_wait3A_63] : memref<24x128xi32, #tpu.memory_space<vmem>> -> memref<1x128xi32, #tpu.memory_space<vmem>>
    %dma_wait3A_65 = tpu.memref_squeeze %dma_wait3A_64 : memref<1x128xi32, #tpu.memory_space<vmem>> -> memref<128xi32, #tpu.memory_space<vmem>>
    %dma_wait3A_66 = arith.constant 0 : i32
    %dma_wait3A_67 = arith.constant 0 : i32
    %dma_wait3A_68 = tpu.memref_slice %arg3[%dma_wait3A_66, %dma_wait3A_67] : memref<100000x128xf32, #tpu.memory_space<hbm>> -> memref<100000x128xf32, #tpu.memory_space<hbm>>
    tpu.wait_indirect_dma semaphore(%arg20 : memref<!tpu.dma_semaphore, #tpu.memory_space<semaphore_mem>>) src(%dma_wait3A_68 : memref<100000x128xf32, #tpu.memory_space<hbm>>) dst(%arg12 : memref<128x128xf32, #tpu.memory_space<vmem>>)
    %add3A_69 = arith.constant 65536 : i32
    %add3A_70 = arith.addi %mul3A_17, %add3A_69 : i32
    %dma_wait3A_71 = arith.constant 0 : i32
    %dma_wait3A_72 = tpu.memref_slice %arg7[%add3A_70, %dma_wait3A_71] : memref<81920x128xf32, #tpu.memory_space<hbm>> -> memref<128x128xf32, #tpu.memory_space<hbm>>
    %dma_wait3A_73 = arith.constant 0 : i32
    %dma_wait3A_74 = tpu.memref_slice %arg7[%add3A_70, %dma_wait3A_73] : memref<81920x128xf32, #tpu.memory_space<hbm>> -> memref<128x128xf32, #tpu.memory_space<hbm>>
    tpu.wait_dma2 semaphore(%arg23 : memref<!tpu.dma_semaphore, #tpu.memory_space<semaphore_mem>>) src(%arg11 : memref<128x128xf32, #tpu.memory_space<vmem>>) dst(%dma_wait3A_74 : memref<128x128xf32, #tpu.memory_space<hbm>>)
    %add3A_75 = arith.constant 69632 : i32
    %add3A_76 = arith.addi %mul3A_17, %add3A_75 : i32
    %dma_start3A_77 = arith.constant 0 : i32
    %dma_start3A_78 = tpu.memref_slice %arg7[%add3A_76, %dma_start3A_77] : memref<81920x128xf32, #tpu.memory_space<hbm>> -> memref<128x128xf32, #tpu.memory_space<hbm>>
    %dma_start3A_79 = arith.constant 0 : i32
    %dma_start3A_80 = tpu.memref_slice %arg7[%add3A_76, %dma_start3A_79] : memref<81920x128xf32, #tpu.memory_space<hbm>> -> memref<128x128xf32, #tpu.memory_space<hbm>>
    tpu.enqueue_dma source(%arg12 : memref<128x128xf32, #tpu.memory_space<vmem>>) target(%dma_start3A_80 : memref<128x128xf32, #tpu.memory_space<hbm>>) target_semaphore(%arg24 : memref<!tpu.dma_semaphore, #tpu.memory_space<semaphore_mem>>)
    %dma_wait3A_81 = arith.constant 20 : i32
    %dma_wait3A_82 = arith.constant 0 : i32
    %dma_wait3A_83 = tpu.memref_slice %arg8[%dma_wait3A_81, %dma_wait3A_82] : memref<24x128xi32, #tpu.memory_space<vmem>> -> memref<1x128xi32, #tpu.memory_space<vmem>>
    %dma_wait3A_84 = tpu.memref_squeeze %dma_wait3A_83 : memref<1x128xi32, #tpu.memory_space<vmem>> -> memref<128xi32, #tpu.memory_space<vmem>>
    %dma_wait3A_85 = arith.constant 0 : i32
    %dma_wait3A_86 = arith.constant 0 : i32
    %dma_wait3A_87 = tpu.memref_slice %arg3[%dma_wait3A_85, %dma_wait3A_86] : memref<100000x128xf32, #tpu.memory_space<hbm>> -> memref<100000x128xf32, #tpu.memory_space<hbm>>
    tpu.wait_indirect_dma semaphore(%arg21 : memref<!tpu.dma_semaphore, #tpu.memory_space<semaphore_mem>>) src(%dma_wait3A_87 : memref<100000x128xf32, #tpu.memory_space<hbm>>) dst(%arg13 : memref<128x128xf32, #tpu.memory_space<vmem>>)
    %add3A_88 = arith.constant 69632 : i32
    %add3A_89 = arith.addi %mul3A_17, %add3A_88 : i32
    %dma_wait3A_90 = arith.constant 0 : i32
    %dma_wait3A_91 = tpu.memref_slice %arg7[%add3A_89, %dma_wait3A_90] : memref<81920x128xf32, #tpu.memory_space<hbm>> -> memref<128x128xf32, #tpu.memory_space<hbm>>
    %dma_wait3A_92 = arith.constant 0 : i32
    %dma_wait3A_93 = tpu.memref_slice %arg7[%add3A_89, %dma_wait3A_92] : memref<81920x128xf32, #tpu.memory_space<hbm>> -> memref<128x128xf32, #tpu.memory_space<hbm>>
    tpu.wait_dma2 semaphore(%arg24 : memref<!tpu.dma_semaphore, #tpu.memory_space<semaphore_mem>>) src(%arg12 : memref<128x128xf32, #tpu.memory_space<vmem>>) dst(%dma_wait3A_93 : memref<128x128xf32, #tpu.memory_space<hbm>>)
    %add3A_94 = arith.constant 73728 : i32
    %add3A_95 = arith.addi %mul3A_17, %add3A_94 : i32
    %dma_start3A_96 = arith.constant 0 : i32
    %dma_start3A_97 = tpu.memref_slice %arg7[%add3A_95, %dma_start3A_96] : memref<81920x128xf32, #tpu.memory_space<hbm>> -> memref<128x128xf32, #tpu.memory_space<hbm>>
    %dma_start3A_98 = arith.constant 0 : i32
    %dma_start3A_99 = tpu.memref_slice %arg7[%add3A_95, %dma_start3A_98] : memref<81920x128xf32, #tpu.memory_space<hbm>> -> memref<128x128xf32, #tpu.memory_space<hbm>>
    tpu.enqueue_dma source(%arg13 : memref<128x128xf32, #tpu.memory_space<vmem>>) target(%dma_start3A_99 : memref<128x128xf32, #tpu.memory_space<hbm>>) target_semaphore(%arg25 : memref<!tpu.dma_semaphore, #tpu.memory_space<semaphore_mem>>)
    %dma_wait3A_100 = arith.constant 21 : i32
    %dma_wait3A_101 = arith.constant 0 : i32
    %dma_wait3A_102 = tpu.memref_slice %arg8[%dma_wait3A_100, %dma_wait3A_101] : memref<24x128xi32, #tpu.memory_space<vmem>> -> memref<1x128xi32, #tpu.memory_space<vmem>>
    %dma_wait3A_103 = tpu.memref_squeeze %dma_wait3A_102 : memref<1x128xi32, #tpu.memory_space<vmem>> -> memref<128xi32, #tpu.memory_space<vmem>>
    %dma_wait3A_104 = arith.constant 0 : i32
    %dma_wait3A_105 = arith.constant 0 : i32
    %dma_wait3A_106 = tpu.memref_slice %arg3[%dma_wait3A_104, %dma_wait3A_105] : memref<100000x128xf32, #tpu.memory_space<hbm>> -> memref<100000x128xf32, #tpu.memory_space<hbm>>
    tpu.wait_indirect_dma semaphore(%arg22 : memref<!tpu.dma_semaphore, #tpu.memory_space<semaphore_mem>>) src(%dma_wait3A_106 : memref<100000x128xf32, #tpu.memory_space<hbm>>) dst(%arg14 : memref<128x128xf32, #tpu.memory_space<vmem>>)
    %add3A_107 = arith.constant 73728 : i32
    %add3A_108 = arith.addi %mul3A_17, %add3A_107 : i32
    %dma_wait3A_109 = arith.constant 0 : i32
    %dma_wait3A_110 = tpu.memref_slice %arg7[%add3A_108, %dma_wait3A_109] : memref<81920x128xf32, #tpu.memory_space<hbm>> -> memref<128x128xf32, #tpu.memory_space<hbm>>
    %dma_wait3A_111 = arith.constant 0 : i32
    %dma_wait3A_112 = tpu.memref_slice %arg7[%add3A_108, %dma_wait3A_111] : memref<81920x128xf32, #tpu.memory_space<hbm>> -> memref<128x128xf32, #tpu.memory_space<hbm>>
    tpu.wait_dma2 semaphore(%arg25 : memref<!tpu.dma_semaphore, #tpu.memory_space<semaphore_mem>>) src(%arg13 : memref<128x128xf32, #tpu.memory_space<vmem>>) dst(%dma_wait3A_112 : memref<128x128xf32, #tpu.memory_space<hbm>>)
    %add3A_113 = arith.constant 77824 : i32
    %add3A_114 = arith.addi %mul3A_17, %add3A_113 : i32
    %dma_start3A_115 = arith.constant 0 : i32
    %dma_start3A_116 = tpu.memref_slice %arg7[%add3A_114, %dma_start3A_115] : memref<81920x128xf32, #tpu.memory_space<hbm>> -> memref<128x128xf32, #tpu.memory_space<hbm>>
    %dma_start3A_117 = arith.constant 0 : i32
    %dma_start3A_118 = tpu.memref_slice %arg7[%add3A_114, %dma_start3A_117] : memref<81920x128xf32, #tpu.memory_space<hbm>> -> memref<128x128xf32, #tpu.memory_space<hbm>>
    tpu.enqueue_dma source(%arg14 : memref<128x128xf32, #tpu.memory_space<vmem>>) target(%dma_start3A_118 : memref<128x128xf32, #tpu.memory_space<hbm>>) target_semaphore(%arg26 : memref<!tpu.dma_semaphore, #tpu.memory_space<semaphore_mem>>)
    %dma_wait3A_119 = arith.constant 0 : i32
    %dma_wait3A_120 = arith.constant 0 : i32
    %dma_wait3A_121 = tpu.memref_slice %arg8[%dma_wait3A_119, %dma_wait3A_120] : memref<24x128xi32, #tpu.memory_space<vmem>> -> memref<1x128xi32, #tpu.memory_space<vmem>>
    %dma_wait3A_122 = tpu.memref_squeeze %dma_wait3A_121 : memref<1x128xi32, #tpu.memory_space<vmem>> -> memref<128xi32, #tpu.memory_space<vmem>>
    %dma_wait3A_123 = arith.constant 0 : i32
    %dma_wait3A_124 = arith.constant 0 : i32
    %dma_wait3A_125 = tpu.memref_slice %arg2[%dma_wait3A_123, %dma_wait3A_124] : memref<100000x128xf32, #tpu.memory_space<hbm>> -> memref<100000x128xf32, #tpu.memory_space<hbm>>
    tpu.wait_indirect_dma semaphore(%arg15 : memref<!tpu.dma_semaphore, #tpu.memory_space<semaphore_mem>>) src(%dma_wait3A_125 : memref<100000x128xf32, #tpu.memory_space<hbm>>) dst(%arg9 : memref<128x128xf32, #tpu.memory_space<vmem>>)
    %mul3A_126 = arith.constant 128 : i32
    %mul3A_127 = arith.muli %add3A, %mul3A_126 : i32
    %dma_start3A_128 = arith.constant 0 : i32
    %dma_start3A_129 = tpu.memref_slice %arg5[%mul3A_127, %dma_start3A_128] : memref<4096x128xf32, #tpu.memory_space<hbm>> -> memref<128x128xf32, #tpu.memory_space<hbm>>
    %dma_start3A_130 = arith.constant 0 : i32
    %dma_start3A_131 = tpu.memref_slice %arg5[%mul3A_127, %dma_start3A_130] : memref<4096x128xf32, #tpu.memory_space<hbm>> -> memref<128x128xf32, #tpu.memory_space<hbm>>
    tpu.enqueue_dma source(%arg9 : memref<128x128xf32, #tpu.memory_space<vmem>>) target(%dma_start3A_131 : memref<128x128xf32, #tpu.memory_space<hbm>>) target_semaphore(%arg17 : memref<!tpu.dma_semaphore, #tpu.memory_space<semaphore_mem>>)
    %dma_wait3A_132 = arith.constant 1 : i32
    %dma_wait3A_133 = arith.constant 0 : i32
    %dma_wait3A_134 = tpu.memref_slice %arg8[%dma_wait3A_132, %dma_wait3A_133] : memref<24x128xi32, #tpu.memory_space<vmem>> -> memref<1x128xi32, #tpu.memory_space<vmem>>
    %dma_wait3A_135 = tpu.memref_squeeze %dma_wait3A_134 : memref<1x128xi32, #tpu.memory_space<vmem>> -> memref<128xi32, #tpu.memory_space<vmem>>
    %dma_wait3A_136 = arith.constant 0 : i32
    %dma_wait3A_137 = arith.constant 0 : i32
    %dma_wait3A_138 = tpu.memref_slice %arg3[%dma_wait3A_136, %dma_wait3A_137] : memref<100000x128xf32, #tpu.memory_space<hbm>> -> memref<100000x128xf32, #tpu.memory_space<hbm>>
    tpu.wait_indirect_dma semaphore(%arg16 : memref<!tpu.dma_semaphore, #tpu.memory_space<semaphore_mem>>) src(%dma_wait3A_138 : memref<100000x128xf32, #tpu.memory_space<hbm>>) dst(%arg10 : memref<128x128xf32, #tpu.memory_space<vmem>>)
    %mul3A_139 = arith.constant 128 : i32
    %mul3A_140 = arith.muli %add3A, %mul3A_139 : i32
    %dma_start3A_141 = arith.constant 0 : i32
    %dma_start3A_142 = tpu.memref_slice %arg6[%mul3A_140, %dma_start3A_141] : memref<4096x128xf32, #tpu.memory_space<hbm>> -> memref<128x128xf32, #tpu.memory_space<hbm>>
    %dma_start3A_143 = arith.constant 0 : i32
    %dma_start3A_144 = tpu.memref_slice %arg6[%mul3A_140, %dma_start3A_143] : memref<4096x128xf32, #tpu.memory_space<hbm>> -> memref<128x128xf32, #tpu.memory_space<hbm>>
    tpu.enqueue_dma source(%arg10 : memref<128x128xf32, #tpu.memory_space<vmem>>) target(%dma_start3A_144 : memref<128x128xf32, #tpu.memory_space<hbm>>) target_semaphore(%arg18 : memref<!tpu.dma_semaphore, #tpu.memory_space<semaphore_mem>>)
    %add3A_145 = arith.constant 77824 : i32
    %add3A_146 = arith.addi %mul3A_17, %add3A_145 : i32
    %dma_wait3A_147 = arith.constant 0 : i32
    %dma_wait3A_148 = tpu.memref_slice %arg7[%add3A_146, %dma_wait3A_147] : memref<81920x128xf32, #tpu.memory_space<hbm>> -> memref<128x128xf32, #tpu.memory_space<hbm>>
    %dma_wait3A_149 = arith.constant 0 : i32
    %dma_wait3A_150 = tpu.memref_slice %arg7[%add3A_146, %dma_wait3A_149] : memref<81920x128xf32, #tpu.memory_space<hbm>> -> memref<128x128xf32, #tpu.memory_space<hbm>>
    tpu.wait_dma2 semaphore(%arg26 : memref<!tpu.dma_semaphore, #tpu.memory_space<semaphore_mem>>) src(%arg14 : memref<128x128xf32, #tpu.memory_space<vmem>>) dst(%dma_wait3A_150 : memref<128x128xf32, #tpu.memory_space<hbm>>)
    %mul3A_151 = arith.constant 128 : i32
    %mul3A_152 = arith.muli %add3A, %mul3A_151 : i32
    %dma_wait3A_153 = arith.constant 0 : i32
    %dma_wait3A_154 = tpu.memref_slice %arg5[%mul3A_152, %dma_wait3A_153] : memref<4096x128xf32, #tpu.memory_space<hbm>> -> memref<128x128xf32, #tpu.memory_space<hbm>>
    %dma_wait3A_155 = arith.constant 0 : i32
    %dma_wait3A_156 = tpu.memref_slice %arg5[%mul3A_152, %dma_wait3A_155] : memref<4096x128xf32, #tpu.memory_space<hbm>> -> memref<128x128xf32, #tpu.memory_space<hbm>>
    tpu.wait_dma2 semaphore(%arg17 : memref<!tpu.dma_semaphore, #tpu.memory_space<semaphore_mem>>) src(%arg9 : memref<128x128xf32, #tpu.memory_space<vmem>>) dst(%dma_wait3A_156 : memref<128x128xf32, #tpu.memory_space<hbm>>)
    %mul3A_157 = arith.constant 128 : i32
    %mul3A_158 = arith.muli %add3A, %mul3A_157 : i32
    %dma_wait3A_159 = arith.constant 0 : i32
    %dma_wait3A_160 = tpu.memref_slice %arg6[%mul3A_158, %dma_wait3A_159] : memref<4096x128xf32, #tpu.memory_space<hbm>> -> memref<128x128xf32, #tpu.memory_space<hbm>>
    %dma_wait3A_161 = arith.constant 0 : i32
    %dma_wait3A_162 = tpu.memref_slice %arg6[%mul3A_158, %dma_wait3A_161] : memref<4096x128xf32, #tpu.memory_space<hbm>> -> memref<128x128xf32, #tpu.memory_space<hbm>>
    tpu.wait_dma2 semaphore(%arg18 : memref<!tpu.dma_semaphore, #tpu.memory_space<semaphore_mem>>) src(%arg10 : memref<128x128xf32, #tpu.memory_space<vmem>>) dst(%dma_wait3A_162 : memref<128x128xf32, #tpu.memory_space<hbm>>)
    return
  }
}

#map = affine_map<(d0, d1) -> (0, 0)>
module attributes {stable_mosaic.version = 14 : i64} {
  func.func @_sc_gather(%arg0: i32, %arg1: i32, %arg2: memref<100000x128xf32, #tpu.memory_space<hbm>>, %arg3: memref<100000x128xf32, #tpu.memory_space<hbm>>, %arg4: memref<768x128xi32, #tpu.memory_space<hbm>>, %arg5: memref<4096x128xf32, #tpu.memory_space<hbm>>, %arg6: memref<4096x128xf32, #tpu.memory_space<hbm>>, %arg7: memref<81920x128xf32, #tpu.memory_space<hbm>>, %arg8: memref<24x128xi32, #tpu.memory_space<vmem>>, %arg9: memref<128x128xf32, #tpu.memory_space<vmem>>, %arg10: memref<128x128xf32, #tpu.memory_space<vmem>>, %arg11: memref<128x128xf32, #tpu.memory_space<vmem>>, %arg12: memref<128x128xf32, #tpu.memory_space<vmem>>, %arg13: memref<128x128xf32, #tpu.memory_space<vmem>>, %arg14: memref<128x128xf32, #tpu.memory_space<vmem>>, %arg15: memref<!tpu.dma_semaphore, #tpu.memory_space<semaphore_mem>>, %arg16: memref<!tpu.dma_semaphore, #tpu.memory_space<semaphore_mem>>, %arg17: memref<!tpu.dma_semaphore, #tpu.memory_space<semaphore_mem>>, %arg18: memref<!tpu.dma_semaphore, #tpu.memory_space<semaphore_mem>>, %arg19: memref<!tpu.dma_semaphore, #tpu.memory_space<semaphore_mem>>, %arg20: memref<!tpu.dma_semaphore, #tpu.memory_space<semaphore_mem>>, %arg21: memref<!tpu.dma_semaphore, #tpu.memory_space<semaphore_mem>>, %arg22: memref<!tpu.dma_semaphore, #tpu.memory_space<semaphore_mem>>, %arg23: memref<!tpu.dma_semaphore, #tpu.memory_space<semaphore_mem>>, %arg24: memref<!tpu.dma_semaphore, #tpu.memory_space<semaphore_mem>>, %arg25: memref<!tpu.dma_semaphore, #tpu.memory_space<semaphore_mem>>, %arg26: memref<!tpu.dma_semaphore, #tpu.memory_space<semaphore_mem>>) attributes {dimension_semantics = [#tpu.dimension_semantics<core_parallel>, #tpu.dimension_semantics<subcore_parallel>], iteration_bounds = array<i64: 2, 16>, scalar_prefetch = 0 : i64, scratch_operands = 19 : i64, tpu.core_type = #tpu.core_type<sc_vector_subcore>, window_params = [{transform_indices = #map}, {transform_indices = #map}, {transform_indices = #map}, {transform_indices = #map}, {transform_indices = #map}, {transform_indices = #map}]} {
    %mul3A = arith.constant 2 : i32
    %mul3A_0 = arith.muli %arg1, %mul3A : i32
    %add3A = arith.addi %mul3A_0, %arg0 : i32
    %mul3A_1 = arith.constant 24 : i32
    %mul3A_2 = arith.muli %add3A, %mul3A_1 : i32
    "tpu.region"() ({
      %run_scoped3A = tpu.sem_alloc : memref<!tpu.dma_semaphore, #tpu.memory_space<semaphore_mem>>
      %dma_start3A_163 = arith.constant 0 : i32
      %dma_start3A_164 = tpu.memref_slice %arg4[%mul3A_2, %dma_start3A_163] : memref<768x128xi32, #tpu.memory_space<hbm>> -> memref<24x128xi32, #tpu.memory_space<hbm>>
      %dma_start3A_165 = arith.constant 0 : i32
      %dma_start3A_166 = tpu.memref_slice %arg4[%mul3A_2, %dma_start3A_165] : memref<768x128xi32, #tpu.memory_space<hbm>> -> memref<24x128xi32, #tpu.memory_space<hbm>>
      tpu.enqueue_dma source(%dma_start3A_166 : memref<24x128xi32, #tpu.memory_space<hbm>>) target(%arg8 : memref<24x128xi32, #tpu.memory_space<vmem>>) target_semaphore(%run_scoped3A : memref<!tpu.dma_semaphore, #tpu.memory_space<semaphore_mem>>)
      %dma_wait3A_167 = arith.constant 0 : i32
      %dma_wait3A_168 = tpu.memref_slice %arg4[%mul3A_2, %dma_wait3A_167] : memref<768x128xi32, #tpu.memory_space<hbm>> -> memref<24x128xi32, #tpu.memory_space<hbm>>
      %dma_wait3A_169 = arith.constant 0 : i32
      %dma_wait3A_170 = tpu.memref_slice %arg4[%mul3A_2, %dma_wait3A_169] : memref<768x128xi32, #tpu.memory_space<hbm>> -> memref<24x128xi32, #tpu.memory_space<hbm>>
      tpu.wait_dma2 semaphore(%run_scoped3A : memref<!tpu.dma_semaphore, #tpu.memory_space<semaphore_mem>>) src(%dma_wait3A_170 : memref<24x128xi32, #tpu.memory_space<hbm>>) dst(%arg8 : memref<24x128xi32, #tpu.memory_space<vmem>>)
      tpu.yield
    }) : () -> ()
    %dma_start3A = arith.constant 0 : i32
    %dma_start3A_3 = arith.constant 0 : i32
    %dma_start3A_4 = tpu.memref_slice %arg8[%dma_start3A, %dma_start3A_3] : memref<24x128xi32, #tpu.memory_space<vmem>> -> memref<1x128xi32, #tpu.memory_space<vmem>>
    %dma_start3A_5 = tpu.memref_squeeze %dma_start3A_4 : memref<1x128xi32, #tpu.memory_space<vmem>> -> memref<128xi32, #tpu.memory_space<vmem>>
    %dma_start3A_6 = arith.constant 0 : i32
    %dma_start3A_7 = arith.constant 0 : i32
    %dma_start3A_8 = tpu.memref_slice %arg2[%dma_start3A_6, %dma_start3A_7] : memref<100000x128xf32, #tpu.memory_space<hbm>> -> memref<100000x128xf32, #tpu.memory_space<hbm>>
    tpu.enqueue_indirect_dma source(%dma_start3A_8 : memref<100000x128xf32, #tpu.memory_space<hbm>>) target(%arg9 : memref<128x128xf32, #tpu.memory_space<vmem>>) offsets(%dma_start3A_5 : memref<128xi32, #tpu.memory_space<vmem>>) semaphore(%arg15 : memref<!tpu.dma_semaphore, #tpu.memory_space<semaphore_mem>>)
    %dma_start3A_9 = arith.constant 1 : i32
    %dma_start3A_10 = arith.constant 0 : i32
    %dma_start3A_11 = tpu.memref_slice %arg8[%dma_start3A_9, %dma_start3A_10] : memref<24x128xi32, #tpu.memory_space<vmem>> -> memref<1x128xi32, #tpu.memory_space<vmem>>
    %dma_start3A_12 = tpu.memref_squeeze %dma_start3A_11 : memref<1x128xi32, #tpu.memory_space<vmem>> -> memref<128xi32, #tpu.memory_space<vmem>>
    %dma_start3A_13 = arith.constant 0 : i32
    %dma_start3A_14 = arith.constant 0 : i32
    %dma_start3A_15 = tpu.memref_slice %arg3[%dma_start3A_13, %dma_start3A_14] : memref<100000x128xf32, #tpu.memory_space<hbm>> -> memref<100000x128xf32, #tpu.memory_space<hbm>>
    tpu.enqueue_indirect_dma source(%dma_start3A_15 : memref<100000x128xf32, #tpu.memory_space<hbm>>) target(%arg10 : memref<128x128xf32, #tpu.memory_space<vmem>>) offsets(%dma_start3A_12 : memref<128xi32, #tpu.memory_space<vmem>>) semaphore(%arg16 : memref<!tpu.dma_semaphore, #tpu.memory_space<semaphore_mem>>)
    %mul3A_16 = arith.constant 128 : i32
    %mul3A_17 = arith.muli %add3A, %mul3A_16 : i32
    %dma_start3A_18 = arith.constant 2 : i32
    %dma_start3A_19 = arith.constant 0 : i32
    %dma_start3A_20 = tpu.memref_slice %arg8[%dma_start3A_18, %dma_start3A_19] : memref<24x128xi32, #tpu.memory_space<vmem>> -> memref<1x128xi32, #tpu.memory_space<vmem>>
    %dma_start3A_21 = tpu.memref_squeeze %dma_start3A_20 : memref<1x128xi32, #tpu.memory_space<vmem>> -> memref<128xi32, #tpu.memory_space<vmem>>
    %dma_start3A_22 = arith.constant 0 : i32
    %dma_start3A_23 = arith.constant 0 : i32
    %dma_start3A_24 = tpu.memref_slice %arg3[%dma_start3A_22, %dma_start3A_23] : memref<100000x128xf32, #tpu.memory_space<hbm>> -> memref<100000x128xf32, #tpu.memory_space<hbm>>
    tpu.enqueue_indirect_dma source(%dma_start3A_24 : memref<100000x128xf32, #tpu.memory_space<hbm>>) target(%arg11 : memref<128x128xf32, #tpu.memory_space<vmem>>) offsets(%dma_start3A_21 : memref<128xi32, #tpu.memory_space<vmem>>) semaphore(%arg19 : memref<!tpu.dma_semaphore, #tpu.memory_space<semaphore_mem>>)
    %dma_start3A_25 = arith.constant 3 : i32
    %dma_start3A_26 = arith.constant 0 : i32
    %dma_start3A_27 = tpu.memref_slice %arg8[%dma_start3A_25, %dma_start3A_26] : memref<24x128xi32, #tpu.memory_space<vmem>> -> memref<1x128xi32, #tpu.memory_space<vmem>>
    %dma_start3A_28 = tpu.memref_squeeze %dma_start3A_27 : memref<1x128xi32, #tpu.memory_space<vmem>> -> memref<128xi32, #tpu.memory_space<vmem>>
    %dma_start3A_29 = arith.constant 0 : i32
    %dma_start3A_30 = arith.constant 0 : i32
    %dma_start3A_31 = tpu.memref_slice %arg3[%dma_start3A_29, %dma_start3A_30] : memref<100000x128xf32, #tpu.memory_space<hbm>> -> memref<100000x128xf32, #tpu.memory_space<hbm>>
    tpu.enqueue_indirect_dma source(%dma_start3A_31 : memref<100000x128xf32, #tpu.memory_space<hbm>>) target(%arg12 : memref<128x128xf32, #tpu.memory_space<vmem>>) offsets(%dma_start3A_28 : memref<128xi32, #tpu.memory_space<vmem>>) semaphore(%arg20 : memref<!tpu.dma_semaphore, #tpu.memory_space<semaphore_mem>>)
    %dma_start3A_32 = arith.constant 4 : i32
    %dma_start3A_33 = arith.constant 0 : i32
    %dma_start3A_34 = tpu.memref_slice %arg8[%dma_start3A_32, %dma_start3A_33] : memref<24x128xi32, #tpu.memory_space<vmem>> -> memref<1x128xi32, #tpu.memory_space<vmem>>
    %dma_start3A_35 = tpu.memref_squeeze %dma_start3A_34 : memref<1x128xi32, #tpu.memory_space<vmem>> -> memref<128xi32, #tpu.memory_space<vmem>>
    %dma_start3A_36 = arith.constant 0 : i32
    %dma_start3A_37 = arith.constant 0 : i32
    %dma_start3A_38 = tpu.memref_slice %arg3[%dma_start3A_36, %dma_start3A_37] : memref<100000x128xf32, #tpu.memory_space<hbm>> -> memref<100000x128xf32, #tpu.memory_space<hbm>>
    tpu.enqueue_indirect_dma source(%dma_start3A_38 : memref<100000x128xf32, #tpu.memory_space<hbm>>) target(%arg13 : memref<128x128xf32, #tpu.memory_space<vmem>>) offsets(%dma_start3A_35 : memref<128xi32, #tpu.memory_space<vmem>>) semaphore(%arg21 : memref<!tpu.dma_semaphore, #tpu.memory_space<semaphore_mem>>)
    %dma_wait3A = arith.constant 2 : i32
    %dma_wait3A_39 = arith.constant 0 : i32
    %dma_wait3A_40 = tpu.memref_slice %arg8[%dma_wait3A, %dma_wait3A_39] : memref<24x128xi32, #tpu.memory_space<vmem>> -> memref<1x128xi32, #tpu.memory_space<vmem>>
    %dma_wait3A_41 = tpu.memref_squeeze %dma_wait3A_40 : memref<1x128xi32, #tpu.memory_space<vmem>> -> memref<128xi32, #tpu.memory_space<vmem>>
    %dma_wait3A_42 = arith.constant 0 : i32
    %dma_wait3A_43 = arith.constant 0 : i32
    %dma_wait3A_44 = tpu.memref_slice %arg3[%dma_wait3A_42, %dma_wait3A_43] : memref<100000x128xf32, #tpu.memory_space<hbm>> -> memref<100000x128xf32, #tpu.memory_space<hbm>>
    tpu.wait_indirect_dma semaphore(%arg19 : memref<!tpu.dma_semaphore, #tpu.memory_space<semaphore_mem>>) src(%dma_wait3A_44 : memref<100000x128xf32, #tpu.memory_space<hbm>>) dst(%arg11 : memref<128x128xf32, #tpu.memory_space<vmem>>)
    %dma_start3A_45 = arith.constant 5 : i32
    %dma_start3A_46 = arith.constant 0 : i32
    %dma_start3A_47 = tpu.memref_slice %arg8[%dma_start3A_45, %dma_start3A_46] : memref<24x128xi32, #tpu.memory_space<vmem>> -> memref<1x128xi32, #tpu.memory_space<vmem>>
    %dma_start3A_48 = tpu.memref_squeeze %dma_start3A_47 : memref<1x128xi32, #tpu.memory_space<vmem>> -> memref<128xi32, #tpu.memory_space<vmem>>
    %dma_start3A_49 = arith.constant 0 : i32
    %dma_start3A_50 = arith.constant 0 : i32
    %dma_start3A_51 = tpu.memref_slice %arg3[%dma_start3A_49, %dma_start3A_50] : memref<100000x128xf32, #tpu.memory_space<hbm>> -> memref<100000x128xf32, #tpu.memory_space<hbm>>
    tpu.enqueue_indirect_dma source(%dma_start3A_51 : memref<100000x128xf32, #tpu.memory_space<hbm>>) target(%arg14 : memref<128x128xf32, #tpu.memory_space<vmem>>) offsets(%dma_start3A_48 : memref<128xi32, #tpu.memory_space<vmem>>) semaphore(%arg22 : memref<!tpu.dma_semaphore, #tpu.memory_space<semaphore_mem>>)
    %add3A_52 = arith.constant 0 : i32
    %add3A_53 = arith.addi %mul3A_17, %add3A_52 : i32
    %dma_start3A_54 = arith.constant 0 : i32
    %dma_start3A_55 = tpu.memref_slice %arg7[%add3A_53, %dma_start3A_54] : memref<81920x128xf32, #tpu.memory_space<hbm>> -> memref<128x128xf32, #tpu.memory_space<hbm>>
    %dma_start3A_56 = arith.constant 0 : i32
    %dma_start3A_57 = tpu.memref_slice %arg7[%add3A_53, %dma_start3A_56] : memref<81920x128xf32, #tpu.memory_space<hbm>> -> memref<128x128xf32, #tpu.memory_space<hbm>>
    tpu.enqueue_dma source(%arg11 : memref<128x128xf32, #tpu.memory_space<vmem>>) target(%dma_start3A_57 : memref<128x128xf32, #tpu.memory_space<hbm>>) target_semaphore(%arg23 : memref<!tpu.dma_semaphore, #tpu.memory_space<semaphore_mem>>)
    %scan3A = arith.constant 0 : i32
    %scan3A_58 = arith.constant 4 : i32
    %scan3A_59 = arith.addi %scan3A, %scan3A_58 : i32
    %scan3A_60 = arith.constant 1 : i32
    scf.for %scan3A_163 = %scan3A to %scan3A_59 step %scan3A_60  : i32 {
      %mul3A_164 = arith.constant 1 : i32
      %mul3A_165 = arith.muli %scan3A_163, %mul3A_164 : i32
      %add3A_166 = arith.constant 0 : i32
      %add3A_167 = arith.addi %add3A_166, %mul3A_165 : i32
      %mul3A_168 = arith.constant 4 : i32
      %mul3A_169 = arith.muli %mul3A_168, %add3A_167 : i32
      %add3A_170 = arith.constant 1 : i32
      %add3A_171 = arith.addi %add3A_170, %mul3A_169 : i32
      %add3A_172 = arith.constant 2 : i32
      %add3A_173 = arith.addi %add3A_172, %add3A_171 : i32
      %dma_wait3A_174 = arith.constant 0 : i32
      %dma_wait3A_175 = tpu.memref_slice %arg8[%add3A_173, %dma_wait3A_174] : memref<24x128xi32, #tpu.memory_space<vmem>> -> memref<1x128xi32, #tpu.memory_space<vmem>>
      %dma_wait3A_176 = tpu.memref_squeeze %dma_wait3A_175 : memref<1x128xi32, #tpu.memory_space<vmem>> -> memref<128xi32, #tpu.memory_space<vmem>>
      %dma_wait3A_177 = arith.constant 0 : i32
      %dma_wait3A_178 = arith.constant 0 : i32
      %dma_wait3A_179 = tpu.memref_slice %arg3[%dma_wait3A_177, %dma_wait3A_178] : memref<100000x128xf32, #tpu.memory_space<hbm>> -> memref<100000x128xf32, #tpu.memory_space<hbm>>
      tpu.wait_indirect_dma semaphore(%arg20 : memref<!tpu.dma_semaphore, #tpu.memory_space<semaphore_mem>>) src(%dma_wait3A_179 : memref<100000x128xf32, #tpu.memory_space<hbm>>) dst(%arg12 : memref<128x128xf32, #tpu.memory_space<vmem>>)
      %sub3A = arith.constant 1 : i32
      %sub3A_180 = arith.subi %add3A_171, %sub3A : i32
      %mul3A_181 = arith.constant 4096 : i32
      %mul3A_182 = arith.muli %sub3A_180, %mul3A_181 : i32
      %add3A_183 = arith.addi %mul3A_17, %mul3A_182 : i32
      %dma_wait3A_184 = arith.constant 0 : i32
      %dma_wait3A_185 = tpu.memref_slice %arg7[%add3A_183, %dma_wait3A_184] : memref<81920x128xf32, #tpu.memory_space<hbm>> -> memref<128x128xf32, #tpu.memory_space<hbm>>
      %dma_wait3A_186 = arith.constant 0 : i32
      %dma_wait3A_187 = tpu.memref_slice %arg7[%add3A_183, %dma_wait3A_186] : memref<81920x128xf32, #tpu.memory_space<hbm>> -> memref<128x128xf32, #tpu.memory_space<hbm>>
      tpu.wait_dma2 semaphore(%arg23 : memref<!tpu.dma_semaphore, #tpu.memory_space<semaphore_mem>>) src(%arg11 : memref<128x128xf32, #tpu.memory_space<vmem>>) dst(%dma_wait3A_187 : memref<128x128xf32, #tpu.memory_space<hbm>>)
      %add3A_188 = arith.constant 3 : i32
      %add3A_189 = arith.addi %add3A_171, %add3A_188 : i32
      %add3A_190 = arith.constant 2 : i32
      %add3A_191 = arith.addi %add3A_190, %add3A_189 : i32
      %dma_start3A_192 = arith.constant 0 : i32
      %dma_start3A_193 = tpu.memref_slice %arg8[%add3A_191, %dma_start3A_192] : memref<24x128xi32, #tpu.memory_space<vmem>> -> memref<1x128xi32, #tpu.memory_space<vmem>>
      %dma_start3A_194 = tpu.memref_squeeze %dma_start3A_193 : memref<1x128xi32, #tpu.memory_space<vmem>> -> memref<128xi32, #tpu.memory_space<vmem>>
      %dma_start3A_195 = arith.constant 0 : i32
      %dma_start3A_196 = arith.constant 0 : i32
      %dma_start3A_197 = tpu.memref_slice %arg3[%dma_start3A_195, %dma_start3A_196] : memref<100000x128xf32, #tpu.memory_space<hbm>> -> memref<100000x128xf32, #tpu.memory_space<hbm>>
      tpu.enqueue_indirect_dma source(%dma_start3A_197 : memref<100000x128xf32, #tpu.memory_space<hbm>>) target(%arg11 : memref<128x128xf32, #tpu.memory_space<vmem>>) offsets(%dma_start3A_194 : memref<128xi32, #tpu.memory_space<vmem>>) semaphore(%arg19 : memref<!tpu.dma_semaphore, #tpu.memory_space<semaphore_mem>>)
      %mul3A_198 = arith.constant 4096 : i32
      %mul3A_199 = arith.muli %add3A_171, %mul3A_198 : i32
      %add3A_200 = arith.addi %mul3A_17, %mul3A_199 : i32
      %dma_start3A_201 = arith.constant 0 : i32
      %dma_start3A_202 = tpu.memref_slice %arg7[%add3A_200, %dma_start3A_201] : memref<81920x128xf32, #tpu.memory_space<hbm>> -> memref<128x128xf32, #tpu.memory_space<hbm>>
      %dma_start3A_203 = arith.constant 0 : i32
      %dma_start3A_204 = tpu.memref_slice %arg7[%add3A_200, %dma_start3A_203] : memref<81920x128xf32, #tpu.memory_space<hbm>> -> memref<128x128xf32, #tpu.memory_space<hbm>>
      tpu.enqueue_dma source(%arg12 : memref<128x128xf32, #tpu.memory_space<vmem>>) target(%dma_start3A_204 : memref<128x128xf32, #tpu.memory_space<hbm>>) target_semaphore(%arg24 : memref<!tpu.dma_semaphore, #tpu.memory_space<semaphore_mem>>)
      %mul3A_205 = arith.constant 4 : i32
      %mul3A_206 = arith.muli %mul3A_205, %add3A_167 : i32
      %add3A_207 = arith.constant 2 : i32
      %add3A_208 = arith.addi %add3A_207, %mul3A_206 : i32
      %add3A_209 = arith.constant 2 : i32
      %add3A_210 = arith.addi %add3A_209, %add3A_208 : i32
      %dma_wait3A_211 = arith.constant 0 : i32
      %dma_wait3A_212 = tpu.memref_slice %arg8[%add3A_210, %dma_wait3A_211] : memref<24x128xi32, #tpu.memory_space<vmem>> -> memref<1x128xi32, #tpu.memory_space<vmem>>
      %dma_wait3A_213 = tpu.memref_squeeze %dma_wait3A_212 : memref<1x128xi32, #tpu.memory_space<vmem>> -> memref<128xi32, #tpu.memory_space<vmem>>
      %dma_wait3A_214 = arith.constant 0 : i32
      %dma_wait3A_215 = arith.constant 0 : i32
      %dma_wait3A_216 = tpu.memref_slice %arg3[%dma_wait3A_214, %dma_wait3A_215] : memref<100000x128xf32, #tpu.memory_space<hbm>> -> memref<100000x128xf32, #tpu.memory_space<hbm>>
      tpu.wait_indirect_dma semaphore(%arg21 : memref<!tpu.dma_semaphore, #tpu.memory_space<semaphore_mem>>) src(%dma_wait3A_216 : memref<100000x128xf32, #tpu.memory_space<hbm>>) dst(%arg13 : memref<128x128xf32, #tpu.memory_space<vmem>>)
      %sub3A_217 = arith.constant 1 : i32
      %sub3A_218 = arith.subi %add3A_208, %sub3A_217 : i32
      %mul3A_219 = arith.constant 4096 : i32
      %mul3A_220 = arith.muli %sub3A_218, %mul3A_219 : i32
      %add3A_221 = arith.addi %mul3A_17, %mul3A_220 : i32
      %dma_wait3A_222 = arith.constant 0 : i32
      %dma_wait3A_223 = tpu.memref_slice %arg7[%add3A_221, %dma_wait3A_222] : memref<81920x128xf32, #tpu.memory_space<hbm>> -> memref<128x128xf32, #tpu.memory_space<hbm>>
      %dma_wait3A_224 = arith.constant 0 : i32
      %dma_wait3A_225 = tpu.memref_slice %arg7[%add3A_221, %dma_wait3A_224] : memref<81920x128xf32, #tpu.memory_space<hbm>> -> memref<128x128xf32, #tpu.memory_space<hbm>>
      tpu.wait_dma2 semaphore(%arg24 : memref<!tpu.dma_semaphore, #tpu.memory_space<semaphore_mem>>) src(%arg12 : memref<128x128xf32, #tpu.memory_space<vmem>>) dst(%dma_wait3A_225 : memref<128x128xf32, #tpu.memory_space<hbm>>)
      %add3A_226 = arith.constant 3 : i32
      %add3A_227 = arith.addi %add3A_208, %add3A_226 : i32
      %add3A_228 = arith.constant 2 : i32
      %add3A_229 = arith.addi %add3A_228, %add3A_227 : i32
      %dma_start3A_230 = arith.constant 0 : i32
      %dma_start3A_231 = tpu.memref_slice %arg8[%add3A_229, %dma_start3A_230] : memref<24x128xi32, #tpu.memory_space<vmem>> -> memref<1x128xi32, #tpu.memory_space<vmem>>
      %dma_start3A_232 = tpu.memref_squeeze %dma_start3A_231 : memref<1x128xi32, #tpu.memory_space<vmem>> -> memref<128xi32, #tpu.memory_space<vmem>>
      %dma_start3A_233 = arith.constant 0 : i32
      %dma_start3A_234 = arith.constant 0 : i32
      %dma_start3A_235 = tpu.memref_slice %arg3[%dma_start3A_233, %dma_start3A_234] : memref<100000x128xf32, #tpu.memory_space<hbm>> -> memref<100000x128xf32, #tpu.memory_space<hbm>>
      tpu.enqueue_indirect_dma source(%dma_start3A_235 : memref<100000x128xf32, #tpu.memory_space<hbm>>) target(%arg12 : memref<128x128xf32, #tpu.memory_space<vmem>>) offsets(%dma_start3A_232 : memref<128xi32, #tpu.memory_space<vmem>>) semaphore(%arg20 : memref<!tpu.dma_semaphore, #tpu.memory_space<semaphore_mem>>)
      %mul3A_236 = arith.constant 4096 : i32
      %mul3A_237 = arith.muli %add3A_208, %mul3A_236 : i32
      %add3A_238 = arith.addi %mul3A_17, %mul3A_237 : i32
      %dma_start3A_239 = arith.constant 0 : i32
      %dma_start3A_240 = tpu.memref_slice %arg7[%add3A_238, %dma_start3A_239] : memref<81920x128xf32, #tpu.memory_space<hbm>> -> memref<128x128xf32, #tpu.memory_space<hbm>>
      %dma_start3A_241 = arith.constant 0 : i32
      %dma_start3A_242 = tpu.memref_slice %arg7[%add3A_238, %dma_start3A_241] : memref<81920x128xf32, #tpu.memory_space<hbm>> -> memref<128x128xf32, #tpu.memory_space<hbm>>
      tpu.enqueue_dma source(%arg13 : memref<128x128xf32, #tpu.memory_space<vmem>>) target(%dma_start3A_242 : memref<128x128xf32, #tpu.memory_space<hbm>>) target_semaphore(%arg25 : memref<!tpu.dma_semaphore, #tpu.memory_space<semaphore_mem>>)
      %mul3A_243 = arith.constant 4 : i32
      %mul3A_244 = arith.muli %mul3A_243, %add3A_167 : i32
      %add3A_245 = arith.constant 3 : i32
      %add3A_246 = arith.addi %add3A_245, %mul3A_244 : i32
      %add3A_247 = arith.constant 2 : i32
      %add3A_248 = arith.addi %add3A_247, %add3A_246 : i32
      %dma_wait3A_249 = arith.constant 0 : i32
      %dma_wait3A_250 = tpu.memref_slice %arg8[%add3A_248, %dma_wait3A_249] : memref<24x128xi32, #tpu.memory_space<vmem>> -> memref<1x128xi32, #tpu.memory_space<vmem>>
      %dma_wait3A_251 = tpu.memref_squeeze %dma_wait3A_250 : memref<1x128xi32, #tpu.memory_space<vmem>> -> memref<128xi32, #tpu.memory_space<vmem>>
      %dma_wait3A_252 = arith.constant 0 : i32
      %dma_wait3A_253 = arith.constant 0 : i32
      %dma_wait3A_254 = tpu.memref_slice %arg3[%dma_wait3A_252, %dma_wait3A_253] : memref<100000x128xf32, #tpu.memory_space<hbm>> -> memref<100000x128xf32, #tpu.memory_space<hbm>>
      tpu.wait_indirect_dma semaphore(%arg22 : memref<!tpu.dma_semaphore, #tpu.memory_space<semaphore_mem>>) src(%dma_wait3A_254 : memref<100000x128xf32, #tpu.memory_space<hbm>>) dst(%arg14 : memref<128x128xf32, #tpu.memory_space<vmem>>)
      %sub3A_255 = arith.constant 1 : i32
      %sub3A_256 = arith.subi %add3A_246, %sub3A_255 : i32
      %mul3A_257 = arith.constant 4096 : i32
      %mul3A_258 = arith.muli %sub3A_256, %mul3A_257 : i32
      %add3A_259 = arith.addi %mul3A_17, %mul3A_258 : i32
      %dma_wait3A_260 = arith.constant 0 : i32
      %dma_wait3A_261 = tpu.memref_slice %arg7[%add3A_259, %dma_wait3A_260] : memref<81920x128xf32, #tpu.memory_space<hbm>> -> memref<128x128xf32, #tpu.memory_space<hbm>>
      %dma_wait3A_262 = arith.constant 0 : i32
      %dma_wait3A_263 = tpu.memref_slice %arg7[%add3A_259, %dma_wait3A_262] : memref<81920x128xf32, #tpu.memory_space<hbm>> -> memref<128x128xf32, #tpu.memory_space<hbm>>
      tpu.wait_dma2 semaphore(%arg25 : memref<!tpu.dma_semaphore, #tpu.memory_space<semaphore_mem>>) src(%arg13 : memref<128x128xf32, #tpu.memory_space<vmem>>) dst(%dma_wait3A_263 : memref<128x128xf32, #tpu.memory_space<hbm>>)
      %add3A_264 = arith.constant 3 : i32
      %add3A_265 = arith.addi %add3A_246, %add3A_264 : i32
      %add3A_266 = arith.constant 2 : i32
      %add3A_267 = arith.addi %add3A_266, %add3A_265 : i32
      %dma_start3A_268 = arith.constant 0 : i32
      %dma_start3A_269 = tpu.memref_slice %arg8[%add3A_267, %dma_start3A_268] : memref<24x128xi32, #tpu.memory_space<vmem>> -> memref<1x128xi32, #tpu.memory_space<vmem>>
      %dma_start3A_270 = tpu.memref_squeeze %dma_start3A_269 : memref<1x128xi32, #tpu.memory_space<vmem>> -> memref<128xi32, #tpu.memory_space<vmem>>
      %dma_start3A_271 = arith.constant 0 : i32
      %dma_start3A_272 = arith.constant 0 : i32
      %dma_start3A_273 = tpu.memref_slice %arg3[%dma_start3A_271, %dma_start3A_272] : memref<100000x128xf32, #tpu.memory_space<hbm>> -> memref<100000x128xf32, #tpu.memory_space<hbm>>
      tpu.enqueue_indirect_dma source(%dma_start3A_273 : memref<100000x128xf32, #tpu.memory_space<hbm>>) target(%arg13 : memref<128x128xf32, #tpu.memory_space<vmem>>) offsets(%dma_start3A_270 : memref<128xi32, #tpu.memory_space<vmem>>) semaphore(%arg21 : memref<!tpu.dma_semaphore, #tpu.memory_space<semaphore_mem>>)
      %mul3A_274 = arith.constant 4096 : i32
      %mul3A_275 = arith.muli %add3A_246, %mul3A_274 : i32
      %add3A_276 = arith.addi %mul3A_17, %mul3A_275 : i32
      %dma_start3A_277 = arith.constant 0 : i32
      %dma_start3A_278 = tpu.memref_slice %arg7[%add3A_276, %dma_start3A_277] : memref<81920x128xf32, #tpu.memory_space<hbm>> -> memref<128x128xf32, #tpu.memory_space<hbm>>
      %dma_start3A_279 = arith.constant 0 : i32
      %dma_start3A_280 = tpu.memref_slice %arg7[%add3A_276, %dma_start3A_279] : memref<81920x128xf32, #tpu.memory_space<hbm>> -> memref<128x128xf32, #tpu.memory_space<hbm>>
      tpu.enqueue_dma source(%arg14 : memref<128x128xf32, #tpu.memory_space<vmem>>) target(%dma_start3A_280 : memref<128x128xf32, #tpu.memory_space<hbm>>) target_semaphore(%arg26 : memref<!tpu.dma_semaphore, #tpu.memory_space<semaphore_mem>>)
      %mul3A_281 = arith.constant 4 : i32
      %mul3A_282 = arith.muli %mul3A_281, %add3A_167 : i32
      %add3A_283 = arith.constant 4 : i32
      %add3A_284 = arith.addi %add3A_283, %mul3A_282 : i32
      %add3A_285 = arith.constant 2 : i32
      %add3A_286 = arith.addi %add3A_285, %add3A_284 : i32
      %dma_wait3A_287 = arith.constant 0 : i32
      %dma_wait3A_288 = tpu.memref_slice %arg8[%add3A_286, %dma_wait3A_287] : memref<24x128xi32, #tpu.memory_space<vmem>> -> memref<1x128xi32, #tpu.memory_space<vmem>>
      %dma_wait3A_289 = tpu.memref_squeeze %dma_wait3A_288 : memref<1x128xi32, #tpu.memory_space<vmem>> -> memref<128xi32, #tpu.memory_space<vmem>>
      %dma_wait3A_290 = arith.constant 0 : i32
      %dma_wait3A_291 = arith.constant 0 : i32
      %dma_wait3A_292 = tpu.memref_slice %arg3[%dma_wait3A_290, %dma_wait3A_291] : memref<100000x128xf32, #tpu.memory_space<hbm>> -> memref<100000x128xf32, #tpu.memory_space<hbm>>
      tpu.wait_indirect_dma semaphore(%arg19 : memref<!tpu.dma_semaphore, #tpu.memory_space<semaphore_mem>>) src(%dma_wait3A_292 : memref<100000x128xf32, #tpu.memory_space<hbm>>) dst(%arg11 : memref<128x128xf32, #tpu.memory_space<vmem>>)
      %sub3A_293 = arith.constant 1 : i32
      %sub3A_294 = arith.subi %add3A_284, %sub3A_293 : i32
      %mul3A_295 = arith.constant 4096 : i32
      %mul3A_296 = arith.muli %sub3A_294, %mul3A_295 : i32
      %add3A_297 = arith.addi %mul3A_17, %mul3A_296 : i32
      %dma_wait3A_298 = arith.constant 0 : i32
      %dma_wait3A_299 = tpu.memref_slice %arg7[%add3A_297, %dma_wait3A_298] : memref<81920x128xf32, #tpu.memory_space<hbm>> -> memref<128x128xf32, #tpu.memory_space<hbm>>
      %dma_wait3A_300 = arith.constant 0 : i32
      %dma_wait3A_301 = tpu.memref_slice %arg7[%add3A_297, %dma_wait3A_300] : memref<81920x128xf32, #tpu.memory_space<hbm>> -> memref<128x128xf32, #tpu.memory_space<hbm>>
      tpu.wait_dma2 semaphore(%arg26 : memref<!tpu.dma_semaphore, #tpu.memory_space<semaphore_mem>>) src(%arg14 : memref<128x128xf32, #tpu.memory_space<vmem>>) dst(%dma_wait3A_301 : memref<128x128xf32, #tpu.memory_space<hbm>>)
      %add3A_302 = arith.constant 3 : i32
      %add3A_303 = arith.addi %add3A_284, %add3A_302 : i32
      %add3A_304 = arith.constant 2 : i32
      %add3A_305 = arith.addi %add3A_304, %add3A_303 : i32
      %dma_start3A_306 = arith.constant 0 : i32
      %dma_start3A_307 = tpu.memref_slice %arg8[%add3A_305, %dma_start3A_306] : memref<24x128xi32, #tpu.memory_space<vmem>> -> memref<1x128xi32, #tpu.memory_space<vmem>>
      %dma_start3A_308 = tpu.memref_squeeze %dma_start3A_307 : memref<1x128xi32, #tpu.memory_space<vmem>> -> memref<128xi32, #tpu.memory_space<vmem>>
      %dma_start3A_309 = arith.constant 0 : i32
      %dma_start3A_310 = arith.constant 0 : i32
      %dma_start3A_311 = tpu.memref_slice %arg3[%dma_start3A_309, %dma_start3A_310] : memref<100000x128xf32, #tpu.memory_space<hbm>> -> memref<100000x128xf32, #tpu.memory_space<hbm>>
      tpu.enqueue_indirect_dma source(%dma_start3A_311 : memref<100000x128xf32, #tpu.memory_space<hbm>>) target(%arg14 : memref<128x128xf32, #tpu.memory_space<vmem>>) offsets(%dma_start3A_308 : memref<128xi32, #tpu.memory_space<vmem>>) semaphore(%arg22 : memref<!tpu.dma_semaphore, #tpu.memory_space<semaphore_mem>>)
      %mul3A_312 = arith.constant 4096 : i32
      %mul3A_313 = arith.muli %add3A_284, %mul3A_312 : i32
      %add3A_314 = arith.addi %mul3A_17, %mul3A_313 : i32
      %dma_start3A_315 = arith.constant 0 : i32
      %dma_start3A_316 = tpu.memref_slice %arg7[%add3A_314, %dma_start3A_315] : memref<81920x128xf32, #tpu.memory_space<hbm>> -> memref<128x128xf32, #tpu.memory_space<hbm>>
      %dma_start3A_317 = arith.constant 0 : i32
      %dma_start3A_318 = tpu.memref_slice %arg7[%add3A_314, %dma_start3A_317] : memref<81920x128xf32, #tpu.memory_space<hbm>> -> memref<128x128xf32, #tpu.memory_space<hbm>>
      tpu.enqueue_dma source(%arg11 : memref<128x128xf32, #tpu.memory_space<vmem>>) target(%dma_start3A_318 : memref<128x128xf32, #tpu.memory_space<hbm>>) target_semaphore(%arg23 : memref<!tpu.dma_semaphore, #tpu.memory_space<semaphore_mem>>)
    }
    %scan3A_61 = arith.constant 4 : i32
    %dma_wait3A_62 = arith.constant 19 : i32
    %dma_wait3A_63 = arith.constant 0 : i32
    %dma_wait3A_64 = tpu.memref_slice %arg8[%dma_wait3A_62, %dma_wait3A_63] : memref<24x128xi32, #tpu.memory_space<vmem>> -> memref<1x128xi32, #tpu.memory_space<vmem>>
    %dma_wait3A_65 = tpu.memref_squeeze %dma_wait3A_64 : memref<1x128xi32, #tpu.memory_space<vmem>> -> memref<128xi32, #tpu.memory_space<vmem>>
    %dma_wait3A_66 = arith.constant 0 : i32
    %dma_wait3A_67 = arith.constant 0 : i32
    %dma_wait3A_68 = tpu.memref_slice %arg3[%dma_wait3A_66, %dma_wait3A_67] : memref<100000x128xf32, #tpu.memory_space<hbm>> -> memref<100000x128xf32, #tpu.memory_space<hbm>>
    tpu.wait_indirect_dma semaphore(%arg20 : memref<!tpu.dma_semaphore, #tpu.memory_space<semaphore_mem>>) src(%dma_wait3A_68 : memref<100000x128xf32, #tpu.memory_space<hbm>>) dst(%arg12 : memref<128x128xf32, #tpu.memory_space<vmem>>)
    %add3A_69 = arith.constant 65536 : i32
    %add3A_70 = arith.addi %mul3A_17, %add3A_69 : i32
    %dma_wait3A_71 = arith.constant 0 : i32
    %dma_wait3A_72 = tpu.memref_slice %arg7[%add3A_70, %dma_wait3A_71] : memref<81920x128xf32, #tpu.memory_space<hbm>> -> memref<128x128xf32, #tpu.memory_space<hbm>>
    %dma_wait3A_73 = arith.constant 0 : i32
    %dma_wait3A_74 = tpu.memref_slice %arg7[%add3A_70, %dma_wait3A_73] : memref<81920x128xf32, #tpu.memory_space<hbm>> -> memref<128x128xf32, #tpu.memory_space<hbm>>
    tpu.wait_dma2 semaphore(%arg23 : memref<!tpu.dma_semaphore, #tpu.memory_space<semaphore_mem>>) src(%arg11 : memref<128x128xf32, #tpu.memory_space<vmem>>) dst(%dma_wait3A_74 : memref<128x128xf32, #tpu.memory_space<hbm>>)
    %add3A_75 = arith.constant 69632 : i32
    %add3A_76 = arith.addi %mul3A_17, %add3A_75 : i32
    %dma_start3A_77 = arith.constant 0 : i32
    %dma_start3A_78 = tpu.memref_slice %arg7[%add3A_76, %dma_start3A_77] : memref<81920x128xf32, #tpu.memory_space<hbm>> -> memref<128x128xf32, #tpu.memory_space<hbm>>
    %dma_start3A_79 = arith.constant 0 : i32
    %dma_start3A_80 = tpu.memref_slice %arg7[%add3A_76, %dma_start3A_79] : memref<81920x128xf32, #tpu.memory_space<hbm>> -> memref<128x128xf32, #tpu.memory_space<hbm>>
    tpu.enqueue_dma source(%arg12 : memref<128x128xf32, #tpu.memory_space<vmem>>) target(%dma_start3A_80 : memref<128x128xf32, #tpu.memory_space<hbm>>) target_semaphore(%arg24 : memref<!tpu.dma_semaphore, #tpu.memory_space<semaphore_mem>>)
    %dma_wait3A_81 = arith.constant 20 : i32
    %dma_wait3A_82 = arith.constant 0 : i32
    %dma_wait3A_83 = tpu.memref_slice %arg8[%dma_wait3A_81, %dma_wait3A_82] : memref<24x128xi32, #tpu.memory_space<vmem>> -> memref<1x128xi32, #tpu.memory_space<vmem>>
    %dma_wait3A_84 = tpu.memref_squeeze %dma_wait3A_83 : memref<1x128xi32, #tpu.memory_space<vmem>> -> memref<128xi32, #tpu.memory_space<vmem>>
    %dma_wait3A_85 = arith.constant 0 : i32
    %dma_wait3A_86 = arith.constant 0 : i32
    %dma_wait3A_87 = tpu.memref_slice %arg3[%dma_wait3A_85, %dma_wait3A_86] : memref<100000x128xf32, #tpu.memory_space<hbm>> -> memref<100000x128xf32, #tpu.memory_space<hbm>>
    tpu.wait_indirect_dma semaphore(%arg21 : memref<!tpu.dma_semaphore, #tpu.memory_space<semaphore_mem>>) src(%dma_wait3A_87 : memref<100000x128xf32, #tpu.memory_space<hbm>>) dst(%arg13 : memref<128x128xf32, #tpu.memory_space<vmem>>)
    %add3A_88 = arith.constant 69632 : i32
    %add3A_89 = arith.addi %mul3A_17, %add3A_88 : i32
    %dma_wait3A_90 = arith.constant 0 : i32
    %dma_wait3A_91 = tpu.memref_slice %arg7[%add3A_89, %dma_wait3A_90] : memref<81920x128xf32, #tpu.memory_space<hbm>> -> memref<128x128xf32, #tpu.memory_space<hbm>>
    %dma_wait3A_92 = arith.constant 0 : i32
    %dma_wait3A_93 = tpu.memref_slice %arg7[%add3A_89, %dma_wait3A_92] : memref<81920x128xf32, #tpu.memory_space<hbm>> -> memref<128x128xf32, #tpu.memory_space<hbm>>
    tpu.wait_dma2 semaphore(%arg24 : memref<!tpu.dma_semaphore, #tpu.memory_space<semaphore_mem>>) src(%arg12 : memref<128x128xf32, #tpu.memory_space<vmem>>) dst(%dma_wait3A_93 : memref<128x128xf32, #tpu.memory_space<hbm>>)
    %add3A_94 = arith.constant 73728 : i32
    %add3A_95 = arith.addi %mul3A_17, %add3A_94 : i32
    %dma_start3A_96 = arith.constant 0 : i32
    %dma_start3A_97 = tpu.memref_slice %arg7[%add3A_95, %dma_start3A_96] : memref<81920x128xf32, #tpu.memory_space<hbm>> -> memref<128x128xf32, #tpu.memory_space<hbm>>
    %dma_start3A_98 = arith.constant 0 : i32
    %dma_start3A_99 = tpu.memref_slice %arg7[%add3A_95, %dma_start3A_98] : memref<81920x128xf32, #tpu.memory_space<hbm>> -> memref<128x128xf32, #tpu.memory_space<hbm>>
    tpu.enqueue_dma source(%arg13 : memref<128x128xf32, #tpu.memory_space<vmem>>) target(%dma_start3A_99 : memref<128x128xf32, #tpu.memory_space<hbm>>) target_semaphore(%arg25 : memref<!tpu.dma_semaphore, #tpu.memory_space<semaphore_mem>>)
    %dma_wait3A_100 = arith.constant 21 : i32
    %dma_wait3A_101 = arith.constant 0 : i32
    %dma_wait3A_102 = tpu.memref_slice %arg8[%dma_wait3A_100, %dma_wait3A_101] : memref<24x128xi32, #tpu.memory_space<vmem>> -> memref<1x128xi32, #tpu.memory_space<vmem>>
    %dma_wait3A_103 = tpu.memref_squeeze %dma_wait3A_102 : memref<1x128xi32, #tpu.memory_space<vmem>> -> memref<128xi32, #tpu.memory_space<vmem>>
    %dma_wait3A_104 = arith.constant 0 : i32
    %dma_wait3A_105 = arith.constant 0 : i32
    %dma_wait3A_106 = tpu.memref_slice %arg3[%dma_wait3A_104, %dma_wait3A_105] : memref<100000x128xf32, #tpu.memory_space<hbm>> -> memref<100000x128xf32, #tpu.memory_space<hbm>>
    tpu.wait_indirect_dma semaphore(%arg22 : memref<!tpu.dma_semaphore, #tpu.memory_space<semaphore_mem>>) src(%dma_wait3A_106 : memref<100000x128xf32, #tpu.memory_space<hbm>>) dst(%arg14 : memref<128x128xf32, #tpu.memory_space<vmem>>)
    %add3A_107 = arith.constant 73728 : i32
    %add3A_108 = arith.addi %mul3A_17, %add3A_107 : i32
    %dma_wait3A_109 = arith.constant 0 : i32
    %dma_wait3A_110 = tpu.memref_slice %arg7[%add3A_108, %dma_wait3A_109] : memref<81920x128xf32, #tpu.memory_space<hbm>> -> memref<128x128xf32, #tpu.memory_space<hbm>>
    %dma_wait3A_111 = arith.constant 0 : i32
    %dma_wait3A_112 = tpu.memref_slice %arg7[%add3A_108, %dma_wait3A_111] : memref<81920x128xf32, #tpu.memory_space<hbm>> -> memref<128x128xf32, #tpu.memory_space<hbm>>
    tpu.wait_dma2 semaphore(%arg25 : memref<!tpu.dma_semaphore, #tpu.memory_space<semaphore_mem>>) src(%arg13 : memref<128x128xf32, #tpu.memory_space<vmem>>) dst(%dma_wait3A_112 : memref<128x128xf32, #tpu.memory_space<hbm>>)
    %add3A_113 = arith.constant 77824 : i32
    %add3A_114 = arith.addi %mul3A_17, %add3A_113 : i32
    %dma_start3A_115 = arith.constant 0 : i32
    %dma_start3A_116 = tpu.memref_slice %arg7[%add3A_114, %dma_start3A_115] : memref<81920x128xf32, #tpu.memory_space<hbm>> -> memref<128x128xf32, #tpu.memory_space<hbm>>
    %dma_start3A_117 = arith.constant 0 : i32
    %dma_start3A_118 = tpu.memref_slice %arg7[%add3A_114, %dma_start3A_117] : memref<81920x128xf32, #tpu.memory_space<hbm>> -> memref<128x128xf32, #tpu.memory_space<hbm>>
    tpu.enqueue_dma source(%arg14 : memref<128x128xf32, #tpu.memory_space<vmem>>) target(%dma_start3A_118 : memref<128x128xf32, #tpu.memory_space<hbm>>) target_semaphore(%arg26 : memref<!tpu.dma_semaphore, #tpu.memory_space<semaphore_mem>>)
    %dma_wait3A_119 = arith.constant 0 : i32
    %dma_wait3A_120 = arith.constant 0 : i32
    %dma_wait3A_121 = tpu.memref_slice %arg8[%dma_wait3A_119, %dma_wait3A_120] : memref<24x128xi32, #tpu.memory_space<vmem>> -> memref<1x128xi32, #tpu.memory_space<vmem>>
    %dma_wait3A_122 = tpu.memref_squeeze %dma_wait3A_121 : memref<1x128xi32, #tpu.memory_space<vmem>> -> memref<128xi32, #tpu.memory_space<vmem>>
    %dma_wait3A_123 = arith.constant 0 : i32
    %dma_wait3A_124 = arith.constant 0 : i32
    %dma_wait3A_125 = tpu.memref_slice %arg2[%dma_wait3A_123, %dma_wait3A_124] : memref<100000x128xf32, #tpu.memory_space<hbm>> -> memref<100000x128xf32, #tpu.memory_space<hbm>>
    tpu.wait_indirect_dma semaphore(%arg15 : memref<!tpu.dma_semaphore, #tpu.memory_space<semaphore_mem>>) src(%dma_wait3A_125 : memref<100000x128xf32, #tpu.memory_space<hbm>>) dst(%arg9 : memref<128x128xf32, #tpu.memory_space<vmem>>)
    %mul3A_126 = arith.constant 128 : i32
    %mul3A_127 = arith.muli %add3A, %mul3A_126 : i32
    %dma_start3A_128 = arith.constant 0 : i32
    %dma_start3A_129 = tpu.memref_slice %arg5[%mul3A_127, %dma_start3A_128] : memref<4096x128xf32, #tpu.memory_space<hbm>> -> memref<128x128xf32, #tpu.memory_space<hbm>>
    %dma_start3A_130 = arith.constant 0 : i32
    %dma_start3A_131 = tpu.memref_slice %arg5[%mul3A_127, %dma_start3A_130] : memref<4096x128xf32, #tpu.memory_space<hbm>> -> memref<128x128xf32, #tpu.memory_space<hbm>>
    tpu.enqueue_dma source(%arg9 : memref<128x128xf32, #tpu.memory_space<vmem>>) target(%dma_start3A_131 : memref<128x128xf32, #tpu.memory_space<hbm>>) target_semaphore(%arg17 : memref<!tpu.dma_semaphore, #tpu.memory_space<semaphore_mem>>)
    %dma_wait3A_132 = arith.constant 1 : i32
    %dma_wait3A_133 = arith.constant 0 : i32
    %dma_wait3A_134 = tpu.memref_slice %arg8[%dma_wait3A_132, %dma_wait3A_133] : memref<24x128xi32, #tpu.memory_space<vmem>> -> memref<1x128xi32, #tpu.memory_space<vmem>>
    %dma_wait3A_135 = tpu.memref_squeeze %dma_wait3A_134 : memref<1x128xi32, #tpu.memory_space<vmem>> -> memref<128xi32, #tpu.memory_space<vmem>>
    %dma_wait3A_136 = arith.constant 0 : i32
    %dma_wait3A_137 = arith.constant 0 : i32
    %dma_wait3A_138 = tpu.memref_slice %arg3[%dma_wait3A_136, %dma_wait3A_137] : memref<100000x128xf32, #tpu.memory_space<hbm>> -> memref<100000x128xf32, #tpu.memory_space<hbm>>
    tpu.wait_indirect_dma semaphore(%arg16 : memref<!tpu.dma_semaphore, #tpu.memory_space<semaphore_mem>>) src(%dma_wait3A_138 : memref<100000x128xf32, #tpu.memory_space<hbm>>) dst(%arg10 : memref<128x128xf32, #tpu.memory_space<vmem>>)
    %mul3A_139 = arith.constant 128 : i32
    %mul3A_140 = arith.muli %add3A, %mul3A_139 : i32
    %dma_start3A_141 = arith.constant 0 : i32
    %dma_start3A_142 = tpu.memref_slice %arg6[%mul3A_140, %dma_start3A_141] : memref<4096x128xf32, #tpu.memory_space<hbm>> -> memref<128x128xf32, #tpu.memory_space<hbm>>
    %dma_start3A_143 = arith.constant 0 : i32
    %dma_start3A_144 = tpu.memref_slice %arg6[%mul3A_140, %dma_start3A_143] : memref<4096x128xf32, #tpu.memory_space<hbm>> -> memref<128x128xf32, #tpu.memory_space<hbm>>
    tpu.enqueue_dma source(%arg10 : memref<128x128xf32, #tpu.memory_space<vmem>>) target(%dma_start3A_144 : memref<128x128xf32, #tpu.memory_space<hbm>>) target_semaphore(%arg18 : memref<!tpu.dma_semaphore, #tpu.memory_space<semaphore_mem>>)
    %add3A_145 = arith.constant 77824 : i32
    %add3A_146 = arith.addi %mul3A_17, %add3A_145 : i32
    %dma_wait3A_147 = arith.constant 0 : i32
    %dma_wait3A_148 = tpu.memref_slice %arg7[%add3A_146, %dma_wait3A_147] : memref<81920x128xf32, #tpu.memory_space<hbm>> -> memref<128x128xf32, #tpu.memory_space<hbm>>
    %dma_wait3A_149 = arith.constant 0 : i32
    %dma_wait3A_150 = tpu.memref_slice %arg7[%add3A_146, %dma_wait3A_149] : memref<81920x128xf32, #tpu.memory_space<hbm>> -> memref<128x128xf32, #tpu.memory_space<hbm>>
    tpu.wait_dma2 semaphore(%arg26 : memref<!tpu.dma_semaphore, #tpu.memory_space<semaphore_mem>>) src(%arg14 : memref<128x128xf32, #tpu.memory_space<vmem>>) dst(%dma_wait3A_150 : memref<128x128xf32, #tpu.memory_space<hbm>>)
    %mul3A_151 = arith.constant 128 : i32
    %mul3A_152 = arith.muli %add3A, %mul3A_151 : i32
    %dma_wait3A_153 = arith.constant 0 : i32
    %dma_wait3A_154 = tpu.memref_slice %arg5[%mul3A_152, %dma_wait3A_153] : memref<4096x128xf32, #tpu.memory_space<hbm>> -> memref<128x128xf32, #tpu.memory_space<hbm>>
    %dma_wait3A_155 = arith.constant 0 : i32
    %dma_wait3A_156 = tpu.memref_slice %arg5[%mul3A_152, %dma_wait3A_155] : memref<4096x128xf32, #tpu.memory_space<hbm>> -> memref<128x128xf32, #tpu.memory_space<hbm>>
    tpu.wait_dma2 semaphore(%arg17 : memref<!tpu.dma_semaphore, #tpu.memory_space<semaphore_mem>>) src(%arg9 : memref<128x128xf32, #tpu.memory_space<vmem>>) dst(%dma_wait3A_156 : memref<128x128xf32, #tpu.memory_space<hbm>>)
    %mul3A_157 = arith.constant 128 : i32
    %mul3A_158 = arith.muli %add3A, %mul3A_157 : i32
    %dma_wait3A_159 = arith.constant 0 : i32
    %dma_wait3A_160 = tpu.memref_slice %arg6[%mul3A_158, %dma_wait3A_159] : memref<4096x128xf32, #tpu.memory_space<hbm>> -> memref<128x128xf32, #tpu.memory_space<hbm>>
    %dma_wait3A_161 = arith.constant 0 : i32
    %dma_wait3A_162 = tpu.memref_slice %arg6[%mul3A_158, %dma_wait3A_161] : memref<4096x128xf32, #tpu.memory_space<hbm>> -> memref<128x128xf32, #tpu.memory_space<hbm>>
    tpu.wait_dma2 semaphore(%arg18 : memref<!tpu.dma_semaphore, #tpu.memory_space<semaphore_mem>>) src(%arg10 : memref<128x128xf32, #tpu.memory_space<vmem>>) dst(%dma_wait3A_162 : memref<128x128xf32, #tpu.memory_space<hbm>>)
    return
  }
}

#map = affine_map<(d0, d1) -> (0, 0)>
module attributes {stable_mosaic.version = 14 : i64} {
  func.func @_sc_gather(%arg0: i32, %arg1: i32, %arg2: memref<100000x128xf32, #tpu.memory_space<hbm>>, %arg3: memref<100000x128xf32, #tpu.memory_space<hbm>>, %arg4: memref<768x128xi32, #tpu.memory_space<hbm>>, %arg5: memref<4096x128xf32, #tpu.memory_space<hbm>>, %arg6: memref<4096x128xf32, #tpu.memory_space<hbm>>, %arg7: memref<81920x128xf32, #tpu.memory_space<hbm>>, %arg8: memref<24x128xi32, #tpu.memory_space<vmem>>, %arg9: memref<128x128xf32, #tpu.memory_space<vmem>>, %arg10: memref<128x128xf32, #tpu.memory_space<vmem>>, %arg11: memref<128x128xf32, #tpu.memory_space<vmem>>, %arg12: memref<128x128xf32, #tpu.memory_space<vmem>>, %arg13: memref<128x128xf32, #tpu.memory_space<vmem>>, %arg14: memref<128x128xf32, #tpu.memory_space<vmem>>, %arg15: memref<!tpu.dma_semaphore, #tpu.memory_space<semaphore_mem>>, %arg16: memref<!tpu.dma_semaphore, #tpu.memory_space<semaphore_mem>>, %arg17: memref<!tpu.dma_semaphore, #tpu.memory_space<semaphore_mem>>, %arg18: memref<!tpu.dma_semaphore, #tpu.memory_space<semaphore_mem>>, %arg19: memref<!tpu.dma_semaphore, #tpu.memory_space<semaphore_mem>>, %arg20: memref<!tpu.dma_semaphore, #tpu.memory_space<semaphore_mem>>, %arg21: memref<!tpu.dma_semaphore, #tpu.memory_space<semaphore_mem>>, %arg22: memref<!tpu.dma_semaphore, #tpu.memory_space<semaphore_mem>>, %arg23: memref<!tpu.dma_semaphore, #tpu.memory_space<semaphore_mem>>, %arg24: memref<!tpu.dma_semaphore, #tpu.memory_space<semaphore_mem>>, %arg25: memref<!tpu.dma_semaphore, #tpu.memory_space<semaphore_mem>>, %arg26: memref<!tpu.dma_semaphore, #tpu.memory_space<semaphore_mem>>) attributes {dimension_semantics = [#tpu.dimension_semantics<core_parallel>, #tpu.dimension_semantics<subcore_parallel>], iteration_bounds = array<i64: 2, 16>, scalar_prefetch = 0 : i64, scratch_operands = 19 : i64, tpu.core_type = #tpu.core_type<sc_vector_subcore>, window_params = [{transform_indices = #map}, {transform_indices = #map}, {transform_indices = #map}, {transform_indices = #map}, {transform_indices = #map}, {transform_indices = #map}]} {
    %mul3A = arith.constant 2 : i32
    %mul3A_0 = arith.muli %arg1, %mul3A : i32
    %add3A = arith.addi %mul3A_0, %arg0 : i32
    %mul3A_1 = arith.constant 24 : i32
    %mul3A_2 = arith.muli %add3A, %mul3A_1 : i32
    "tpu.region"() ({
      %run_scoped3A = tpu.sem_alloc : memref<!tpu.dma_semaphore, #tpu.memory_space<semaphore_mem>>
      %dma_start3A_163 = arith.constant 0 : i32
      %dma_start3A_164 = tpu.memref_slice %arg4[%mul3A_2, %dma_start3A_163] : memref<768x128xi32, #tpu.memory_space<hbm>> -> memref<24x128xi32, #tpu.memory_space<hbm>>
      %dma_start3A_165 = arith.constant 0 : i32
      %dma_start3A_166 = tpu.memref_slice %arg4[%mul3A_2, %dma_start3A_165] : memref<768x128xi32, #tpu.memory_space<hbm>> -> memref<24x128xi32, #tpu.memory_space<hbm>>
      tpu.enqueue_dma source(%dma_start3A_166 : memref<24x128xi32, #tpu.memory_space<hbm>>) target(%arg8 : memref<24x128xi32, #tpu.memory_space<vmem>>) target_semaphore(%run_scoped3A : memref<!tpu.dma_semaphore, #tpu.memory_space<semaphore_mem>>)
      %dma_wait3A_167 = arith.constant 0 : i32
      %dma_wait3A_168 = tpu.memref_slice %arg4[%mul3A_2, %dma_wait3A_167] : memref<768x128xi32, #tpu.memory_space<hbm>> -> memref<24x128xi32, #tpu.memory_space<hbm>>
      %dma_wait3A_169 = arith.constant 0 : i32
      %dma_wait3A_170 = tpu.memref_slice %arg4[%mul3A_2, %dma_wait3A_169] : memref<768x128xi32, #tpu.memory_space<hbm>> -> memref<24x128xi32, #tpu.memory_space<hbm>>
      tpu.wait_dma2 semaphore(%run_scoped3A : memref<!tpu.dma_semaphore, #tpu.memory_space<semaphore_mem>>) src(%dma_wait3A_170 : memref<24x128xi32, #tpu.memory_space<hbm>>) dst(%arg8 : memref<24x128xi32, #tpu.memory_space<vmem>>)
      tpu.yield
    }) : () -> ()
    %dma_start3A = arith.constant 0 : i32
    %dma_start3A_3 = arith.constant 0 : i32
    %dma_start3A_4 = tpu.memref_slice %arg8[%dma_start3A, %dma_start3A_3] : memref<24x128xi32, #tpu.memory_space<vmem>> -> memref<1x128xi32, #tpu.memory_space<vmem>>
    %dma_start3A_5 = tpu.memref_squeeze %dma_start3A_4 : memref<1x128xi32, #tpu.memory_space<vmem>> -> memref<128xi32, #tpu.memory_space<vmem>>
    %dma_start3A_6 = arith.constant 0 : i32
    %dma_start3A_7 = arith.constant 0 : i32
    %dma_start3A_8 = tpu.memref_slice %arg2[%dma_start3A_6, %dma_start3A_7] : memref<100000x128xf32, #tpu.memory_space<hbm>> -> memref<100000x128xf32, #tpu.memory_space<hbm>>
    tpu.enqueue_indirect_dma source(%dma_start3A_8 : memref<100000x128xf32, #tpu.memory_space<hbm>>) target(%arg9 : memref<128x128xf32, #tpu.memory_space<vmem>>) offsets(%dma_start3A_5 : memref<128xi32, #tpu.memory_space<vmem>>) semaphore(%arg15 : memref<!tpu.dma_semaphore, #tpu.memory_space<semaphore_mem>>)
    %dma_start3A_9 = arith.constant 1 : i32
    %dma_start3A_10 = arith.constant 0 : i32
    %dma_start3A_11 = tpu.memref_slice %arg8[%dma_start3A_9, %dma_start3A_10] : memref<24x128xi32, #tpu.memory_space<vmem>> -> memref<1x128xi32, #tpu.memory_space<vmem>>
    %dma_start3A_12 = tpu.memref_squeeze %dma_start3A_11 : memref<1x128xi32, #tpu.memory_space<vmem>> -> memref<128xi32, #tpu.memory_space<vmem>>
    %dma_start3A_13 = arith.constant 0 : i32
    %dma_start3A_14 = arith.constant 0 : i32
    %dma_start3A_15 = tpu.memref_slice %arg3[%dma_start3A_13, %dma_start3A_14] : memref<100000x128xf32, #tpu.memory_space<hbm>> -> memref<100000x128xf32, #tpu.memory_space<hbm>>
    tpu.enqueue_indirect_dma source(%dma_start3A_15 : memref<100000x128xf32, #tpu.memory_space<hbm>>) target(%arg10 : memref<128x128xf32, #tpu.memory_space<vmem>>) offsets(%dma_start3A_12 : memref<128xi32, #tpu.memory_space<vmem>>) semaphore(%arg16 : memref<!tpu.dma_semaphore, #tpu.memory_space<semaphore_mem>>)
    %mul3A_16 = arith.constant 128 : i32
    %mul3A_17 = arith.muli %add3A, %mul3A_16 : i32
    %dma_start3A_18 = arith.constant 2 : i32
    %dma_start3A_19 = arith.constant 0 : i32
    %dma_start3A_20 = tpu.memref_slice %arg8[%dma_start3A_18, %dma_start3A_19] : memref<24x128xi32, #tpu.memory_space<vmem>> -> memref<1x128xi32, #tpu.memory_space<vmem>>
    %dma_start3A_21 = tpu.memref_squeeze %dma_start3A_20 : memref<1x128xi32, #tpu.memory_space<vmem>> -> memref<128xi32, #tpu.memory_space<vmem>>
    %dma_start3A_22 = arith.constant 0 : i32
    %dma_start3A_23 = arith.constant 0 : i32
    %dma_start3A_24 = tpu.memref_slice %arg3[%dma_start3A_22, %dma_start3A_23] : memref<100000x128xf32, #tpu.memory_space<hbm>> -> memref<100000x128xf32, #tpu.memory_space<hbm>>
    tpu.enqueue_indirect_dma source(%dma_start3A_24 : memref<100000x128xf32, #tpu.memory_space<hbm>>) target(%arg11 : memref<128x128xf32, #tpu.memory_space<vmem>>) offsets(%dma_start3A_21 : memref<128xi32, #tpu.memory_space<vmem>>) semaphore(%arg19 : memref<!tpu.dma_semaphore, #tpu.memory_space<semaphore_mem>>)
    %dma_start3A_25 = arith.constant 3 : i32
    %dma_start3A_26 = arith.constant 0 : i32
    %dma_start3A_27 = tpu.memref_slice %arg8[%dma_start3A_25, %dma_start3A_26] : memref<24x128xi32, #tpu.memory_space<vmem>> -> memref<1x128xi32, #tpu.memory_space<vmem>>
    %dma_start3A_28 = tpu.memref_squeeze %dma_start3A_27 : memref<1x128xi32, #tpu.memory_space<vmem>> -> memref<128xi32, #tpu.memory_space<vmem>>
    %dma_start3A_29 = arith.constant 0 : i32
    %dma_start3A_30 = arith.constant 0 : i32
    %dma_start3A_31 = tpu.memref_slice %arg3[%dma_start3A_29, %dma_start3A_30] : memref<100000x128xf32, #tpu.memory_space<hbm>> -> memref<100000x128xf32, #tpu.memory_space<hbm>>
    tpu.enqueue_indirect_dma source(%dma_start3A_31 : memref<100000x128xf32, #tpu.memory_space<hbm>>) target(%arg12 : memref<128x128xf32, #tpu.memory_space<vmem>>) offsets(%dma_start3A_28 : memref<128xi32, #tpu.memory_space<vmem>>) semaphore(%arg20 : memref<!tpu.dma_semaphore, #tpu.memory_space<semaphore_mem>>)
    %dma_start3A_32 = arith.constant 4 : i32
    %dma_start3A_33 = arith.constant 0 : i32
    %dma_start3A_34 = tpu.memref_slice %arg8[%dma_start3A_32, %dma_start3A_33] : memref<24x128xi32, #tpu.memory_space<vmem>> -> memref<1x128xi32, #tpu.memory_space<vmem>>
    %dma_start3A_35 = tpu.memref_squeeze %dma_start3A_34 : memref<1x128xi32, #tpu.memory_space<vmem>> -> memref<128xi32, #tpu.memory_space<vmem>>
    %dma_start3A_36 = arith.constant 0 : i32
    %dma_start3A_37 = arith.constant 0 : i32
    %dma_start3A_38 = tpu.memref_slice %arg3[%dma_start3A_36, %dma_start3A_37] : memref<100000x128xf32, #tpu.memory_space<hbm>> -> memref<100000x128xf32, #tpu.memory_space<hbm>>
    tpu.enqueue_indirect_dma source(%dma_start3A_38 : memref<100000x128xf32, #tpu.memory_space<hbm>>) target(%arg13 : memref<128x128xf32, #tpu.memory_space<vmem>>) offsets(%dma_start3A_35 : memref<128xi32, #tpu.memory_space<vmem>>) semaphore(%arg21 : memref<!tpu.dma_semaphore, #tpu.memory_space<semaphore_mem>>)
    %dma_wait3A = arith.constant 2 : i32
    %dma_wait3A_39 = arith.constant 0 : i32
    %dma_wait3A_40 = tpu.memref_slice %arg8[%dma_wait3A, %dma_wait3A_39] : memref<24x128xi32, #tpu.memory_space<vmem>> -> memref<1x128xi32, #tpu.memory_space<vmem>>
    %dma_wait3A_41 = tpu.memref_squeeze %dma_wait3A_40 : memref<1x128xi32, #tpu.memory_space<vmem>> -> memref<128xi32, #tpu.memory_space<vmem>>
    %dma_wait3A_42 = arith.constant 0 : i32
    %dma_wait3A_43 = arith.constant 0 : i32
    %dma_wait3A_44 = tpu.memref_slice %arg3[%dma_wait3A_42, %dma_wait3A_43] : memref<100000x128xf32, #tpu.memory_space<hbm>> -> memref<100000x128xf32, #tpu.memory_space<hbm>>
    tpu.wait_indirect_dma semaphore(%arg19 : memref<!tpu.dma_semaphore, #tpu.memory_space<semaphore_mem>>) src(%dma_wait3A_44 : memref<100000x128xf32, #tpu.memory_space<hbm>>) dst(%arg11 : memref<128x128xf32, #tpu.memory_space<vmem>>)
    %dma_start3A_45 = arith.constant 5 : i32
    %dma_start3A_46 = arith.constant 0 : i32
    %dma_start3A_47 = tpu.memref_slice %arg8[%dma_start3A_45, %dma_start3A_46] : memref<24x128xi32, #tpu.memory_space<vmem>> -> memref<1x128xi32, #tpu.memory_space<vmem>>
    %dma_start3A_48 = tpu.memref_squeeze %dma_start3A_47 : memref<1x128xi32, #tpu.memory_space<vmem>> -> memref<128xi32, #tpu.memory_space<vmem>>
    %dma_start3A_49 = arith.constant 0 : i32
    %dma_start3A_50 = arith.constant 0 : i32
    %dma_start3A_51 = tpu.memref_slice %arg3[%dma_start3A_49, %dma_start3A_50] : memref<100000x128xf32, #tpu.memory_space<hbm>> -> memref<100000x128xf32, #tpu.memory_space<hbm>>
    tpu.enqueue_indirect_dma source(%dma_start3A_51 : memref<100000x128xf32, #tpu.memory_space<hbm>>) target(%arg14 : memref<128x128xf32, #tpu.memory_space<vmem>>) offsets(%dma_start3A_48 : memref<128xi32, #tpu.memory_space<vmem>>) semaphore(%arg22 : memref<!tpu.dma_semaphore, #tpu.memory_space<semaphore_mem>>)
    %add3A_52 = arith.constant 0 : i32
    %add3A_53 = arith.addi %mul3A_17, %add3A_52 : i32
    %dma_start3A_54 = arith.constant 0 : i32
    %dma_start3A_55 = tpu.memref_slice %arg7[%add3A_53, %dma_start3A_54] : memref<81920x128xf32, #tpu.memory_space<hbm>> -> memref<128x128xf32, #tpu.memory_space<hbm>>
    %dma_start3A_56 = arith.constant 0 : i32
    %dma_start3A_57 = tpu.memref_slice %arg7[%add3A_53, %dma_start3A_56] : memref<81920x128xf32, #tpu.memory_space<hbm>> -> memref<128x128xf32, #tpu.memory_space<hbm>>
    tpu.enqueue_dma source(%arg11 : memref<128x128xf32, #tpu.memory_space<vmem>>) target(%dma_start3A_57 : memref<128x128xf32, #tpu.memory_space<hbm>>) target_semaphore(%arg23 : memref<!tpu.dma_semaphore, #tpu.memory_space<semaphore_mem>>)
    %scan3A = arith.constant 0 : i32
    %scan3A_58 = arith.constant 4 : i32
    %scan3A_59 = arith.addi %scan3A, %scan3A_58 : i32
    %scan3A_60 = arith.constant 1 : i32
    scf.for %scan3A_163 = %scan3A to %scan3A_59 step %scan3A_60  : i32 {
      %mul3A_164 = arith.constant 1 : i32
      %mul3A_165 = arith.muli %scan3A_163, %mul3A_164 : i32
      %add3A_166 = arith.constant 0 : i32
      %add3A_167 = arith.addi %add3A_166, %mul3A_165 : i32
      %mul3A_168 = arith.constant 4 : i32
      %mul3A_169 = arith.muli %mul3A_168, %add3A_167 : i32
      %add3A_170 = arith.constant 1 : i32
      %add3A_171 = arith.addi %add3A_170, %mul3A_169 : i32
      %add3A_172 = arith.constant 2 : i32
      %add3A_173 = arith.addi %add3A_172, %add3A_171 : i32
      %dma_wait3A_174 = arith.constant 0 : i32
      %dma_wait3A_175 = tpu.memref_slice %arg8[%add3A_173, %dma_wait3A_174] : memref<24x128xi32, #tpu.memory_space<vmem>> -> memref<1x128xi32, #tpu.memory_space<vmem>>
      %dma_wait3A_176 = tpu.memref_squeeze %dma_wait3A_175 : memref<1x128xi32, #tpu.memory_space<vmem>> -> memref<128xi32, #tpu.memory_space<vmem>>
      %dma_wait3A_177 = arith.constant 0 : i32
      %dma_wait3A_178 = arith.constant 0 : i32
      %dma_wait3A_179 = tpu.memref_slice %arg3[%dma_wait3A_177, %dma_wait3A_178] : memref<100000x128xf32, #tpu.memory_space<hbm>> -> memref<100000x128xf32, #tpu.memory_space<hbm>>
      tpu.wait_indirect_dma semaphore(%arg20 : memref<!tpu.dma_semaphore, #tpu.memory_space<semaphore_mem>>) src(%dma_wait3A_179 : memref<100000x128xf32, #tpu.memory_space<hbm>>) dst(%arg12 : memref<128x128xf32, #tpu.memory_space<vmem>>)
      %sub3A = arith.constant 1 : i32
      %sub3A_180 = arith.subi %add3A_171, %sub3A : i32
      %mul3A_181 = arith.constant 4096 : i32
      %mul3A_182 = arith.muli %sub3A_180, %mul3A_181 : i32
      %add3A_183 = arith.addi %mul3A_17, %mul3A_182 : i32
      %dma_wait3A_184 = arith.constant 0 : i32
      %dma_wait3A_185 = tpu.memref_slice %arg7[%add3A_183, %dma_wait3A_184] : memref<81920x128xf32, #tpu.memory_space<hbm>> -> memref<128x128xf32, #tpu.memory_space<hbm>>
      %dma_wait3A_186 = arith.constant 0 : i32
      %dma_wait3A_187 = tpu.memref_slice %arg7[%add3A_183, %dma_wait3A_186] : memref<81920x128xf32, #tpu.memory_space<hbm>> -> memref<128x128xf32, #tpu.memory_space<hbm>>
      tpu.wait_dma2 semaphore(%arg23 : memref<!tpu.dma_semaphore, #tpu.memory_space<semaphore_mem>>) src(%arg11 : memref<128x128xf32, #tpu.memory_space<vmem>>) dst(%dma_wait3A_187 : memref<128x128xf32, #tpu.memory_space<hbm>>)
      %add3A_188 = arith.constant 3 : i32
      %add3A_189 = arith.addi %add3A_171, %add3A_188 : i32
      %add3A_190 = arith.constant 2 : i32
      %add3A_191 = arith.addi %add3A_190, %add3A_189 : i32
      %dma_start3A_192 = arith.constant 0 : i32
      %dma_start3A_193 = tpu.memref_slice %arg8[%add3A_191, %dma_start3A_192] : memref<24x128xi32, #tpu.memory_space<vmem>> -> memref<1x128xi32, #tpu.memory_space<vmem>>
      %dma_start3A_194 = tpu.memref_squeeze %dma_start3A_193 : memref<1x128xi32, #tpu.memory_space<vmem>> -> memref<128xi32, #tpu.memory_space<vmem>>
      %dma_start3A_195 = arith.constant 0 : i32
      %dma_start3A_196 = arith.constant 0 : i32
      %dma_start3A_197 = tpu.memref_slice %arg3[%dma_start3A_195, %dma_start3A_196] : memref<100000x128xf32, #tpu.memory_space<hbm>> -> memref<100000x128xf32, #tpu.memory_space<hbm>>
      tpu.enqueue_indirect_dma source(%dma_start3A_197 : memref<100000x128xf32, #tpu.memory_space<hbm>>) target(%arg11 : memref<128x128xf32, #tpu.memory_space<vmem>>) offsets(%dma_start3A_194 : memref<128xi32, #tpu.memory_space<vmem>>) semaphore(%arg19 : memref<!tpu.dma_semaphore, #tpu.memory_space<semaphore_mem>>)
      %mul3A_198 = arith.constant 4096 : i32
      %mul3A_199 = arith.muli %add3A_171, %mul3A_198 : i32
      %add3A_200 = arith.addi %mul3A_17, %mul3A_199 : i32
      %dma_start3A_201 = arith.constant 0 : i32
      %dma_start3A_202 = tpu.memref_slice %arg7[%add3A_200, %dma_start3A_201] : memref<81920x128xf32, #tpu.memory_space<hbm>> -> memref<128x128xf32, #tpu.memory_space<hbm>>
      %dma_start3A_203 = arith.constant 0 : i32
      %dma_start3A_204 = tpu.memref_slice %arg7[%add3A_200, %dma_start3A_203] : memref<81920x128xf32, #tpu.memory_space<hbm>> -> memref<128x128xf32, #tpu.memory_space<hbm>>
      tpu.enqueue_dma source(%arg12 : memref<128x128xf32, #tpu.memory_space<vmem>>) target(%dma_start3A_204 : memref<128x128xf32, #tpu.memory_space<hbm>>) target_semaphore(%arg24 : memref<!tpu.dma_semaphore, #tpu.memory_space<semaphore_mem>>)
      %mul3A_205 = arith.constant 4 : i32
      %mul3A_206 = arith.muli %mul3A_205, %add3A_167 : i32
      %add3A_207 = arith.constant 2 : i32
      %add3A_208 = arith.addi %add3A_207, %mul3A_206 : i32
      %add3A_209 = arith.constant 2 : i32
      %add3A_210 = arith.addi %add3A_209, %add3A_208 : i32
      %dma_wait3A_211 = arith.constant 0 : i32
      %dma_wait3A_212 = tpu.memref_slice %arg8[%add3A_210, %dma_wait3A_211] : memref<24x128xi32, #tpu.memory_space<vmem>> -> memref<1x128xi32, #tpu.memory_space<vmem>>
      %dma_wait3A_213 = tpu.memref_squeeze %dma_wait3A_212 : memref<1x128xi32, #tpu.memory_space<vmem>> -> memref<128xi32, #tpu.memory_space<vmem>>
      %dma_wait3A_214 = arith.constant 0 : i32
      %dma_wait3A_215 = arith.constant 0 : i32
      %dma_wait3A_216 = tpu.memref_slice %arg3[%dma_wait3A_214, %dma_wait3A_215] : memref<100000x128xf32, #tpu.memory_space<hbm>> -> memref<100000x128xf32, #tpu.memory_space<hbm>>
      tpu.wait_indirect_dma semaphore(%arg21 : memref<!tpu.dma_semaphore, #tpu.memory_space<semaphore_mem>>) src(%dma_wait3A_216 : memref<100000x128xf32, #tpu.memory_space<hbm>>) dst(%arg13 : memref<128x128xf32, #tpu.memory_space<vmem>>)
      %sub3A_217 = arith.constant 1 : i32
      %sub3A_218 = arith.subi %add3A_208, %sub3A_217 : i32
      %mul3A_219 = arith.constant 4096 : i32
      %mul3A_220 = arith.muli %sub3A_218, %mul3A_219 : i32
      %add3A_221 = arith.addi %mul3A_17, %mul3A_220 : i32
      %dma_wait3A_222 = arith.constant 0 : i32
      %dma_wait3A_223 = tpu.memref_slice %arg7[%add3A_221, %dma_wait3A_222] : memref<81920x128xf32, #tpu.memory_space<hbm>> -> memref<128x128xf32, #tpu.memory_space<hbm>>
      %dma_wait3A_224 = arith.constant 0 : i32
      %dma_wait3A_225 = tpu.memref_slice %arg7[%add3A_221, %dma_wait3A_224] : memref<81920x128xf32, #tpu.memory_space<hbm>> -> memref<128x128xf32, #tpu.memory_space<hbm>>
      tpu.wait_dma2 semaphore(%arg24 : memref<!tpu.dma_semaphore, #tpu.memory_space<semaphore_mem>>) src(%arg12 : memref<128x128xf32, #tpu.memory_space<vmem>>) dst(%dma_wait3A_225 : memref<128x128xf32, #tpu.memory_space<hbm>>)
      %add3A_226 = arith.constant 3 : i32
      %add3A_227 = arith.addi %add3A_208, %add3A_226 : i32
      %add3A_228 = arith.constant 2 : i32
      %add3A_229 = arith.addi %add3A_228, %add3A_227 : i32
      %dma_start3A_230 = arith.constant 0 : i32
      %dma_start3A_231 = tpu.memref_slice %arg8[%add3A_229, %dma_start3A_230] : memref<24x128xi32, #tpu.memory_space<vmem>> -> memref<1x128xi32, #tpu.memory_space<vmem>>
      %dma_start3A_232 = tpu.memref_squeeze %dma_start3A_231 : memref<1x128xi32, #tpu.memory_space<vmem>> -> memref<128xi32, #tpu.memory_space<vmem>>
      %dma_start3A_233 = arith.constant 0 : i32
      %dma_start3A_234 = arith.constant 0 : i32
      %dma_start3A_235 = tpu.memref_slice %arg3[%dma_start3A_233, %dma_start3A_234] : memref<100000x128xf32, #tpu.memory_space<hbm>> -> memref<100000x128xf32, #tpu.memory_space<hbm>>
      tpu.enqueue_indirect_dma source(%dma_start3A_235 : memref<100000x128xf32, #tpu.memory_space<hbm>>) target(%arg12 : memref<128x128xf32, #tpu.memory_space<vmem>>) offsets(%dma_start3A_232 : memref<128xi32, #tpu.memory_space<vmem>>) semaphore(%arg20 : memref<!tpu.dma_semaphore, #tpu.memory_space<semaphore_mem>>)
      %mul3A_236 = arith.constant 4096 : i32
      %mul3A_237 = arith.muli %add3A_208, %mul3A_236 : i32
      %add3A_238 = arith.addi %mul3A_17, %mul3A_237 : i32
      %dma_start3A_239 = arith.constant 0 : i32
      %dma_start3A_240 = tpu.memref_slice %arg7[%add3A_238, %dma_start3A_239] : memref<81920x128xf32, #tpu.memory_space<hbm>> -> memref<128x128xf32, #tpu.memory_space<hbm>>
      %dma_start3A_241 = arith.constant 0 : i32
      %dma_start3A_242 = tpu.memref_slice %arg7[%add3A_238, %dma_start3A_241] : memref<81920x128xf32, #tpu.memory_space<hbm>> -> memref<128x128xf32, #tpu.memory_space<hbm>>
      tpu.enqueue_dma source(%arg13 : memref<128x128xf32, #tpu.memory_space<vmem>>) target(%dma_start3A_242 : memref<128x128xf32, #tpu.memory_space<hbm>>) target_semaphore(%arg25 : memref<!tpu.dma_semaphore, #tpu.memory_space<semaphore_mem>>)
      %mul3A_243 = arith.constant 4 : i32
      %mul3A_244 = arith.muli %mul3A_243, %add3A_167 : i32
      %add3A_245 = arith.constant 3 : i32
      %add3A_246 = arith.addi %add3A_245, %mul3A_244 : i32
      %add3A_247 = arith.constant 2 : i32
      %add3A_248 = arith.addi %add3A_247, %add3A_246 : i32
      %dma_wait3A_249 = arith.constant 0 : i32
      %dma_wait3A_250 = tpu.memref_slice %arg8[%add3A_248, %dma_wait3A_249] : memref<24x128xi32, #tpu.memory_space<vmem>> -> memref<1x128xi32, #tpu.memory_space<vmem>>
      %dma_wait3A_251 = tpu.memref_squeeze %dma_wait3A_250 : memref<1x128xi32, #tpu.memory_space<vmem>> -> memref<128xi32, #tpu.memory_space<vmem>>
      %dma_wait3A_252 = arith.constant 0 : i32
      %dma_wait3A_253 = arith.constant 0 : i32
      %dma_wait3A_254 = tpu.memref_slice %arg3[%dma_wait3A_252, %dma_wait3A_253] : memref<100000x128xf32, #tpu.memory_space<hbm>> -> memref<100000x128xf32, #tpu.memory_space<hbm>>
      tpu.wait_indirect_dma semaphore(%arg22 : memref<!tpu.dma_semaphore, #tpu.memory_space<semaphore_mem>>) src(%dma_wait3A_254 : memref<100000x128xf32, #tpu.memory_space<hbm>>) dst(%arg14 : memref<128x128xf32, #tpu.memory_space<vmem>>)
      %sub3A_255 = arith.constant 1 : i32
      %sub3A_256 = arith.subi %add3A_246, %sub3A_255 : i32
      %mul3A_257 = arith.constant 4096 : i32
      %mul3A_258 = arith.muli %sub3A_256, %mul3A_257 : i32
      %add3A_259 = arith.addi %mul3A_17, %mul3A_258 : i32
      %dma_wait3A_260 = arith.constant 0 : i32
      %dma_wait3A_261 = tpu.memref_slice %arg7[%add3A_259, %dma_wait3A_260] : memref<81920x128xf32, #tpu.memory_space<hbm>> -> memref<128x128xf32, #tpu.memory_space<hbm>>
      %dma_wait3A_262 = arith.constant 0 : i32
      %dma_wait3A_263 = tpu.memref_slice %arg7[%add3A_259, %dma_wait3A_262] : memref<81920x128xf32, #tpu.memory_space<hbm>> -> memref<128x128xf32, #tpu.memory_space<hbm>>
      tpu.wait_dma2 semaphore(%arg25 : memref<!tpu.dma_semaphore, #tpu.memory_space<semaphore_mem>>) src(%arg13 : memref<128x128xf32, #tpu.memory_space<vmem>>) dst(%dma_wait3A_263 : memref<128x128xf32, #tpu.memory_space<hbm>>)
      %add3A_264 = arith.constant 3 : i32
      %add3A_265 = arith.addi %add3A_246, %add3A_264 : i32
      %add3A_266 = arith.constant 2 : i32
      %add3A_267 = arith.addi %add3A_266, %add3A_265 : i32
      %dma_start3A_268 = arith.constant 0 : i32
      %dma_start3A_269 = tpu.memref_slice %arg8[%add3A_267, %dma_start3A_268] : memref<24x128xi32, #tpu.memory_space<vmem>> -> memref<1x128xi32, #tpu.memory_space<vmem>>
      %dma_start3A_270 = tpu.memref_squeeze %dma_start3A_269 : memref<1x128xi32, #tpu.memory_space<vmem>> -> memref<128xi32, #tpu.memory_space<vmem>>
      %dma_start3A_271 = arith.constant 0 : i32
      %dma_start3A_272 = arith.constant 0 : i32
      %dma_start3A_273 = tpu.memref_slice %arg3[%dma_start3A_271, %dma_start3A_272] : memref<100000x128xf32, #tpu.memory_space<hbm>> -> memref<100000x128xf32, #tpu.memory_space<hbm>>
      tpu.enqueue_indirect_dma source(%dma_start3A_273 : memref<100000x128xf32, #tpu.memory_space<hbm>>) target(%arg13 : memref<128x128xf32, #tpu.memory_space<vmem>>) offsets(%dma_start3A_270 : memref<128xi32, #tpu.memory_space<vmem>>) semaphore(%arg21 : memref<!tpu.dma_semaphore, #tpu.memory_space<semaphore_mem>>)
      %mul3A_274 = arith.constant 4096 : i32
      %mul3A_275 = arith.muli %add3A_246, %mul3A_274 : i32
      %add3A_276 = arith.addi %mul3A_17, %mul3A_275 : i32
      %dma_start3A_277 = arith.constant 0 : i32
      %dma_start3A_278 = tpu.memref_slice %arg7[%add3A_276, %dma_start3A_277] : memref<81920x128xf32, #tpu.memory_space<hbm>> -> memref<128x128xf32, #tpu.memory_space<hbm>>
      %dma_start3A_279 = arith.constant 0 : i32
      %dma_start3A_280 = tpu.memref_slice %arg7[%add3A_276, %dma_start3A_279] : memref<81920x128xf32, #tpu.memory_space<hbm>> -> memref<128x128xf32, #tpu.memory_space<hbm>>
      tpu.enqueue_dma source(%arg14 : memref<128x128xf32, #tpu.memory_space<vmem>>) target(%dma_start3A_280 : memref<128x128xf32, #tpu.memory_space<hbm>>) target_semaphore(%arg26 : memref<!tpu.dma_semaphore, #tpu.memory_space<semaphore_mem>>)
      %mul3A_281 = arith.constant 4 : i32
      %mul3A_282 = arith.muli %mul3A_281, %add3A_167 : i32
      %add3A_283 = arith.constant 4 : i32
      %add3A_284 = arith.addi %add3A_283, %mul3A_282 : i32
      %add3A_285 = arith.constant 2 : i32
      %add3A_286 = arith.addi %add3A_285, %add3A_284 : i32
      %dma_wait3A_287 = arith.constant 0 : i32
      %dma_wait3A_288 = tpu.memref_slice %arg8[%add3A_286, %dma_wait3A_287] : memref<24x128xi32, #tpu.memory_space<vmem>> -> memref<1x128xi32, #tpu.memory_space<vmem>>
      %dma_wait3A_289 = tpu.memref_squeeze %dma_wait3A_288 : memref<1x128xi32, #tpu.memory_space<vmem>> -> memref<128xi32, #tpu.memory_space<vmem>>
      %dma_wait3A_290 = arith.constant 0 : i32
      %dma_wait3A_291 = arith.constant 0 : i32
      %dma_wait3A_292 = tpu.memref_slice %arg3[%dma_wait3A_290, %dma_wait3A_291] : memref<100000x128xf32, #tpu.memory_space<hbm>> -> memref<100000x128xf32, #tpu.memory_space<hbm>>
      tpu.wait_indirect_dma semaphore(%arg19 : memref<!tpu.dma_semaphore, #tpu.memory_space<semaphore_mem>>) src(%dma_wait3A_292 : memref<100000x128xf32, #tpu.memory_space<hbm>>) dst(%arg11 : memref<128x128xf32, #tpu.memory_space<vmem>>)
      %sub3A_293 = arith.constant 1 : i32
      %sub3A_294 = arith.subi %add3A_284, %sub3A_293 : i32
      %mul3A_295 = arith.constant 4096 : i32
      %mul3A_296 = arith.muli %sub3A_294, %mul3A_295 : i32
      %add3A_297 = arith.addi %mul3A_17, %mul3A_296 : i32
      %dma_wait3A_298 = arith.constant 0 : i32
      %dma_wait3A_299 = tpu.memref_slice %arg7[%add3A_297, %dma_wait3A_298] : memref<81920x128xf32, #tpu.memory_space<hbm>> -> memref<128x128xf32, #tpu.memory_space<hbm>>
      %dma_wait3A_300 = arith.constant 0 : i32
      %dma_wait3A_301 = tpu.memref_slice %arg7[%add3A_297, %dma_wait3A_300] : memref<81920x128xf32, #tpu.memory_space<hbm>> -> memref<128x128xf32, #tpu.memory_space<hbm>>
      tpu.wait_dma2 semaphore(%arg26 : memref<!tpu.dma_semaphore, #tpu.memory_space<semaphore_mem>>) src(%arg14 : memref<128x128xf32, #tpu.memory_space<vmem>>) dst(%dma_wait3A_301 : memref<128x128xf32, #tpu.memory_space<hbm>>)
      %add3A_302 = arith.constant 3 : i32
      %add3A_303 = arith.addi %add3A_284, %add3A_302 : i32
      %add3A_304 = arith.constant 2 : i32
      %add3A_305 = arith.addi %add3A_304, %add3A_303 : i32
      %dma_start3A_306 = arith.constant 0 : i32
      %dma_start3A_307 = tpu.memref_slice %arg8[%add3A_305, %dma_start3A_306] : memref<24x128xi32, #tpu.memory_space<vmem>> -> memref<1x128xi32, #tpu.memory_space<vmem>>
      %dma_start3A_308 = tpu.memref_squeeze %dma_start3A_307 : memref<1x128xi32, #tpu.memory_space<vmem>> -> memref<128xi32, #tpu.memory_space<vmem>>
      %dma_start3A_309 = arith.constant 0 : i32
      %dma_start3A_310 = arith.constant 0 : i32
      %dma_start3A_311 = tpu.memref_slice %arg3[%dma_start3A_309, %dma_start3A_310] : memref<100000x128xf32, #tpu.memory_space<hbm>> -> memref<100000x128xf32, #tpu.memory_space<hbm>>
      tpu.enqueue_indirect_dma source(%dma_start3A_311 : memref<100000x128xf32, #tpu.memory_space<hbm>>) target(%arg14 : memref<128x128xf32, #tpu.memory_space<vmem>>) offsets(%dma_start3A_308 : memref<128xi32, #tpu.memory_space<vmem>>) semaphore(%arg22 : memref<!tpu.dma_semaphore, #tpu.memory_space<semaphore_mem>>)
      %mul3A_312 = arith.constant 4096 : i32
      %mul3A_313 = arith.muli %add3A_284, %mul3A_312 : i32
      %add3A_314 = arith.addi %mul3A_17, %mul3A_313 : i32
      %dma_start3A_315 = arith.constant 0 : i32
      %dma_start3A_316 = tpu.memref_slice %arg7[%add3A_314, %dma_start3A_315] : memref<81920x128xf32, #tpu.memory_space<hbm>> -> memref<128x128xf32, #tpu.memory_space<hbm>>
      %dma_start3A_317 = arith.constant 0 : i32
      %dma_start3A_318 = tpu.memref_slice %arg7[%add3A_314, %dma_start3A_317] : memref<81920x128xf32, #tpu.memory_space<hbm>> -> memref<128x128xf32, #tpu.memory_space<hbm>>
      tpu.enqueue_dma source(%arg11 : memref<128x128xf32, #tpu.memory_space<vmem>>) target(%dma_start3A_318 : memref<128x128xf32, #tpu.memory_space<hbm>>) target_semaphore(%arg23 : memref<!tpu.dma_semaphore, #tpu.memory_space<semaphore_mem>>)
    }
    %scan3A_61 = arith.constant 4 : i32
    %dma_wait3A_62 = arith.constant 19 : i32
    %dma_wait3A_63 = arith.constant 0 : i32
    %dma_wait3A_64 = tpu.memref_slice %arg8[%dma_wait3A_62, %dma_wait3A_63] : memref<24x128xi32, #tpu.memory_space<vmem>> -> memref<1x128xi32, #tpu.memory_space<vmem>>
    %dma_wait3A_65 = tpu.memref_squeeze %dma_wait3A_64 : memref<1x128xi32, #tpu.memory_space<vmem>> -> memref<128xi32, #tpu.memory_space<vmem>>
    %dma_wait3A_66 = arith.constant 0 : i32
    %dma_wait3A_67 = arith.constant 0 : i32
    %dma_wait3A_68 = tpu.memref_slice %arg3[%dma_wait3A_66, %dma_wait3A_67] : memref<100000x128xf32, #tpu.memory_space<hbm>> -> memref<100000x128xf32, #tpu.memory_space<hbm>>
    tpu.wait_indirect_dma semaphore(%arg20 : memref<!tpu.dma_semaphore, #tpu.memory_space<semaphore_mem>>) src(%dma_wait3A_68 : memref<100000x128xf32, #tpu.memory_space<hbm>>) dst(%arg12 : memref<128x128xf32, #tpu.memory_space<vmem>>)
    %add3A_69 = arith.constant 65536 : i32
    %add3A_70 = arith.addi %mul3A_17, %add3A_69 : i32
    %dma_wait3A_71 = arith.constant 0 : i32
    %dma_wait3A_72 = tpu.memref_slice %arg7[%add3A_70, %dma_wait3A_71] : memref<81920x128xf32, #tpu.memory_space<hbm>> -> memref<128x128xf32, #tpu.memory_space<hbm>>
    %dma_wait3A_73 = arith.constant 0 : i32
    %dma_wait3A_74 = tpu.memref_slice %arg7[%add3A_70, %dma_wait3A_73] : memref<81920x128xf32, #tpu.memory_space<hbm>> -> memref<128x128xf32, #tpu.memory_space<hbm>>
    tpu.wait_dma2 semaphore(%arg23 : memref<!tpu.dma_semaphore, #tpu.memory_space<semaphore_mem>>) src(%arg11 : memref<128x128xf32, #tpu.memory_space<vmem>>) dst(%dma_wait3A_74 : memref<128x128xf32, #tpu.memory_space<hbm>>)
    %add3A_75 = arith.constant 69632 : i32
    %add3A_76 = arith.addi %mul3A_17, %add3A_75 : i32
    %dma_start3A_77 = arith.constant 0 : i32
    %dma_start3A_78 = tpu.memref_slice %arg7[%add3A_76, %dma_start3A_77] : memref<81920x128xf32, #tpu.memory_space<hbm>> -> memref<128x128xf32, #tpu.memory_space<hbm>>
    %dma_start3A_79 = arith.constant 0 : i32
    %dma_start3A_80 = tpu.memref_slice %arg7[%add3A_76, %dma_start3A_79] : memref<81920x128xf32, #tpu.memory_space<hbm>> -> memref<128x128xf32, #tpu.memory_space<hbm>>
    tpu.enqueue_dma source(%arg12 : memref<128x128xf32, #tpu.memory_space<vmem>>) target(%dma_start3A_80 : memref<128x128xf32, #tpu.memory_space<hbm>>) target_semaphore(%arg24 : memref<!tpu.dma_semaphore, #tpu.memory_space<semaphore_mem>>)
    %dma_wait3A_81 = arith.constant 20 : i32
    %dma_wait3A_82 = arith.constant 0 : i32
    %dma_wait3A_83 = tpu.memref_slice %arg8[%dma_wait3A_81, %dma_wait3A_82] : memref<24x128xi32, #tpu.memory_space<vmem>> -> memref<1x128xi32, #tpu.memory_space<vmem>>
    %dma_wait3A_84 = tpu.memref_squeeze %dma_wait3A_83 : memref<1x128xi32, #tpu.memory_space<vmem>> -> memref<128xi32, #tpu.memory_space<vmem>>
    %dma_wait3A_85 = arith.constant 0 : i32
    %dma_wait3A_86 = arith.constant 0 : i32
    %dma_wait3A_87 = tpu.memref_slice %arg3[%dma_wait3A_85, %dma_wait3A_86] : memref<100000x128xf32, #tpu.memory_space<hbm>> -> memref<100000x128xf32, #tpu.memory_space<hbm>>
    tpu.wait_indirect_dma semaphore(%arg21 : memref<!tpu.dma_semaphore, #tpu.memory_space<semaphore_mem>>) src(%dma_wait3A_87 : memref<100000x128xf32, #tpu.memory_space<hbm>>) dst(%arg13 : memref<128x128xf32, #tpu.memory_space<vmem>>)
    %add3A_88 = arith.constant 69632 : i32
    %add3A_89 = arith.addi %mul3A_17, %add3A_88 : i32
    %dma_wait3A_90 = arith.constant 0 : i32
    %dma_wait3A_91 = tpu.memref_slice %arg7[%add3A_89, %dma_wait3A_90] : memref<81920x128xf32, #tpu.memory_space<hbm>> -> memref<128x128xf32, #tpu.memory_space<hbm>>
    %dma_wait3A_92 = arith.constant 0 : i32
    %dma_wait3A_93 = tpu.memref_slice %arg7[%add3A_89, %dma_wait3A_92] : memref<81920x128xf32, #tpu.memory_space<hbm>> -> memref<128x128xf32, #tpu.memory_space<hbm>>
    tpu.wait_dma2 semaphore(%arg24 : memref<!tpu.dma_semaphore, #tpu.memory_space<semaphore_mem>>) src(%arg12 : memref<128x128xf32, #tpu.memory_space<vmem>>) dst(%dma_wait3A_93 : memref<128x128xf32, #tpu.memory_space<hbm>>)
    %add3A_94 = arith.constant 73728 : i32
    %add3A_95 = arith.addi %mul3A_17, %add3A_94 : i32
    %dma_start3A_96 = arith.constant 0 : i32
    %dma_start3A_97 = tpu.memref_slice %arg7[%add3A_95, %dma_start3A_96] : memref<81920x128xf32, #tpu.memory_space<hbm>> -> memref<128x128xf32, #tpu.memory_space<hbm>>
    %dma_start3A_98 = arith.constant 0 : i32
    %dma_start3A_99 = tpu.memref_slice %arg7[%add3A_95, %dma_start3A_98] : memref<81920x128xf32, #tpu.memory_space<hbm>> -> memref<128x128xf32, #tpu.memory_space<hbm>>
    tpu.enqueue_dma source(%arg13 : memref<128x128xf32, #tpu.memory_space<vmem>>) target(%dma_start3A_99 : memref<128x128xf32, #tpu.memory_space<hbm>>) target_semaphore(%arg25 : memref<!tpu.dma_semaphore, #tpu.memory_space<semaphore_mem>>)
    %dma_wait3A_100 = arith.constant 21 : i32
    %dma_wait3A_101 = arith.constant 0 : i32
    %dma_wait3A_102 = tpu.memref_slice %arg8[%dma_wait3A_100, %dma_wait3A_101] : memref<24x128xi32, #tpu.memory_space<vmem>> -> memref<1x128xi32, #tpu.memory_space<vmem>>
    %dma_wait3A_103 = tpu.memref_squeeze %dma_wait3A_102 : memref<1x128xi32, #tpu.memory_space<vmem>> -> memref<128xi32, #tpu.memory_space<vmem>>
    %dma_wait3A_104 = arith.constant 0 : i32
    %dma_wait3A_105 = arith.constant 0 : i32
    %dma_wait3A_106 = tpu.memref_slice %arg3[%dma_wait3A_104, %dma_wait3A_105] : memref<100000x128xf32, #tpu.memory_space<hbm>> -> memref<100000x128xf32, #tpu.memory_space<hbm>>
    tpu.wait_indirect_dma semaphore(%arg22 : memref<!tpu.dma_semaphore, #tpu.memory_space<semaphore_mem>>) src(%dma_wait3A_106 : memref<100000x128xf32, #tpu.memory_space<hbm>>) dst(%arg14 : memref<128x128xf32, #tpu.memory_space<vmem>>)
    %add3A_107 = arith.constant 73728 : i32
    %add3A_108 = arith.addi %mul3A_17, %add3A_107 : i32
    %dma_wait3A_109 = arith.constant 0 : i32
    %dma_wait3A_110 = tpu.memref_slice %arg7[%add3A_108, %dma_wait3A_109] : memref<81920x128xf32, #tpu.memory_space<hbm>> -> memref<128x128xf32, #tpu.memory_space<hbm>>
    %dma_wait3A_111 = arith.constant 0 : i32
    %dma_wait3A_112 = tpu.memref_slice %arg7[%add3A_108, %dma_wait3A_111] : memref<81920x128xf32, #tpu.memory_space<hbm>> -> memref<128x128xf32, #tpu.memory_space<hbm>>
    tpu.wait_dma2 semaphore(%arg25 : memref<!tpu.dma_semaphore, #tpu.memory_space<semaphore_mem>>) src(%arg13 : memref<128x128xf32, #tpu.memory_space<vmem>>) dst(%dma_wait3A_112 : memref<128x128xf32, #tpu.memory_space<hbm>>)
    %add3A_113 = arith.constant 77824 : i32
    %add3A_114 = arith.addi %mul3A_17, %add3A_113 : i32
    %dma_start3A_115 = arith.constant 0 : i32
    %dma_start3A_116 = tpu.memref_slice %arg7[%add3A_114, %dma_start3A_115] : memref<81920x128xf32, #tpu.memory_space<hbm>> -> memref<128x128xf32, #tpu.memory_space<hbm>>
    %dma_start3A_117 = arith.constant 0 : i32
    %dma_start3A_118 = tpu.memref_slice %arg7[%add3A_114, %dma_start3A_117] : memref<81920x128xf32, #tpu.memory_space<hbm>> -> memref<128x128xf32, #tpu.memory_space<hbm>>
    tpu.enqueue_dma source(%arg14 : memref<128x128xf32, #tpu.memory_space<vmem>>) target(%dma_start3A_118 : memref<128x128xf32, #tpu.memory_space<hbm>>) target_semaphore(%arg26 : memref<!tpu.dma_semaphore, #tpu.memory_space<semaphore_mem>>)
    %dma_wait3A_119 = arith.constant 0 : i32
    %dma_wait3A_120 = arith.constant 0 : i32
    %dma_wait3A_121 = tpu.memref_slice %arg8[%dma_wait3A_119, %dma_wait3A_120] : memref<24x128xi32, #tpu.memory_space<vmem>> -> memref<1x128xi32, #tpu.memory_space<vmem>>
    %dma_wait3A_122 = tpu.memref_squeeze %dma_wait3A_121 : memref<1x128xi32, #tpu.memory_space<vmem>> -> memref<128xi32, #tpu.memory_space<vmem>>
    %dma_wait3A_123 = arith.constant 0 : i32
    %dma_wait3A_124 = arith.constant 0 : i32
    %dma_wait3A_125 = tpu.memref_slice %arg2[%dma_wait3A_123, %dma_wait3A_124] : memref<100000x128xf32, #tpu.memory_space<hbm>> -> memref<100000x128xf32, #tpu.memory_space<hbm>>
    tpu.wait_indirect_dma semaphore(%arg15 : memref<!tpu.dma_semaphore, #tpu.memory_space<semaphore_mem>>) src(%dma_wait3A_125 : memref<100000x128xf32, #tpu.memory_space<hbm>>) dst(%arg9 : memref<128x128xf32, #tpu.memory_space<vmem>>)
    %mul3A_126 = arith.constant 128 : i32
    %mul3A_127 = arith.muli %add3A, %mul3A_126 : i32
    %dma_start3A_128 = arith.constant 0 : i32
    %dma_start3A_129 = tpu.memref_slice %arg5[%mul3A_127, %dma_start3A_128] : memref<4096x128xf32, #tpu.memory_space<hbm>> -> memref<128x128xf32, #tpu.memory_space<hbm>>
    %dma_start3A_130 = arith.constant 0 : i32
    %dma_start3A_131 = tpu.memref_slice %arg5[%mul3A_127, %dma_start3A_130] : memref<4096x128xf32, #tpu.memory_space<hbm>> -> memref<128x128xf32, #tpu.memory_space<hbm>>
    tpu.enqueue_dma source(%arg9 : memref<128x128xf32, #tpu.memory_space<vmem>>) target(%dma_start3A_131 : memref<128x128xf32, #tpu.memory_space<hbm>>) target_semaphore(%arg17 : memref<!tpu.dma_semaphore, #tpu.memory_space<semaphore_mem>>)
    %dma_wait3A_132 = arith.constant 1 : i32
    %dma_wait3A_133 = arith.constant 0 : i32
    %dma_wait3A_134 = tpu.memref_slice %arg8[%dma_wait3A_132, %dma_wait3A_133] : memref<24x128xi32, #tpu.memory_space<vmem>> -> memref<1x128xi32, #tpu.memory_space<vmem>>
    %dma_wait3A_135 = tpu.memref_squeeze %dma_wait3A_134 : memref<1x128xi32, #tpu.memory_space<vmem>> -> memref<128xi32, #tpu.memory_space<vmem>>
    %dma_wait3A_136 = arith.constant 0 : i32
    %dma_wait3A_137 = arith.constant 0 : i32
    %dma_wait3A_138 = tpu.memref_slice %arg3[%dma_wait3A_136, %dma_wait3A_137] : memref<100000x128xf32, #tpu.memory_space<hbm>> -> memref<100000x128xf32, #tpu.memory_space<hbm>>
    tpu.wait_indirect_dma semaphore(%arg16 : memref<!tpu.dma_semaphore, #tpu.memory_space<semaphore_mem>>) src(%dma_wait3A_138 : memref<100000x128xf32, #tpu.memory_space<hbm>>) dst(%arg10 : memref<128x128xf32, #tpu.memory_space<vmem>>)
    %mul3A_139 = arith.constant 128 : i32
    %mul3A_140 = arith.muli %add3A, %mul3A_139 : i32
    %dma_start3A_141 = arith.constant 0 : i32
    %dma_start3A_142 = tpu.memref_slice %arg6[%mul3A_140, %dma_start3A_141] : memref<4096x128xf32, #tpu.memory_space<hbm>> -> memref<128x128xf32, #tpu.memory_space<hbm>>
    %dma_start3A_143 = arith.constant 0 : i32
    %dma_start3A_144 = tpu.memref_slice %arg6[%mul3A_140, %dma_start3A_143] : memref<4096x128xf32, #tpu.memory_space<hbm>> -> memref<128x128xf32, #tpu.memory_space<hbm>>
    tpu.enqueue_dma source(%arg10 : memref<128x128xf32, #tpu.memory_space<vmem>>) target(%dma_start3A_144 : memref<128x128xf32, #tpu.memory_space<hbm>>) target_semaphore(%arg18 : memref<!tpu.dma_semaphore, #tpu.memory_space<semaphore_mem>>)
    %add3A_145 = arith.constant 77824 : i32
    %add3A_146 = arith.addi %mul3A_17, %add3A_145 : i32
    %dma_wait3A_147 = arith.constant 0 : i32
    %dma_wait3A_148 = tpu.memref_slice %arg7[%add3A_146, %dma_wait3A_147] : memref<81920x128xf32, #tpu.memory_space<hbm>> -> memref<128x128xf32, #tpu.memory_space<hbm>>
    %dma_wait3A_149 = arith.constant 0 : i32
    %dma_wait3A_150 = tpu.memref_slice %arg7[%add3A_146, %dma_wait3A_149] : memref<81920x128xf32, #tpu.memory_space<hbm>> -> memref<128x128xf32, #tpu.memory_space<hbm>>
    tpu.wait_dma2 semaphore(%arg26 : memref<!tpu.dma_semaphore, #tpu.memory_space<semaphore_mem>>) src(%arg14 : memref<128x128xf32, #tpu.memory_space<vmem>>) dst(%dma_wait3A_150 : memref<128x128xf32, #tpu.memory_space<hbm>>)
    %mul3A_151 = arith.constant 128 : i32
    %mul3A_152 = arith.muli %add3A, %mul3A_151 : i32
    %dma_wait3A_153 = arith.constant 0 : i32
    %dma_wait3A_154 = tpu.memref_slice %arg5[%mul3A_152, %dma_wait3A_153] : memref<4096x128xf32, #tpu.memory_space<hbm>> -> memref<128x128xf32, #tpu.memory_space<hbm>>
    %dma_wait3A_155 = arith.constant 0 : i32
    %dma_wait3A_156 = tpu.memref_slice %arg5[%mul3A_152, %dma_wait3A_155] : memref<4096x128xf32, #tpu.memory_space<hbm>> -> memref<128x128xf32, #tpu.memory_space<hbm>>
    tpu.wait_dma2 semaphore(%arg17 : memref<!tpu.dma_semaphore, #tpu.memory_space<semaphore_mem>>) src(%arg9 : memref<128x128xf32, #tpu.memory_space<vmem>>) dst(%dma_wait3A_156 : memref<128x128xf32, #tpu.memory_space<hbm>>)
    %mul3A_157 = arith.constant 128 : i32
    %mul3A_158 = arith.muli %add3A, %mul3A_157 : i32
    %dma_wait3A_159 = arith.constant 0 : i32
    %dma_wait3A_160 = tpu.memref_slice %arg6[%mul3A_158, %dma_wait3A_159] : memref<4096x128xf32, #tpu.memory_space<hbm>> -> memref<128x128xf32, #tpu.memory_space<hbm>>
    %dma_wait3A_161 = arith.constant 0 : i32
    %dma_wait3A_162 = tpu.memref_slice %arg6[%mul3A_158, %dma_wait3A_161] : memref<4096x128xf32, #tpu.memory_space<hbm>> -> memref<128x128xf32, #tpu.memory_space<hbm>>
    tpu.wait_dma2 semaphore(%arg18 : memref<!tpu.dma_semaphore, #tpu.memory_space<semaphore_mem>>) src(%arg10 : memref<128x128xf32, #tpu.memory_space<vmem>>) dst(%dma_wait3A_162 : memref<128x128xf32, #tpu.memory_space<hbm>>)
    return
  }
}

module attributes {stable_mosaic.version = 14 : i64} {
  func.func @_loss_body(%arg0: i32, %arg1: memref<1024x128xf32, #tpu.memory_space<vmem>>, %arg2: memref<1024x128xf32, #tpu.memory_space<vmem>>, %arg3: memref<20x1024x128xf32, #tpu.memory_space<vmem>>, %arg4: memref<2688x21xbf16, #tpu.memory_space<vmem>>, %arg5: memref<1x1xf32, #tpu.memory_space<vmem>>) attributes {dimension_semantics = [#tpu.dimension_semantics<arbitrary>], iteration_bounds = array<i64: 4>, scalar_prefetch = 0 : i64, scratch_operands = 0 : i64, tpu.core_type = #tpu.core_type<tc>, window_params = [{transform_indices = @transform_0, window_bounds = array<i64: 1024, 128>}, {transform_indices = @transform_1, window_bounds = array<i64: 1024, 128>}, {transform_indices = @transform_2, window_bounds = array<i64: 20, 1024, 128>}, {pipeline_mode = #tpu.pipeline_mode<synchronous>, transform_indices = @transform_3, window_bounds = array<i64: 2688, 21>}, {pipeline_mode = #tpu.pipeline_mode<synchronous>, transform_indices = @transform_4, window_bounds = array<i64: 1, 1>}]} {
    %get3A = arith.constant 0 : index
    %get3A_0 = arith.constant 0 : index
    %get3A_1 = vector.load %arg1[%get3A, %get3A_0] : memref<1024x128xf32, #tpu.memory_space<vmem>>, vector<1024x128xf32>
    %get3A_2 = arith.constant 0 : index
    %get3A_3 = arith.constant 0 : index
    %get3A_4 = vector.load %arg2[%get3A_2, %get3A_3] : memref<1024x128xf32, #tpu.memory_space<vmem>>, vector<1024x128xf32>
    %mul3A = arith.mulf %get3A_1, %get3A_4 : vector<1024x128xf32>
    %get3A_5 = arith.constant 0 : index
    %get3A_6 = arith.constant 0 : index
    %get3A_7 = arith.constant 0 : index
    %get3A_8 = vector.load %arg3[%get3A_5, %get3A_6, %get3A_7] : memref<20x1024x128xf32, #tpu.memory_space<vmem>>, vector<1x1024x128xf32>
    %get3A_9 = vector.shape_cast %get3A_8 : vector<1x1024x128xf32> to vector<1024x128xf32>
    %mul3A_10 = arith.mulf %get3A_9, %get3A_1 : vector<1024x128xf32>
    %get3A_11 = arith.constant 1 : index
    %get3A_12 = arith.constant 0 : index
    %get3A_13 = arith.constant 0 : index
    %get3A_14 = vector.load %arg3[%get3A_11, %get3A_12, %get3A_13] : memref<20x1024x128xf32, #tpu.memory_space<vmem>>, vector<1x1024x128xf32>
    %get3A_15 = vector.shape_cast %get3A_14 : vector<1x1024x128xf32> to vector<1024x128xf32>
    %mul3A_16 = arith.mulf %get3A_15, %get3A_1 : vector<1024x128xf32>
    %get3A_17 = arith.constant 2 : index
    %get3A_18 = arith.constant 0 : index
    %get3A_19 = arith.constant 0 : index
    %get3A_20 = vector.load %arg3[%get3A_17, %get3A_18, %get3A_19] : memref<20x1024x128xf32, #tpu.memory_space<vmem>>, vector<1x1024x128xf32>
    %get3A_21 = vector.shape_cast %get3A_20 : vector<1x1024x128xf32> to vector<1024x128xf32>
    %mul3A_22 = arith.mulf %get3A_21, %get3A_1 : vector<1024x128xf32>
    %get3A_23 = arith.constant 3 : index
    %get3A_24 = arith.constant 0 : index
    %get3A_25 = arith.constant 0 : index
    %get3A_26 = vector.load %arg3[%get3A_23, %get3A_24, %get3A_25] : memref<20x1024x128xf32, #tpu.memory_space<vmem>>, vector<1x1024x128xf32>
    %get3A_27 = vector.shape_cast %get3A_26 : vector<1x1024x128xf32> to vector<1024x128xf32>
    %mul3A_28 = arith.mulf %get3A_27, %get3A_1 : vector<1024x128xf32>
    %get3A_29 = arith.constant 4 : index
    %get3A_30 = arith.constant 0 : index
    %get3A_31 = arith.constant 0 : index
    %get3A_32 = vector.load %arg3[%get3A_29, %get3A_30, %get3A_31] : memref<20x1024x128xf32, #tpu.memory_space<vmem>>, vector<1x1024x128xf32>
    %get3A_33 = vector.shape_cast %get3A_32 : vector<1x1024x128xf32> to vector<1024x128xf32>
    %mul3A_34 = arith.mulf %get3A_33, %get3A_1 : vector<1024x128xf32>
    %get3A_35 = arith.constant 5 : index
    %get3A_36 = arith.constant 0 : index
    %get3A_37 = arith.constant 0 : index
    %get3A_38 = vector.load %arg3[%get3A_35, %get3A_36, %get3A_37] : memref<20x1024x128xf32, #tpu.memory_space<vmem>>, vector<1x1024x128xf32>
    %get3A_39 = vector.shape_cast %get3A_38 : vector<1x1024x128xf32> to vector<1024x128xf32>
    %mul3A_40 = arith.mulf %get3A_39, %get3A_1 : vector<1024x128xf32>
    %get3A_41 = arith.constant 6 : index
    %get3A_42 = arith.constant 0 : index
    %get3A_43 = arith.constant 0 : index
    %get3A_44 = vector.load %arg3[%get3A_41, %get3A_42, %get3A_43] : memref<20x1024x128xf32, #tpu.memory_space<vmem>>, vector<1x1024x128xf32>
    %get3A_45 = vector.shape_cast %get3A_44 : vector<1x1024x128xf32> to vector<1024x128xf32>
    %mul3A_46 = arith.mulf %get3A_45, %get3A_1 : vector<1024x128xf32>
    %get3A_47 = arith.constant 7 : index
    %get3A_48 = arith.constant 0 : index
    %get3A_49 = arith.constant 0 : index
    %get3A_50 = vector.load %arg3[%get3A_47, %get3A_48, %get3A_49] : memref<20x1024x128xf32, #tpu.memory_space<vmem>>, vector<1x1024x128xf32>
    %get3A_51 = vector.shape_cast %get3A_50 : vector<1x1024x128xf32> to vector<1024x128xf32>
    %mul3A_52 = arith.mulf %get3A_51, %get3A_1 : vector<1024x128xf32>
    %get3A_53 = arith.constant 8 : index
    %get3A_54 = arith.constant 0 : index
    %get3A_55 = arith.constant 0 : index
    %get3A_56 = vector.load %arg3[%get3A_53, %get3A_54, %get3A_55] : memref<20x1024x128xf32, #tpu.memory_space<vmem>>, vector<1x1024x128xf32>
    %get3A_57 = vector.shape_cast %get3A_56 : vector<1x1024x128xf32> to vector<1024x128xf32>
    %mul3A_58 = arith.mulf %get3A_57, %get3A_1 : vector<1024x128xf32>
    %get3A_59 = arith.constant 9 : index
    %get3A_60 = arith.constant 0 : index
    %get3A_61 = arith.constant 0 : index
    %get3A_62 = vector.load %arg3[%get3A_59, %get3A_60, %get3A_61] : memref<20x1024x128xf32, #tpu.memory_space<vmem>>, vector<1x1024x128xf32>
    %get3A_63 = vector.shape_cast %get3A_62 : vector<1x1024x128xf32> to vector<1024x128xf32>
    %mul3A_64 = arith.mulf %get3A_63, %get3A_1 : vector<1024x128xf32>
    %get3A_65 = arith.constant 10 : index
    %get3A_66 = arith.constant 0 : index
    %get3A_67 = arith.constant 0 : index
    %get3A_68 = vector.load %arg3[%get3A_65, %get3A_66, %get3A_67] : memref<20x1024x128xf32, #tpu.memory_space<vmem>>, vector<1x1024x128xf32>
    %get3A_69 = vector.shape_cast %get3A_68 : vector<1x1024x128xf32> to vector<1024x128xf32>
    %mul3A_70 = arith.mulf %get3A_69, %get3A_1 : vector<1024x128xf32>
    %get3A_71 = arith.constant 11 : index
    %get3A_72 = arith.constant 0 : index
    %get3A_73 = arith.constant 0 : index
    %get3A_74 = vector.load %arg3[%get3A_71, %get3A_72, %get3A_73] : memref<20x1024x128xf32, #tpu.memory_space<vmem>>, vector<1x1024x128xf32>
    %get3A_75 = vector.shape_cast %get3A_74 : vector<1x1024x128xf32> to vector<1024x128xf32>
    %mul3A_76 = arith.mulf %get3A_75, %get3A_1 : vector<1024x128xf32>
    %get3A_77 = arith.constant 12 : index
    %get3A_78 = arith.constant 0 : index
    %get3A_79 = arith.constant 0 : index
    %get3A_80 = vector.load %arg3[%get3A_77, %get3A_78, %get3A_79] : memref<20x1024x128xf32, #tpu.memory_space<vmem>>, vector<1x1024x128xf32>
    %get3A_81 = vector.shape_cast %get3A_80 : vector<1x1024x128xf32> to vector<1024x128xf32>
    %mul3A_82 = arith.mulf %get3A_81, %get3A_1 : vector<1024x128xf32>
    %get3A_83 = arith.constant 13 : index
    %get3A_84 = arith.constant 0 : index
    %get3A_85 = arith.constant 0 : index
    %get3A_86 = vector.load %arg3[%get3A_83, %get3A_84, %get3A_85] : memref<20x1024x128xf32, #tpu.memory_space<vmem>>, vector<1x1024x128xf32>
    %get3A_87 = vector.shape_cast %get3A_86 : vector<1x1024x128xf32> to vector<1024x128xf32>
    %mul3A_88 = arith.mulf %get3A_87, %get3A_1 : vector<1024x128xf32>
    %get3A_89 = arith.constant 14 : index
    %get3A_90 = arith.constant 0 : index
    %get3A_91 = arith.constant 0 : index
    %get3A_92 = vector.load %arg3[%get3A_89, %get3A_90, %get3A_91] : memref<20x1024x128xf32, #tpu.memory_space<vmem>>, vector<1x1024x128xf32>
    %get3A_93 = vector.shape_cast %get3A_92 : vector<1x1024x128xf32> to vector<1024x128xf32>
    %mul3A_94 = arith.mulf %get3A_93, %get3A_1 : vector<1024x128xf32>
    %get3A_95 = arith.constant 15 : index
    %get3A_96 = arith.constant 0 : index
    %get3A_97 = arith.constant 0 : index
    %get3A_98 = vector.load %arg3[%get3A_95, %get3A_96, %get3A_97] : memref<20x1024x128xf32, #tpu.memory_space<vmem>>, vector<1x1024x128xf32>
    %get3A_99 = vector.shape_cast %get3A_98 : vector<1x1024x128xf32> to vector<1024x128xf32>
    %mul3A_100 = arith.mulf %get3A_99, %get3A_1 : vector<1024x128xf32>
    %get3A_101 = arith.constant 16 : index
    %get3A_102 = arith.constant 0 : index
    %get3A_103 = arith.constant 0 : index
    %get3A_104 = vector.load %arg3[%get3A_101, %get3A_102, %get3A_103] : memref<20x1024x128xf32, #tpu.memory_space<vmem>>, vector<1x1024x128xf32>
    %get3A_105 = vector.shape_cast %get3A_104 : vector<1x1024x128xf32> to vector<1024x128xf32>
    %mul3A_106 = arith.mulf %get3A_105, %get3A_1 : vector<1024x128xf32>
    %get3A_107 = arith.constant 17 : index
    %get3A_108 = arith.constant 0 : index
    %get3A_109 = arith.constant 0 : index
    %get3A_110 = vector.load %arg3[%get3A_107, %get3A_108, %get3A_109] : memref<20x1024x128xf32, #tpu.memory_space<vmem>>, vector<1x1024x128xf32>
    %get3A_111 = vector.shape_cast %get3A_110 : vector<1x1024x128xf32> to vector<1024x128xf32>
    %mul3A_112 = arith.mulf %get3A_111, %get3A_1 : vector<1024x128xf32>
    %get3A_113 = arith.constant 18 : index
    %get3A_114 = arith.constant 0 : index
    %get3A_115 = arith.constant 0 : index
    %get3A_116 = vector.load %arg3[%get3A_113, %get3A_114, %get3A_115] : memref<20x1024x128xf32, #tpu.memory_space<vmem>>, vector<1x1024x128xf32>
    %get3A_117 = vector.shape_cast %get3A_116 : vector<1x1024x128xf32> to vector<1024x128xf32>
    %mul3A_118 = arith.mulf %get3A_117, %get3A_1 : vector<1024x128xf32>
    %get3A_119 = arith.constant 19 : index
    %get3A_120 = arith.constant 0 : index
    %get3A_121 = arith.constant 0 : index
    %get3A_122 = vector.load %arg3[%get3A_119, %get3A_120, %get3A_121] : memref<20x1024x128xf32, #tpu.memory_space<vmem>>, vector<1x1024x128xf32>
    %get3A_123 = vector.shape_cast %get3A_122 : vector<1x1024x128xf32> to vector<1024x128xf32>
    %mul3A_124 = arith.mulf %get3A_123, %get3A_1 : vector<1024x128xf32>
    %concatenate3A = tpu.concatenate %mul3A, %mul3A_10, %mul3A_16, %mul3A_22, %mul3A_28, %mul3A_34, %mul3A_40, %mul3A_46, %mul3A_52, %mul3A_58, %mul3A_64, %mul3A_70, %mul3A_76, %mul3A_82, %mul3A_88, %mul3A_94, %mul3A_100, %mul3A_106, %mul3A_112, %mul3A_118, %mul3A_124 in 1 : vector<1024x128xf32>, vector<1024x128xf32>, vector<1024x128xf32>, vector<1024x128xf32>, vector<1024x128xf32>, vector<1024x128xf32>, vector<1024x128xf32>, vector<1024x128xf32>, vector<1024x128xf32>, vector<1024x128xf32>, vector<1024x128xf32>, vector<1024x128xf32>, vector<1024x128xf32>, vector<1024x128xf32>, vector<1024x128xf32>, vector<1024x128xf32>, vector<1024x128xf32>, vector<1024x128xf32>, vector<1024x128xf32>, vector<1024x128xf32>, vector<1024x128xf32> -> vector<1024x2688xf32>
    %convert_element_type3A = arith.truncf %concatenate3A : vector<1024x2688xf32> to vector<1024x2688xbf16>
    %get3A_125 = arith.constant 0 : index
    %get3A_126 = arith.constant 0 : index
    %get3A_127 = vector.load %arg4[%get3A_125, %get3A_126] : memref<2688x21xbf16, #tpu.memory_space<vmem>>, vector<2688x21xbf16>
    %dot_general3A = arith.constant dense<0.000000e+00> : vector<1024x21xf32>
    %dot_general3A_128 = tpu.matmul %convert_element_type3A, %get3A_127, %dot_general3A {dimension_numbers = #tpu.dot_dimension_numbers<[1], [0], [0], [1], [0, 0, 1, 1], [], []>, transpose_lhs_hint = false} : vector<1024x2688xbf16>, vector<2688x21xbf16>, vector<1024x21xf32> -> vector<1024x21xf32>
    %min3A = arith.constant 0.000000e+00 : f32
    %min3A_129 = vector.broadcast %min3A : f32 to vector<1024x21xf32>
    %min3A_130 = arith.minimumf %dot_general3A_128, %min3A_129 : vector<1024x21xf32>
    %abs3A = math.absf %dot_general3A_128 : vector<1024x21xf32>
    %neg3A = arith.constant 0.000000e+00 : f32
    %neg3A_131 = vector.broadcast %neg3A : f32 to vector<1024x21xf32>
    %neg3A_132 = arith.subf %neg3A_131, %abs3A : vector<1024x21xf32>
    %exp3A = math.exp %neg3A_132 : vector<1024x21xf32>
    %add3A = arith.constant 1.000000e+00 : f32
    %add3A_133 = vector.broadcast %add3A : f32 to vector<1024x21xf32>
    %add3A_134 = arith.addf %add3A_133, %exp3A : vector<1024x21xf32>
    %log3A = math.log %add3A_134 : vector<1024x21xf32>
    %sub3A = arith.subf %min3A_130, %log3A : vector<1024x21xf32>
    %reduce_sum3A = vector.shape_cast %sub3A : vector<1024x21xf32> to vector<1x1024x21xf32>
    %reduce_sum3A_135 = arith.constant dense<0.000000e+00> : vector<1xf32>
    %reduce_sum3A_136 = vector.multi_reduction <add>, %reduce_sum3A, %reduce_sum3A_135 [1, 2] : vector<1x1024x21xf32> to vector<1xf32>
    %reduce_sum3A_137 = vector.shape_cast %reduce_sum3A_136 : vector<1xf32> to vector<1x1x1xf32>
    %reduce_sum3A_138 = vector.extract %reduce_sum3A_137[0, 0, 0] : f32 from vector<1x1x1xf32>
    %reshape3A = vector.broadcast %reduce_sum3A_138 : f32 to vector<1x1xf32>
    %eq3A = arith.constant 0 : i32
    %eq3A_139 = arith.cmpi eq, %arg0, %eq3A : i32
    %convert_element_type3A_140 = arith.extui %eq3A_139 : i1 to i32
    %cond3A = arith.constant 0 : i32
    %cond3A_141 = arith.cmpi ne, %convert_element_type3A_140, %cond3A : i32
    scf.if %cond3A_141 {
      %broadcast_in_dim3A = arith.constant 0.000000e+00 : f32
      %broadcast_in_dim3A_148 = vector.broadcast %broadcast_in_dim3A : f32 to vector<1x1xf32>
      %swap3A_149 = arith.constant 0 : index
      %swap3A_150 = arith.constant 0 : index
      %swap3A_151 = vector.load %arg5[%swap3A_149, %swap3A_150] : memref<1x1xf32, #tpu.memory_space<vmem>>, vector<1x1xf32>
      tpu.vector_store %arg5[%swap3A_149, %swap3A_150], %broadcast_in_dim3A_148 {strides = array<i32>} : memref<1x1xf32, #tpu.memory_space<vmem>>, vector<1x1xf32>,
    } else {
    }
    %get3A_142 = arith.constant 0 : index
    %get3A_143 = arith.constant 0 : index
    %get3A_144 = vector.load %arg5[%get3A_142, %get3A_143] : memref<1x1xf32, #tpu.memory_space<vmem>>, vector<1x1xf32>
    %add3A_145 = arith.addf %get3A_144, %reshape3A : vector<1x1xf32>
    %swap3A = arith.constant 0 : index
    %swap3A_146 = arith.constant 0 : index
    %swap3A_147 = vector.load %arg5[%swap3A, %swap3A_146] : memref<1x1xf32, #tpu.memory_space<vmem>>, vector<1x1xf32>
    tpu.vector_store %arg5[%swap3A, %swap3A_146], %add3A_145 {strides = array<i32>} : memref<1x1xf32, #tpu.memory_space<vmem>>, vector<1x1xf32>,
    return
  }
  func.func @transform_0(%arg0: i32) -> (i32, i32) {
    %c0_i32 = arith.constant 0 : i32
    %c0_i32_0 = arith.constant 0 : i32
    return %arg0, %c0_i32 : i32, i32
  }
  func.func @transform_1(%arg0: i32) -> (i32, i32) {
    %c0_i32 = arith.constant 0 : i32
    %c0_i32_0 = arith.constant 0 : i32
    return %arg0, %c0_i32 : i32, i32
  }
  func.func @transform_2(%arg0: i32) -> (i32, i32, i32) {
    %c0_i32 = arith.constant 0 : i32
    %c0_i32_0 = arith.constant 0 : i32
    %c0_i32_1 = arith.constant 0 : i32
    return %c0_i32, %arg0, %c0_i32_0 : i32, i32, i32
  }
  func.func @transform_3(%arg0: i32) -> (i32, i32) {
    %c0_i32 = arith.constant 0 : i32
    %c0_i32_0 = arith.constant 0 : i32
    %c0_i32_1 = arith.constant 0 : i32
    return %c0_i32, %c0_i32_0 : i32, i32
  }
  func.func @transform_4(%arg0: i32) -> (i32, i32) {
    %c0_i32 = arith.constant 0 : i32
    %c0_i32_0 = arith.constant 0 : i32
    %c0_i32_1 = arith.constant 0 : i32
    return %c0_i32, %c0_i32_0 : i32, i32
  }
}

</mosaic_0001>

<sc_bundles>
// kernel: kernel.10.cloned.1.call-start
scs
__scs_entry_jumppad:
0x0: {  	(pc) =	sbr.rel $0x88, $3  }
0x1: {  	(tag) =	ssettag $0x0;
	lr =	simm.s32 $0x1  }
0x2: {  	[smem:$0x3F9C] =	sst lr;
	_ =	strace $0xD0000000  }
0x3: {  	_ = 	snop  }
0x4: {  	_ = 	snop  }
0x5: {  	_ = 	snop  }
0x6: {  	_ = 	snop  }
0x7: {  	_ = 	snop  }
__scs_overlays_trampoline_lowered:
0x8: {  	[smem:$0x3FAB] =	sst s0  }
0x9: {  	[smem:$0x3FAC] =	sst s1  }
0xa: {  	[smem:$0x3FAD] =	sst s2  }
0xb: {  	[smem:$0x3FAE] =	sst s3  }
0xc: {  	[smem:$0x3FAF] =	sst s4  }
0xd: {  	[smem:$0x3FB0] =	sst s5  }
0xe: {  	[smem:$0x3FB1] =	sst s6  }
0xf: {  	[smem:$0x3FB2] =	sst s7  }
0x10: {  	[smem:$0x3FB3] =	sst s8  }
0x11: {  	[smem:$0x3FB4] =	sst s9;
	s0 =	simm.s32 @!p0 $0x0  }
0x12: {  	s1 =	sld [smem:$0x3F9A];
	s0 =	simm.s32 @p0 $0x1  }
0x13: {  	[smem:$0x3FB5] =	sst s0;
	s0 =	simm.s32 @!p1 $0x0  }
0x14: {  	s2 =	sld [smem:$0x3F99];
	s0 =	simm.s32 @p1 $0x1  }
0x15: {  	[smem:$0x3FB6] =	sst s0;
	s0 =	simm.s32 @!p2 $0x0  }
0x16: {  	s3 =	sld [smem:$0x3FDB];
	s0 =	simm.s32 @p2 $0x1  }
0x17: {  	s4 =	simm.s32 $0x1BF5;
	[smem:$0x3FB8] =	sst s0  }
0x18: {  	s0 =	sld [smem:$0x3F9B];
	_ =	swait.ge [sflag:s4], $0x0  }
0x19: {  	s7 =	sld [smem:$0x3F9C]  }
0x1a: {  	s8 =	sadd.s32 $0xFFFFE003, lr  }
0x1b: {  	s9 =	sadd.s32 $0xFFFFFEF7, lr;
	s5 =	simm.s32 $0xFFFFFFFF;
	p2 =	slt.u32 s8, $0xFFFFF086  }
0x1c: {  	p1 =	slt.u32 s9, $0xF7A;
	s5 =	simm.s32 @!p2 $0x0  }
0x1d: {  	s5 =	simm.s32 @p1 $0x1;
	p0 =	seq.s32 s7, s2  }
0x1e: {  	s7 =	smul.u32 @!p0 $0xF7A, s2;
	p2 =	seq.s32 @!p0 s5, $0x0  }
0x1f: {  	s9 =	smul.u32 $0xF7A, s1;
	s8 =	simm.s32 @!p0 $0x1BF5;
	p2 =	por !p2, p0  }
0x20: {  	[sflag:s8] =	ssyncset.s32 @!p0 $0xFFFFF086;
	s6 =	sadd.s32 @!p0 s3, s7;
	s7 =	simm.s32 @!p0 $0x108  }
0x21: {  	s3 =	sadd.s32 s3, s9;
	s6 =	sadd.s32 @!p0 $0x88, s6;
	s7 =	simm.s32 @p2 $0x1082  }
0x22: {  	[simem:s7], [sflag:s8] =	dma.local @!p0 [hbm:s6], $0xF7A  }
0x23: {  	s9 =	sor.u32 $0xD0000000, s2;
	s6 =	simm.s32 $0x108;
	_ =	swait.ge @!p0 [sflag:s8], $0x0  }
0x24: {  	s3 =	sadd.s32 $0x88, s3;
	s6 =	simm.s32 @!p1 $0x1082;
	[sflag:s4] =	ssyncset.s32 $0xFFFFF086  }
0x25: {  	[simem:s6], [sflag:s4] =	dma.local [hbm:s3], $0xF7A  }
0x26: {  	[smem:$0x3F9C] =	sst s1;
	(tag) =	ssettag s2;
	_ =	strace s9  }
0x27: {  	s1 =	sld [smem:$0x3FAC]  }
0x28: {  	s2 =	sld [smem:$0x3FAD]  }
0x29: {  	s4 =	sld [smem:$0x3FAF]  }
0x2a: {  	p0 =	seq.s32 s5, $0x0;
	s5 =	sld [smem:$0x3FB0]  }
0x2b: {  	s6 =	sld [smem:$0x3FB1]  }
0x2c: {  	s7 =	sld [smem:$0x3FB2]  }
0x2d: {  	s3 =	simm.s32 $0x108;
	s8 =	sld [smem:$0x3FB3]  }
0x2e: {  	s3 =	simm.s32 @!p0 $0x1082;
	s9 =	sld [smem:$0x3FB4]  }
0x2f: {  	lr =	sadd.s32 s0, s3;
	s0 =	sld [smem:$0x3FAB]  }
0x30: {  	s3 =	sld [smem:$0x3FAE]  }
0x31: {  	[smem:$0x3FB7] =	sst s10  }
0x32: {  	s10 =	sld [smem:$0x3FB5];
	_ =	sdelay $0x3  }
0x33: {  	p0 =	seq.s32 s10, $0x1;
	s10 =	sld [smem:$0x3FB7];
	_ =	sdelay $0x3  }
0x34: {  	[smem:$0x3FB7] =	sst s10  }
0x35: {  	s10 =	sld [smem:$0x3FB6];
	_ =	sdelay $0x3  }
0x36: {  	p1 =	seq.s32 s10, $0x1;
	s10 =	sld [smem:$0x3FB7];
	_ =	sdelay $0x3  }
0x37: {  	[smem:$0x3FB7] =	sst s10  }
0x38: {  	s10 =	sld [smem:$0x3FB8]  }
0x39: {  	_ = 	snop;
	(pc) =	sbr.ind lr, $3  }
0x3a: {  	_ = 	snop  }
0x3b: {  	_ = 	snop  }
0x3c: {  	p2 =	seq.s32 s10, $0x1;
	s10 =	sld [smem:$0x3FB7]  }
0x3d: {  	_ =	shalt  }
0x3e: {  	_ =	shalt  }
0x3f: {  	_ =	shalt  }
0x40: {  	_ =	shalt  }
0x41: {  	_ =	shalt  }
0x42: {  	_ =	shalt  }
0x43: {  	_ =	shalt  }
0x44: {  	_ =	shalt  }
0x45: {  	_ =	shalt  }
0x46: {  	_ =	shalt  }
0x47: {  	_ =	shalt  }
0x48: {  	_ =	shalt  }
0x49: {  	_ =	shalt  }
0x4a: {  	_ =	shalt  }
0x4b: {  	_ =	shalt  }
0x4c: {  	_ =	shalt  }
0x4d: {  	_ =	shalt  }
0x4e: {  	_ =	shalt  }
0x4f: {  	_ =	shalt  }
0x50: {  	_ =	shalt  }
0x51: {  	_ =	shalt  }
0x52: {  	_ =	shalt  }
0x53: {  	_ =	shalt  }
0x54: {  	_ =	shalt  }
0x55: {  	_ =	shalt  }
0x56: {  	_ =	shalt  }
0x57: {  	_ =	shalt  }
0x58: {  	_ =	shalt  }
0x59: {  	_ =	shalt  }
0x5a: {  	_ =	shalt  }
0x5b: {  	_ =	shalt  }
0x5c: {  	_ =	shalt  }
0x5d: {  	_ =	shalt  }
0x5e: {  	_ =	shalt  }
0x5f: {  	_ =	shalt  }
0x60: {  	_ =	shalt  }
0x61: {  	_ =	shalt  }
0x62: {  	_ =	shalt  }
0x63: {  	_ =	shalt  }
0x64: {  	_ =	shalt  }
0x65: {  	_ =	shalt  }
0x66: {  	_ =	shalt  }
0x67: {  	_ =	shalt  }
0x68: {  	_ =	shalt  }
0x69: {  	_ =	shalt  }
0x6a: {  	_ =	shalt  }
0x6b: {  	_ =	shalt  }
0x6c: {  	_ =	shalt  }
0x6d: {  	_ =	shalt  }
0x6e: {  	_ =	shalt  }
0x6f: {  	_ =	shalt  }
0x70: {  	_ =	shalt  }
0x71: {  	_ =	shalt  }
0x72: {  	_ =	shalt  }
0x73: {  	_ =	shalt  }
0x74: {  	_ =	shalt  }
0x75: {  	_ =	shalt  }
0x76: {  	_ =	shalt  }
0x77: {  	_ =	shalt  }
0x78: {  	_ =	shalt  }
0x79: {  	_ =	shalt  }
0x7a: {  	_ =	shalt  }
0x7b: {  	_ =	shalt  }
0x7c: {  	_ =	shalt  }
0x7d: {  	_ =	shalt  }
0x7e: {  	_ =	shalt  }
0x7f: {  	_ =	shalt  }
0x80: {  	_ =	shalt  }
0x81: {  	_ =	shalt  }
0x82: {  	_ =	shalt  }
0x83: {  	_ =	shalt  }
0x84: {  	_ =	shalt  }
0x85: {  	_ =	shalt  }
0x86: {  	_ =	shalt  }
0x87: {  	_ =	shalt  }
.Lfunc_end0:
.L_simem_size_0:
called_computation_lowered:
.L_overlay_start_0:
0x88: {  	s2 =	sld [smem:$0x3FD9]  }
0x89: {  	s3 =	sld [smem:$0x3FFE];
	_ =	sdelay $0x1  }
0x8a: {  	s1 =	srdreg.scid  }
0x8b: {  	s0 =	sand.u32 $0x1, s1  }
0x8c: {  	s17 =	sshll.u32 s0, $0xA;
	s2 =	sadd.s32 s3, s2  }
0x8d: {  	s2 =	sadd.s32 s2, s17  }
0x8e: {  	[smem:$0x3FC3] =	sst s2  }
0x8f: {  	_ = 	snop  }
0x90: {  	s18 =	sld [smem:$0x3FC9]  }
0x91: {  	s4 =	sld [smem:$0x3FC8];
	(tm) =	ssettm $0x1  }
0x92: {  	s19 =	sld [smem:$0x3FFB];
	_ =	sdelay $0x3  }
0x93: {  	_ =	strace s19  }
0x94: {  	s2 =	sld [smem:$0x3FFC];
	_ =	sdelay $0x3  }
0x95: {  	_ =	strace s2  }
0x96: {  	s2 =	sld [smem:$0x3FFD];
	_ =	sdelay $0x3  }
0x97: {  	_ =	strace s2  }
0x98: {  	_ =	strace $0x8FFFFFFF  }
0x99: {  	s20 =	sld [smem:$0x3FDB];
	_ =	sdelay $0x1  }
0x9a: {  	s5 =	simm.s32 $_scs_section_size  }
0x9b: {  	s6 =	simm.s32 $_size__tile_overlayer_lowered;
	s7 =	simm.s32 $_tile_overlayer_lowered  }
0x9c: {  	s8 =	simm.s32 $0x1BFF;
	s21 =	sshll.u32 s7, $0x1;
	s5 =	sadd.s32 s5, s20  }
0x9d: {  	s22 =	simm.s32 $0x0;
	s6 =	sshll.u32 s6, $0x1;
	s7 =	sadd.s32 s21, s5  }
0x9e: {  	[timem:s22], [sflag:s8] =	dma.local [hbm:s7], s6  }
0x9f: {  	_ =	swait.ge [sflag:s8], s6  }
0xa0: {  	s6 =	ssub.s32 $0x0, s6;
	[sflag:s8] =	ssyncset.done $0x0  }
0xa1: {  	[sflag:s8] =	ssyncadd.s32 s6;
	_ =	sdelay $0x1  }
0xa2: {  	s23 =	simm.s32 $0x1B8B  }
0xa3: {  	_ =	swait.ge [sflag:s23], $0x1  }
0xa4: {  	[sflag:s23] =	ssyncset.done $0x0  }
0xa5: {  	[sflag:s23] =	ssyncadd.s32 $0xFFFFFFFF  }
0xa6: {  	s6 =	sld [smem:$0x0]  }
0xa7: {  	s7 =	sand.u32 $0xFFFFFFFE, s1  }
0xa8: {  	p0 =	sne.s32 s1, s7  }
0xa9: {  	s7 =	sshll.u32 @p0 s7, $0xE  }
0xaa: {  	s7 =	sadd.s32 @p0 $0x11B8D, s7;
	s8 =	sshll.u32 @p0 s6, $0x11  }
0xab: {  	s7 =	sor.u32 @p0 s8, s7  }
0xac: {  	[sflag:s7] =	ssyncadd.remote.s32 @p0 $0x1;
	_ =	sdelay $0x1  }
0xad: {  	s7 =	simm.s32 @p0 $0x1B8D  }
0xae: {  	_ =	swait.eq @p0 [sflag:s7], $0x1  }
0xaf: {  	[sflag:s7] =	ssyncadd.s32 @p0 $0xFFFFFFFF  }
0xb0: {  	s8 =	sshll.u32 @!p0 s1, $0xE  }
0xb1: {  	s8 =	sor.u32 @!p0 $0x4000, s8;
	s7 =	simm.s32 @!p0 $0x1B8D  }
0xb2: {  	s6 =	sshll.u32 @!p0 s6, $0x11;
	s8 =	sadd.s32 @!p0 $0x11B8D, s8;
	_ =	swait.eq @!p0 [sflag:s7], $0x1  }
0xb3: {  	s6 =	sor.u32 @!p0 s6, s8;
	[sflag:s7] =	ssyncadd.s32 @!p0 $0xFFFFFFFF  }
0xb4: {  	s25 =	simm.s32 $0x1B8E;
	s24 =	sld [smem:$0x3FFE];
	[sflag:s6] =	ssyncadd.remote.s32 @!p0 $0x1  }
0xb5: {  	s26 =	simm.s32 $execute0_lowered;
	[smem:$0x3FD2] =	sst s25  }
0xb6: {  	s7 =	sshll.u32 s26, $0x1;
	_ =	strace $0x80000049;
	[dreg:$0x1] =	wrdreg $0xFFFFFFFF  }
0xb7: {  	s28 =	simm.s32 $_size_execute0_lowered;
	s5 =	sadd.s32 s5, s7;
	[dreg:$0x0] =	wrdreg $0x0  }
0xb8: {  	s7 =	sshll.u32 s28, $0x1;
	[dreg:$0x2] =	wrdreg s5  }
0xb9: {  	[dreg:$0x3] =	wrdreg s7  }
0xba: {  	[dreg:$0x4] =	wrdreg $0xC0  }
0xbb: {  	_ =	task [dreg:s22], $0x5FFFF  }
0xbc: {  	[dreg:$0x1] =	wrdreg $0xFFFFFFFF  }
0xbd: {  	[dreg:$0x0] =	wrdreg $0x60  }
0xbe: {  	[dreg:$0x2] =	wrdreg s18  }
0xbf: {  	[dreg:$0x3] =	wrdreg s4  }
0xc0: {  	[dreg:$0x4] =	wrdreg s24  }
0xc1: {  	[dreg:$0x5] =	wrdreg $0x9  }
0xc2: {  	_ =	task.clear_ibuf [dreg:s22], $0x6FFFF;
	_ =	strace $0x90000049  }
0xc3: {  	s29 =	simm.s32 $0x9;
	_ =	strace $0x8000004B  }
0xc4: {  	_ =	swait.ge [sflag:s29], $0x1  }
0xc5: {  	[sflag:s29] =	ssyncadd.s32 $0xFFFFFFFF  }
0xc6: {  	_ =	strace $0x9000004B  }
0xc7: {  	_ =	sfence  }
0xc8: {  	s30 =	sld [smem:$0x0];
	_ =	sdelay $0x2  }
0xc9: {  	s31 =	sshll.u32 s1, $0xD;
	s1 =	sshrl.u32 s1, $0x2  }
0xca: {  	s4 =	sand.u32 $0x4000, s31;
	s1 =	sadd.s32 s1, s30  }
0xcb: {  	s0 =	sor.u32 s4, s0;
	s1 =	sshll.u32 s1, $0x11  }
0xcc: {  	s0 =	sor.u32 s1, s0  }
0xcd: {  	s0 =	sadd.s32 $0x8F2B, s0  }
0xce: {  	[sflag:s0] =	ssyncadd.remote.s32 $0x1  }
0xcf: {  	_ =	sfence.sel $0xFFFF  }
0xd0: {  	[dreg:$0x0] =	wrdreg $0xFFFFFFFF;
	(pc) =	sbr.abs _section_cstart, $3  }
0xd1: {  	[dreg:$0x1] =	wrdreg $0xFFFFFFFF  }
0xd2: {  	_ =	task.clear_ibuf [dreg:s22], $0x2FFFF;
	_ =	strace $0x9FFFFFFF  }
0xd3: {  	(tm) =	ssettm $0x7FFFFFFF  }
tec
execute0_lowered:
.L_overlay_start_1:
0x0: {  	(tag) =	ssettag $0x1  }
0x1: {  	s3 =	rddreg [dreg:$0x1];
	s0 =	srdreg.scid  }
0x2: {  	s10 =	stileid.u32;
	s1 =	rddreg [dreg:$0x2];
	s4 =	simm.s32 $0x0  }
0x3: {  	s15 =	simm.s32 $0xD;
	s16 =	simm.s32 $0x80;
	s17 =	simm.s32 $0xC00  }
0x4: {  	s18 =	simm.s32 $0x4C00;
	s20 =	simm.s32 $0x8C00;
	s28 =	simm.s32 $0x14C00  }
0x5: {  	s29 =	simm.s32 $0x6;
	s30 =	simm.s32 $0x9;
	s31 =	simm.s32 $0x7  }
0x6: {  	s19 =	simm.s32 $0xC;
	s0 =	sand.u32 $0x1, s0;
	s2 =	sshll.u32 s10, $0x1  }
0x7: {  	[smem:$0x7FF] =	sst s4;
	s26 =	sshll.u32 s10, $0xC;
	s2 =	sor.u32 s0, s2  }
0x8: {  	_ =	strace $0x8000004A;
	s7 =	ssub.s32 $0x2, s0;
	s0 =	sshll.u32 s0, $0xB  }
0x9: {  	s5 =	smul.u32 $0x180, s2;
	s2 =	sshll.u32 s2, $0xB;
	s9 =	sshrl.u32 s7, $0x1  }
0xa: {  	s14 =	sor.u32 s0, s26;
	s0 =	simm.s32 $0x8;
	s8 =	sadd.s32 s2, s1  }
0xb: {  	s26 =	simm.s32 $0x3;
	s9 =	ssub.s32 s7, s9;
	s23 =	sadd.s32 $0x16F800, s8  }
0xc: {  	s6 =	sadd.s32 s5, s1;
	s24 =	sadd.s32 $0x17F800, s8;
	[dreg:$0x9] =	wrdreg s23  }
0xd: {  	s5 =	sadd.s32 $0x18F800, s1;
	s25 =	smax.u32 s9, $0x1;
	[dreg:$0xa] =	wrdreg s24  }
0xe: {  	s1 =	sadd.s32 $0x1CF800, s1;
	s8 =	simm.s32 $0x0;
	[dreg:$0xb] =	wrdreg s25  }
0xf: {  	s6 =	sadd.s32 $0x16C800, s6;
	s7 =	sadd.s32 s5, s2;
	[dreg:$0x4] =	wrdreg s1  }
0x10: {  	s24 =	simm.s32 $0x10C00;
	[dreg:$0x5] =	wrdreg s6;
	s2 =	sadd.s32 $0x110000, s7  }
0x11: {  	s25 =	simm.s32 $0x5;
	s21 =	sadd.s32 $0x120000, s7;
	[dreg:$0x6] =	wrdreg s2  }
0x12: {  	s1 =	simm.s32 $0xB;
	s22 =	sadd.s32 $0x130000, s7;
	[dreg:$0x7] =	wrdreg s21  }
0x13: {  	s23 =	simm.s32 $0x2;
	s6 =	simm.s32 $0x4;
	[dreg:$0x8] =	wrdreg s22  }
0x14: {  	s22 =	simm.s32 $0xCC00;
	s2 =	simm.s32 $0xA;
	s21 =	simm.s32 $0x1  }
.LBB2_1:
0x15: {  	s9 =	rddreg [dreg:$0x5]  }
0x16: {  	[tilespmem:s4], [sflag:$0xD] =	stream.linear.gather [hbm4b:s9+s4], $0xC00, $0x38;
	[tilespmem:$0x18C00] =	vst v63  }
0x17: {  	_ =	swait.ge [sflag:s15], $0xC00  }
0x18: {  	[sflag:s15] =	ssyncset.done $0x0  }
0x19: {  	[sflag:s15] =	ssyncadd.s32 $0xFFFFF400  }
0x1a: {  	s12 =	rddreg [dreg:$0x0]  }
0x1b: {  	[tilespmem:s17], [sflag:$0x1] =	stream.indirect.gather [hbm4b:s12+s16], $0x80, s4, s16, $0xb8;
	[tilespmem:$0x18C00] =	vst v63  }
0x1c: {  	_ = 	snop  }
0x1d: {  	[tilespmem:s18], [sflag:$0x2] =	stream.indirect.gather [hbm4b:s3+s16], $0x80, s16, s16, $0xb8;
	[tilespmem:$0x18C00] =	vst v63  }
0x1e: {  	s13 =	simm.s32 $0x100  }
0x1f: {  	[tilespmem:s20], [sflag:$0x5] =	stream.indirect.gather [hbm4b:s3+s16], $0x80, s13, s16, $0xb8;
	[tilespmem:$0x18C00] =	vst v63  }
0x20: {  	s10 =	simm.s32 $0x180  }
0x21: {  	[tilespmem:s22], [sflag:$0x6] =	stream.indirect.gather [hbm4b:s3+s16], $0x80, s10, s16, $0xb8;
	[tilespmem:$0x18C00] =	vst v63  }
0x22: {  	s11 =	simm.s32 $0x200  }
0x23: {  	[tilespmem:s24], [sflag:$0x7] =	stream.indirect.gather [hbm4b:s3+s16], $0x80, s11, s16, $0xb8;
	[tilespmem:$0x18C00] =	vst v63  }
0x24: {  	_ =	swait.ge [sflag:s25], $0x4000  }
0x25: {  	[sflag:s25] =	ssyncset.done $0x0  }
0x26: {  	s12 =	simm.s32 $0x280;
	[sflag:s25] =	ssyncadd.s32 $0xFFFFC000  }
0x27: {  	[tilespmem:s28], [sflag:$0x8] =	stream.indirect.gather [hbm4b:s3+s16], $0x80, s12, s16, $0xb8;
	[tilespmem:$0x18C00] =	vst v63  }
0x28: {  	_ = 	snop  }
0x29: {  	[hbm4b:s7+s4] =	stream.linear.scatter [tilespmem:s20], [sflag:$0x9], $0x4000, $0x38;
	[tilespmem:$0x18C00] =	vst v63  }
0x2a: {  	_ =	swait.ge [sflag:s29], $0x4000  }
0x2b: {  	[sflag:s29] =	ssyncset.done $0x0  }
0x2c: {  	[sflag:s29] =	ssyncadd.s32 $0xFFFFC000  }
0x2d: {  	_ =	swait.ge [sflag:s30], $0x4000  }
0x2e: {  	[sflag:s30] =	ssyncset.done $0x0  }
0x2f: {  	s13 =	simm.s32 $0x300;
	s10 =	sor.u32 $0x10000, s14;
	[sflag:s30] =	ssyncadd.s32 $0xFFFFC000  }
0x30: {  	[tilespmem:s20], [sflag:$0x5] =	stream.indirect.gather [hbm4b:s3+s16], $0x80, s13, s16, $0xb8;
	[tilespmem:$0x18C00] =	vst v63  }
0x31: {  	s11 =	sadd.s32 s5, s10  }
0x32: {  	[hbm4b:s11+s4] =	stream.linear.scatter [tilespmem:s22], [sflag:$0xA], $0x4000, $0x38;
	[tilespmem:$0x18C00] =	vst v63  }
0x33: {  	_ =	swait.ge [sflag:s31], $0x4000  }
0x34: {  	[sflag:s31] =	ssyncset.done $0x0  }
0x35: {  	[sflag:s31] =	ssyncadd.s32 $0xFFFFC000  }
0x36: {  	_ =	swait.ge [sflag:s2], $0x4000  }
0x37: {  	[sflag:s2] =	ssyncset.done $0x0  }
0x38: {  	s12 =	simm.s32 $0x380;
	s13 =	sor.u32 $0x20000, s14;
	[sflag:s2] =	ssyncadd.s32 $0xFFFFC000  }
0x39: {  	[tilespmem:s22], [sflag:$0x6] =	stream.indirect.gather [hbm4b:s3+s16], $0x80, s12, s16, $0xb8;
	[tilespmem:$0x18C00] =	vst v63  }
0x3a: {  	s11 =	sadd.s32 s5, s13  }
0x3b: {  	[hbm4b:s11+s4] =	stream.linear.scatter [tilespmem:s24], [sflag:$0xB], $0x4000, $0x38;
	[tilespmem:$0x18C00] =	vst v63  }
0x3c: {  	_ =	swait.ge [sflag:s0], $0x4000  }
0x3d: {  	[sflag:s0] =	ssyncset.done $0x0  }
0x3e: {  	[sflag:s0] =	ssyncadd.s32 $0xFFFFC000  }
0x3f: {  	_ =	swait.ge [sflag:s1], $0x4000  }
0x40: {  	[sflag:s1] =	ssyncset.done $0x0  }
0x41: {  	s13 =	sor.u32 $0x30000, s14;
	s12 =	simm.s32 $0x400;
	[sflag:s1] =	ssyncadd.s32 $0xFFFFC000  }
0x42: {  	[tilespmem:s24], [sflag:$0x7] =	stream.indirect.gather [hbm4b:s3+s16], $0x80, s12, s16, $0xb8;
	[tilespmem:$0x18C00] =	vst v63  }
0x43: {  	s11 =	sadd.s32 s5, s13  }
0x44: {  	[hbm4b:s11+s4] =	stream.linear.scatter [tilespmem:s28], [sflag:$0xC], $0x4000, $0x38;
	[tilespmem:$0x18C00] =	vst v63  }
0x45: {  	_ =	swait.ge [sflag:s25], $0x4000  }
0x46: {  	[sflag:s25] =	ssyncset.done $0x0  }
0x47: {  	[sflag:s25] =	ssyncadd.s32 $0xFFFFC000  }
0x48: {  	s9 =	simm.s32 $0x800;
	_ =	swait.ge [sflag:s19], $0x4000  }
0x49: {  	s10 =	sadd.s32 $0x40000, s14;
	[sflag:s19] =	ssyncset.done $0x0;
	s12 =	rddreg [dreg:$0x4]  }
0x4a: {  	s13 =	simm.s32 $0x480;
	[sflag:s19] =	ssyncadd.s32 $0xFFFFC000;
	s11 =	sadd.s32 s14, s12  }
0x4b: {  	[tilespmem:s28], [sflag:$0x8] =	stream.indirect.gather [hbm4b:s3+s16], $0x80, s13, s16, $0xb8;
	[tilespmem:$0x18C00] =	vst v63  }
.LBB2_2:
0x4c: {  	[hbm4b:s11+s4] =	stream.linear.scatter [tilespmem:s20], [sflag:$0x9], $0x4000, $0x38;
	[tilespmem:$0x18C00] =	vst v63  }
0x4d: {  	_ =	swait.ge [sflag:s29], $0x4000  }
0x4e: {  	[sflag:s29] =	ssyncset.done $0x0  }
0x4f: {  	[sflag:s29] =	ssyncadd.s32 $0xFFFFC000  }
0x50: {  	s12 =	smov.u32 s9;
	_ =	swait.ge [sflag:s30], $0x4000  }
0x51: {  	s11 =	sshra.s32 s12, $0x2;
	[sflag:s30] =	ssyncset.done $0x0  }
0x52: {  	s13 =	sor.u32 $0x10000, s10;
	s12 =	sadd.s32 $0x300, s11;
	[sflag:s30] =	ssyncadd.s32 $0xFFFFC000  }
0x53: {  	[tilespmem:s20], [sflag:$0x5] =	stream.indirect.gather [hbm4b:s3+s16], $0x80, s12, s16, $0xb8;
	[tilespmem:$0x18C00] =	vst v63  }
0x54: {  	s13 =	sadd.s32 s5, s13  }
0x55: {  	[hbm4b:s13+s4] =	stream.linear.scatter [tilespmem:s22], [sflag:$0xA], $0x4000, $0x38;
	[tilespmem:$0x18C00] =	vst v63  }
0x56: {  	_ =	swait.ge [sflag:s31], $0x4000  }
0x57: {  	[sflag:s31] =	ssyncset.done $0x0  }
0x58: {  	[sflag:s31] =	ssyncadd.s32 $0xFFFFC000  }
0x59: {  	_ =	swait.ge [sflag:s2], $0x4000  }
0x5a: {  	[sflag:s2] =	ssyncset.done $0x0  }
0x5b: {  	s12 =	sadd.s32 $0x380, s11;
	s13 =	sor.u32 $0x20000, s10;
	[sflag:s2] =	ssyncadd.s32 $0xFFFFC000  }
0x5c: {  	[tilespmem:s22], [sflag:$0x6] =	stream.indirect.gather [hbm4b:s3+s16], $0x80, s12, s16, $0xb8;
	[tilespmem:$0x18C00] =	vst v63  }
0x5d: {  	s13 =	sadd.s32 s5, s13  }
0x5e: {  	[hbm4b:s13+s4] =	stream.linear.scatter [tilespmem:s24], [sflag:$0xB], $0x4000, $0x38;
	[tilespmem:$0x18C00] =	vst v63  }
0x5f: {  	_ =	swait.ge [sflag:s0], $0x4000  }
0x60: {  	[sflag:s0] =	ssyncset.done $0x0  }
0x61: {  	[sflag:s0] =	ssyncadd.s32 $0xFFFFC000  }
0x62: {  	_ =	swait.ge [sflag:s1], $0x4000  }
0x63: {  	[sflag:s1] =	ssyncset.done $0x0  }
0x64: {  	s12 =	sadd.s32 $0x400, s11;
	s13 =	sor.u32 $0x30000, s10;
	[sflag:s1] =	ssyncadd.s32 $0xFFFFC000  }
0x65: {  	[tilespmem:s24], [sflag:$0x7] =	stream.indirect.gather [hbm4b:s3+s16], $0x80, s12, s16, $0xb8;
	[tilespmem:$0x18C00] =	vst v63  }
0x66: {  	s13 =	sadd.s32 s5, s13  }
0x67: {  	[hbm4b:s13+s4] =	stream.linear.scatter [tilespmem:s28], [sflag:$0xC], $0x4000, $0x38;
	[tilespmem:$0x18C00] =	vst v63  }
0x68: {  	_ =	swait.ge [sflag:s25], $0x4000  }
0x69: {  	[sflag:s25] =	ssyncset.done $0x0  }
0x6a: {  	p0 =	sne.s32 s9, $0x1800;
	[sflag:s25] =	ssyncadd.s32 $0xFFFFC000  }
.Ltmp0:
0x6b: {  	_ =	swait.ge [sflag:s19], $0x4000;
	(pc) =	sbr.rel @p0 .LBB2_2-.Ltmp0, $4  }
0x6c: {  	[sflag:s19] =	ssyncset.done $0x0  }
0x6d: {  	s11 =	sadd.s32 $0x480, s11;
	s13 =	rddreg [dreg:$0x4];
	[sflag:s19] =	ssyncadd.s32 $0xFFFFC000  }
0x6e: {  	[tilespmem:s28], [sflag:$0x8] =	stream.indirect.gather [hbm4b:s3+s16], $0x80, s11, s16, $0xb8;
	[tilespmem:$0x18C00] =	vst v63  }
0x6f: {  	s9 =	sadd.s32 $0x800, s9;
	s11 =	sadd.s32 s10, s13;
	s10 =	sadd.s32 $0x40000, s10  }
0x70: {  	[hbm4b:s11+s4] =	stream.linear.scatter [tilespmem:s20], [sflag:$0x9], $0x4000, $0x38;
	[tilespmem:$0x18C00] =	vst v63  }
0x71: {  	_ =	swait.ge [sflag:s29], $0x4000  }
0x72: {  	[sflag:s29] =	ssyncset.done $0x0  }
0x73: {  	[sflag:s29] =	ssyncadd.s32 $0xFFFFC000  }
0x74: {  	_ =	swait.ge [sflag:s30], $0x4000  }
0x75: {  	[sflag:s30] =	ssyncset.done $0x0  }
0x76: {  	s9 =	rddreg [dreg:$0x6];
	[sflag:s30] =	ssyncadd.s32 $0xFFFFC000  }
0x77: {  	[hbm4b:s9+s4] =	stream.linear.scatter [tilespmem:s22], [sflag:$0xA], $0x4000, $0x38;
	[tilespmem:$0x18C00] =	vst v63  }
0x78: {  	_ =	swait.ge [sflag:s31], $0x4000  }
0x79: {  	[sflag:s31] =	ssyncset.done $0x0  }
0x7a: {  	[sflag:s31] =	ssyncadd.s32 $0xFFFFC000  }
0x7b: {  	_ =	swait.ge [sflag:s2], $0x4000  }
0x7c: {  	[sflag:s2] =	ssyncset.done $0x0  }
0x7d: {  	s13 =	rddreg [dreg:$0x7];
	[sflag:s2] =	ssyncadd.s32 $0xFFFFC000  }
0x7e: {  	[hbm4b:s13+s4] =	stream.linear.scatter [tilespmem:s24], [sflag:$0xB], $0x4000, $0x38;
	[tilespmem:$0x18C00] =	vst v63  }
0x7f: {  	_ =	swait.ge [sflag:s0], $0x4000  }
0x80: {  	[sflag:s0] =	ssyncset.done $0x0  }
0x81: {  	[sflag:s0] =	ssyncadd.s32 $0xFFFFC000  }
0x82: {  	_ =	swait.ge [sflag:s1], $0x4000  }
0x83: {  	[sflag:s1] =	ssyncset.done $0x0  }
0x84: {  	s10 =	rddreg [dreg:$0x8];
	[sflag:s1] =	ssyncadd.s32 $0xFFFFC000  }
0x85: {  	[hbm4b:s10+s4] =	stream.linear.scatter [tilespmem:s28], [sflag:$0xC], $0x4000, $0x38;
	[tilespmem:$0x18C00] =	vst v63  }
0x86: {  	_ =	swait.ge [sflag:s21], $0x4000  }
0x87: {  	[sflag:s21] =	ssyncset.done $0x0  }
0x88: {  	s11 =	rddreg [dreg:$0x9];
	[sflag:s21] =	ssyncadd.s32 $0xFFFFC000  }
0x89: {  	[hbm4b:s11+s4] =	stream.linear.scatter [tilespmem:s17], [sflag:$0x3], $0x4000, $0x38;
	[tilespmem:$0x18C00] =	vst v63  }
0x8a: {  	_ =	swait.ge [sflag:s23], $0x4000  }
0x8b: {  	[sflag:s23] =	ssyncset.done $0x0  }
0x8c: {  	s12 =	rddreg [dreg:$0xa];
	[sflag:s23] =	ssyncadd.s32 $0xFFFFC000  }
0x8d: {  	[hbm4b:s12+s4] =	stream.linear.scatter [tilespmem:s18], [sflag:$0x4], $0x4000, $0x38;
	[tilespmem:$0x18C00] =	vst v63  }
0x8e: {  	_ =	swait.ge [sflag:s19], $0x4000  }
0x8f: {  	[sflag:s19] =	ssyncset.done $0x0  }
0x90: {  	[sflag:s19] =	ssyncadd.s32 $0xFFFFC000  }
0x91: {  	_ =	swait.ge [sflag:s26], $0x4000  }
0x92: {  	[sflag:s26] =	ssyncset.done $0x0  }
0x93: {  	[sflag:s26] =	ssyncadd.s32 $0xFFFFC000  }
0x94: {  	_ =	swait.ge [sflag:s6], $0x4000  }
0x95: {  	s8 =	sadd.s32 $0x1, s8;
	s13 =	rddreg [dreg:$0xb]  }
0x96: {  	p0 =	sne.s32 s8, s13  }
.Ltmp1:
0x97: {  	_ = 	snop;
	(pc) =	sbr.rel @p0 .LBB2_1-.Ltmp1, $3  }
0x98: {  	_ =	sdelay $0x1  }
0x99: {  	[sflag:s6] =	ssyncset.done $0x0  }
0x9a: {  	[sflag:s6] =	ssyncadd.s32 $0xFFFFC000  }
0x9b: {  	_ =	sfence.sel $0x180000  }
0x9c: {  	[bflag:$0x0] =	sbarrier.arrive $0xFFFF  }
0x9d: {  	_ =	strace $0x9000004A  }
0x9e: {  	s0 =	stileid.u32;
	[bflag:$0x2] =	sbarrier.arrive $0xFFFF  }
0x9f: {  	p0 =	sne.s32 s0, $0x0;
	s0 =	rddreg [dreg:$0x3]  }
0xa0: {  	s0 =	sadd.s32 @!p0 $0x100000, s0  }
0xa1: {  	[sflag:s0] =	ssyncadd.tile.s32 @!p0 $0x1;
	_ =	shalt  }
.Lfunc_end2:
_tile_overlayer_lowered:
.L_overlay_start_2:
0xa2: {  	(tag) =	ssettag $0x2  }
0xa3: {  	s0 =	rddreg [dreg:$0x0];
	s2 =	stileid.u32  }
0xa4: {  	s1 =	rddreg [dreg:$0x1];
	p0 =	sne.s32 s2, $0x0  }
0xa5: {  	s3 =	rddreg [dreg:$0x2];
	[bflag:$0x3] =	sbarrier.arrive $0xFFFF;
	s2 =	simm.s32 @!p0 $0x1C0D  }
0xa6: {  	[timem:s3], [sflag:s2] =	dma.local @!p0 [hbm:s0], s1  }
0xa7: {  	s0 =	simm.s32 @!p0 $0xD  }
0xa8: {  	_ =	swait.ge @!p0 [sflag:s0], s1  }
0xa9: {  	s1 =	ssub.s32 @!p0 $0x0, s1;
	[sflag:s0] =	ssyncset.done @!p0 $0x0  }
0xaa: {  	[sflag:s0] =	ssyncadd.s32 @!p0 s1  }
0xab: {  	[bflag:$0x3] =	sbarrier.arrive $0xFFFF  }
0xac: {  	_ =	shalt  }

// kernel: kernel.13.cloned.1.call-start
scs
__scs_entry_jumppad:
0x0: {  	(pc) =	sbr.rel $0x88, $3  }
0x1: {  	(tag) =	ssettag $0x0;
	lr =	simm.s32 $0x1  }
0x2: {  	[smem:$0x3F9C] =	sst lr;
	_ =	strace $0xD0000000  }
0x3: {  	_ = 	snop  }
0x4: {  	_ = 	snop  }
0x5: {  	_ = 	snop  }
0x6: {  	_ = 	snop  }
0x7: {  	_ = 	snop  }
__scs_overlays_trampoline_lowered:
0x8: {  	[smem:$0x3FAB] =	sst s0  }
0x9: {  	[smem:$0x3FAC] =	sst s1  }
0xa: {  	[smem:$0x3FAD] =	sst s2  }
0xb: {  	[smem:$0x3FAE] =	sst s3  }
0xc: {  	[smem:$0x3FAF] =	sst s4  }
0xd: {  	[smem:$0x3FB0] =	sst s5  }
0xe: {  	[smem:$0x3FB1] =	sst s6  }
0xf: {  	[smem:$0x3FB2] =	sst s7  }
0x10: {  	[smem:$0x3FB3] =	sst s8  }
0x11: {  	[smem:$0x3FB4] =	sst s9;
	s0 =	simm.s32 @!p0 $0x0  }
0x12: {  	s1 =	sld [smem:$0x3F9A];
	s0 =	simm.s32 @p0 $0x1  }
0x13: {  	[smem:$0x3FB5] =	sst s0;
	s0 =	simm.s32 @!p1 $0x0  }
0x14: {  	s2 =	sld [smem:$0x3F99];
	s0 =	simm.s32 @p1 $0x1  }
0x15: {  	[smem:$0x3FB6] =	sst s0;
	s0 =	simm.s32 @!p2 $0x0  }
0x16: {  	s3 =	sld [smem:$0x3FDB];
	s0 =	simm.s32 @p2 $0x1  }
0x17: {  	s4 =	simm.s32 $0x1BF5;
	[smem:$0x3FB8] =	sst s0  }
0x18: {  	s0 =	sld [smem:$0x3F9B];
	_ =	swait.ge [sflag:s4], $0x0  }
0x19: {  	s7 =	sld [smem:$0x3F9C]  }
0x1a: {  	s8 =	sadd.s32 $0xFFFFE003, lr  }
0x1b: {  	s9 =	sadd.s32 $0xFFFFFEF7, lr;
	s5 =	simm.s32 $0xFFFFFFFF;
	p2 =	slt.u32 s8, $0xFFFFF086  }
0x1c: {  	p1 =	slt.u32 s9, $0xF7A;
	s5 =	simm.s32 @!p2 $0x0  }
0x1d: {  	s5 =	simm.s32 @p1 $0x1;
	p0 =	seq.s32 s7, s2  }
0x1e: {  	s7 =	smul.u32 @!p0 $0xF7A, s2;
	p2 =	seq.s32 @!p0 s5, $0x0  }
0x1f: {  	s9 =	smul.u32 $0xF7A, s1;
	s8 =	simm.s32 @!p0 $0x1BF5;
	p2 =	por !p2, p0  }
0x20: {  	[sflag:s8] =	ssyncset.s32 @!p0 $0xFFFFF086;
	s6 =	sadd.s32 @!p0 s3, s7;
	s7 =	simm.s32 @!p0 $0x108  }
0x21: {  	s3 =	sadd.s32 s3, s9;
	s6 =	sadd.s32 @!p0 $0x88, s6;
	s7 =	simm.s32 @p2 $0x1082  }
0x22: {  	[simem:s7], [sflag:s8] =	dma.local @!p0 [hbm:s6], $0xF7A  }
0x23: {  	s9 =	sor.u32 $0xD0000000, s2;
	s6 =	simm.s32 $0x108;
	_ =	swait.ge @!p0 [sflag:s8], $0x0  }
0x24: {  	s3 =	sadd.s32 $0x88, s3;
	s6 =	simm.s32 @!p1 $0x1082;
	[sflag:s4] =	ssyncset.s32 $0xFFFFF086  }
0x25: {  	[simem:s6], [sflag:s4] =	dma.local [hbm:s3], $0xF7A  }
0x26: {  	[smem:$0x3F9C] =	sst s1;
	(tag) =	ssettag s2;
	_ =	strace s9  }
0x27: {  	s1 =	sld [smem:$0x3FAC]  }
0x28: {  	s2 =	sld [smem:$0x3FAD]  }
0x29: {  	s4 =	sld [smem:$0x3FAF]  }
0x2a: {  	p0 =	seq.s32 s5, $0x0;
	s5 =	sld [smem:$0x3FB0]  }
0x2b: {  	s6 =	sld [smem:$0x3FB1]  }
0x2c: {  	s7 =	sld [smem:$0x3FB2]  }
0x2d: {  	s3 =	simm.s32 $0x108;
	s8 =	sld [smem:$0x3FB3]  }
0x2e: {  	s3 =	simm.s32 @!p0 $0x1082;
	s9 =	sld [smem:$0x3FB4]  }
0x2f: {  	lr =	sadd.s32 s0, s3;
	s0 =	sld [smem:$0x3FAB]  }
0x30: {  	s3 =	sld [smem:$0x3FAE]  }
0x31: {  	[smem:$0x3FB7] =	sst s10  }
0x32: {  	s10 =	sld [smem:$0x3FB5];
	_ =	sdelay $0x3  }
0x33: {  	p0 =	seq.s32 s10, $0x1;
	s10 =	sld [smem:$0x3FB7];
	_ =	sdelay $0x3  }
0x34: {  	[smem:$0x3FB7] =	sst s10  }
0x35: {  	s10 =	sld [smem:$0x3FB6];
	_ =	sdelay $0x3  }
0x36: {  	p1 =	seq.s32 s10, $0x1;
	s10 =	sld [smem:$0x3FB7];
	_ =	sdelay $0x3  }
0x37: {  	[smem:$0x3FB7] =	sst s10  }
0x38: {  	s10 =	sld [smem:$0x3FB8]  }
0x39: {  	_ = 	snop;
	(pc) =	sbr.ind lr, $3  }
0x3a: {  	_ = 	snop  }
0x3b: {  	_ = 	snop  }
0x3c: {  	p2 =	seq.s32 s10, $0x1;
	s10 =	sld [smem:$0x3FB7]  }
0x3d: {  	_ =	shalt  }
0x3e: {  	_ =	shalt  }
0x3f: {  	_ =	shalt  }
0x40: {  	_ =	shalt  }
0x41: {  	_ =	shalt  }
0x42: {  	_ =	shalt  }
0x43: {  	_ =	shalt  }
0x44: {  	_ =	shalt  }
0x45: {  	_ =	shalt  }
0x46: {  	_ =	shalt  }
0x47: {  	_ =	shalt  }
0x48: {  	_ =	shalt  }
0x49: {  	_ =	shalt  }
0x4a: {  	_ =	shalt  }
0x4b: {  	_ =	shalt  }
0x4c: {  	_ =	shalt  }
0x4d: {  	_ =	shalt  }
0x4e: {  	_ =	shalt  }
0x4f: {  	_ =	shalt  }
0x50: {  	_ =	shalt  }
0x51: {  	_ =	shalt  }
0x52: {  	_ =	shalt  }
0x53: {  	_ =	shalt  }
0x54: {  	_ =	shalt  }
0x55: {  	_ =	shalt  }
0x56: {  	_ =	shalt  }
0x57: {  	_ =	shalt  }
0x58: {  	_ =	shalt  }
0x59: {  	_ =	shalt  }
0x5a: {  	_ =	shalt  }
0x5b: {  	_ =	shalt  }
0x5c: {  	_ =	shalt  }
0x5d: {  	_ =	shalt  }
0x5e: {  	_ =	shalt  }
0x5f: {  	_ =	shalt  }
0x60: {  	_ =	shalt  }
0x61: {  	_ =	shalt  }
0x62: {  	_ =	shalt  }
0x63: {  	_ =	shalt  }
0x64: {  	_ =	shalt  }
0x65: {  	_ =	shalt  }
0x66: {  	_ =	shalt  }
0x67: {  	_ =	shalt  }
0x68: {  	_ =	shalt  }
0x69: {  	_ =	shalt  }
0x6a: {  	_ =	shalt  }
0x6b: {  	_ =	shalt  }
0x6c: {  	_ =	shalt  }
0x6d: {  	_ =	shalt  }
0x6e: {  	_ =	shalt  }
0x6f: {  	_ =	shalt  }
0x70: {  	_ =	shalt  }
0x71: {  	_ =	shalt  }
0x72: {  	_ =	shalt  }
0x73: {  	_ =	shalt  }
0x74: {  	_ =	shalt  }
0x75: {  	_ =	shalt  }
0x76: {  	_ =	shalt  }
0x77: {  	_ =	shalt  }
0x78: {  	_ =	shalt  }
0x79: {  	_ =	shalt  }
0x7a: {  	_ =	shalt  }
0x7b: {  	_ =	shalt  }
0x7c: {  	_ =	shalt  }
0x7d: {  	_ =	shalt  }
0x7e: {  	_ =	shalt  }
0x7f: {  	_ =	shalt  }
0x80: {  	_ =	shalt  }
0x81: {  	_ =	shalt  }
0x82: {  	_ =	shalt  }
0x83: {  	_ =	shalt  }
0x84: {  	_ =	shalt  }
0x85: {  	_ =	shalt  }
0x86: {  	_ =	shalt  }
0x87: {  	_ =	shalt  }
.Lfunc_end0:
.L_simem_size_0:
called_computation.1_lowered:
.L_overlay_start_0:
0x88: {  	s2 =	sld [smem:$0x3FD9]  }
0x89: {  	s3 =	sld [smem:$0x3FFE];
	_ =	sdelay $0x1  }
0x8a: {  	s1 =	srdreg.scid  }
0x8b: {  	s0 =	sand.u32 $0x1, s1  }
0x8c: {  	s17 =	sshll.u32 s0, $0xA;
	s2 =	sadd.s32 s3, s2  }
0x8d: {  	s2 =	sadd.s32 s2, s17  }
0x8e: {  	[smem:$0x3FC3] =	sst s2  }
0x8f: {  	_ = 	snop  }
0x90: {  	s2 =	sld [smem:$0x3FC9]  }
0x91: {  	s18 =	sld [smem:$0x3FC8];
	(tm) =	ssettm $0x1  }
0x92: {  	s4 =	sld [smem:$0x3FFB];
	_ =	sdelay $0x3  }
0x93: {  	_ =	strace s4  }
0x94: {  	s4 =	sld [smem:$0x3FFC];
	_ =	sdelay $0x3  }
0x95: {  	_ =	strace s4  }
0x96: {  	s4 =	sld [smem:$0x3FFD];
	_ =	sdelay $0x3  }
0x97: {  	_ =	strace s4  }
0x98: {  	_ =	strace $0x8FFFFFFF  }
0x99: {  	s19 =	sld [smem:$0x3FDB];
	_ =	sdelay $0x1  }
0x9a: {  	s5 =	simm.s32 $_scs_section_size  }
0x9b: {  	s6 =	simm.s32 $_size__tile_overlayer_lowered;
	s7 =	simm.s32 $_tile_overlayer_lowered  }
0x9c: {  	s22 =	simm.s32 $0x1BFF;
	s21 =	sshll.u32 s7, $0x1;
	s4 =	sadd.s32 s5, s19  }
0x9d: {  	s8 =	simm.s32 $0x0;
	s20 =	sshll.u32 s6, $0x1;
	s6 =	sadd.s32 s21, s4  }
0x9e: {  	[timem:s8], [sflag:s22] =	dma.local [hbm:s6], s20  }
0x9f: {  	_ =	swait.ge [sflag:s22], s20  }
0xa0: {  	s5 =	ssub.s32 $0x0, s20;
	[sflag:s22] =	ssyncset.done $0x0  }
0xa1: {  	[sflag:s22] =	ssyncadd.s32 s5;
	_ =	sdelay $0x1  }
0xa2: {  	s23 =	simm.s32 $0x1B8B  }
0xa3: {  	_ =	swait.ge [sflag:s23], $0x1  }
0xa4: {  	[sflag:s23] =	ssyncset.done $0x0  }
0xa5: {  	s25 =	simm.s32 $0x1B8E;
	s24 =	sld [smem:$0x3FFE];
	[sflag:s23] =	ssyncadd.s32 $0xFFFFFFFF  }
0xa6: {  	s26 =	simm.s32 $execute0_lowered;
	[smem:$0x3FD2] =	sst s25  }
0xa7: {  	s6 =	sshll.u32 s26, $0x1;
	_ =	strace $0x80000046;
	[dreg:$0x1] =	wrdreg $0xFFFFFFFF  }
0xa8: {  	s28 =	simm.s32 $_size_execute0_lowered;
	s4 =	sadd.s32 s4, s6;
	[dreg:$0x0] =	wrdreg $0x0  }
0xa9: {  	s6 =	sshll.u32 s28, $0x1;
	[dreg:$0x2] =	wrdreg s4  }
0xaa: {  	[dreg:$0x3] =	wrdreg s6  }
0xab: {  	[dreg:$0x4] =	wrdreg $0xC0  }
0xac: {  	_ =	task [dreg:s8], $0x5FFFF  }
0xad: {  	[dreg:$0x1] =	wrdreg $0xFFFFFFFF  }
0xae: {  	[dreg:$0x0] =	wrdreg $0x60  }
0xaf: {  	[dreg:$0x2] =	wrdreg s2  }
0xb0: {  	[dreg:$0x3] =	wrdreg s18  }
0xb1: {  	[dreg:$0x4] =	wrdreg s24  }
0xb2: {  	[dreg:$0x5] =	wrdreg $0xA  }
0xb3: {  	_ =	task.clear_ibuf [dreg:s8], $0x6FFFF;
	_ =	strace $0x90000046  }
0xb4: {  	s29 =	simm.s32 $0xA;
	_ =	strace $0x80000048  }
0xb5: {  	_ =	swait.ge [sflag:s29], $0x1  }
0xb6: {  	[sflag:s29] =	ssyncadd.s32 $0xFFFFFFFF  }
0xb7: {  	_ =	strace $0x90000048  }
0xb8: {  	_ =	sfence  }
0xb9: {  	s30 =	sld [smem:$0x0];
	_ =	sdelay $0x2  }
0xba: {  	s31 =	sshll.u32 s1, $0xD;
	s1 =	sshrl.u32 s1, $0x2  }
0xbb: {  	s3 =	sand.u32 $0x4000, s31;
	s1 =	sadd.s32 s1, s30  }
0xbc: {  	s0 =	sor.u32 s3, s0;
	s1 =	sshll.u32 s1, $0x11  }
0xbd: {  	s0 =	sor.u32 s1, s0  }
0xbe: {  	s0 =	sadd.s32 $0x8F2B, s0  }
0xbf: {  	[sflag:s0] =	ssyncadd.remote.s32 $0x1  }
0xc0: {  	_ =	sfence.sel $0xFFFF  }
0xc1: {  	[dreg:$0x0] =	wrdreg $0xFFFFFFFF;
	(pc) =	sbr.abs _section_cstart, $3  }
0xc2: {  	[dreg:$0x1] =	wrdreg $0xFFFFFFFF  }
0xc3: {  	_ =	task.clear_ibuf [dreg:s8], $0x2FFFF;
	_ =	strace $0x9FFFFFFF  }
0xc4: {  	(tm) =	ssettm $0x7FFFFFFF  }
0xc5: {  	_ =	shalt  }
tec
execute0_lowered:
.L_overlay_start_1:
0x0: {  	(tag) =	ssettag $0x1  }
0x1: {  	s3 =	rddreg [dreg:$0x1];
	s0 =	srdreg.scid  }
0x2: {  	s10 =	stileid.u32;
	s1 =	rddreg [dreg:$0x2];
	s4 =	simm.s32 $0x0  }
0x3: {  	s15 =	simm.s32 $0xD;
	s16 =	simm.s32 $0x80;
	s17 =	simm.s32 $0xC00  }
0x4: {  	s18 =	simm.s32 $0x4C00;
	s20 =	simm.s32 $0x8C00;
	s28 =	simm.s32 $0x14C00  }
0x5: {  	s29 =	simm.s32 $0x6;
	s30 =	simm.s32 $0x9;
	s31 =	simm.s32 $0x7  }
0x6: {  	s19 =	simm.s32 $0xC;
	s0 =	sand.u32 $0x1, s0;
	s2 =	sshll.u32 s10, $0x1  }
0x7: {  	[smem:$0x7FF] =	sst s4;
	s26 =	sshll.u32 s10, $0xC;
	s2 =	sor.u32 s0, s2  }
0x8: {  	_ =	strace $0x80000047;
	s7 =	ssub.s32 $0x2, s0;
	s0 =	sshll.u32 s0, $0xB  }
0x9: {  	s5 =	smul.u32 $0x180, s2;
	s2 =	sshll.u32 s2, $0xB;
	s9 =	sshrl.u32 s7, $0x1  }
0xa: {  	s14 =	sor.u32 s0, s26;
	s0 =	simm.s32 $0x8;
	s8 =	sadd.s32 s2, s1  }
0xb: {  	s26 =	simm.s32 $0x3;
	s9 =	ssub.s32 s7, s9;
	s23 =	sadd.s32 $0xC800, s8  }
0xc: {  	s6 =	sadd.s32 s5, s1;
	s24 =	sadd.s32 $0x1C800, s8;
	[dreg:$0x9] =	wrdreg s23  }
0xd: {  	s5 =	sadd.s32 $0x2C800, s1;
	s25 =	smax.u32 s9, $0x1;
	[dreg:$0xa] =	wrdreg s24  }
0xe: {  	s1 =	sadd.s32 $0x6C800, s1;
	s8 =	simm.s32 $0x0;
	[dreg:$0xb] =	wrdreg s25  }
0xf: {  	s6 =	sadd.s32 $0x3800, s6;
	s7 =	sadd.s32 s5, s2;
	[dreg:$0x4] =	wrdreg s1  }
0x10: {  	s24 =	simm.s32 $0x10C00;
	[dreg:$0x5] =	wrdreg s6;
	s2 =	sadd.s32 $0x110000, s7  }
0x11: {  	s25 =	simm.s32 $0x5;
	s21 =	sadd.s32 $0x120000, s7;
	[dreg:$0x6] =	wrdreg s2  }
0x12: {  	s1 =	simm.s32 $0xB;
	s22 =	sadd.s32 $0x130000, s7;
	[dreg:$0x7] =	wrdreg s21  }
0x13: {  	s23 =	simm.s32 $0x2;
	s6 =	simm.s32 $0x4;
	[dreg:$0x8] =	wrdreg s22  }
0x14: {  	s22 =	simm.s32 $0xCC00;
	s2 =	simm.s32 $0xA;
	s21 =	simm.s32 $0x1  }
.LBB2_1:
0x15: {  	s9 =	rddreg [dreg:$0x5]  }
0x16: {  	[tilespmem:s4], [sflag:$0xD] =	stream.linear.gather [hbm4b:s9+s4], $0xC00, $0x38;
	[tilespmem:$0x18C00] =	vst v63  }
0x17: {  	_ =	swait.ge [sflag:s15], $0xC00  }
0x18: {  	[sflag:s15] =	ssyncset.done $0x0  }
0x19: {  	[sflag:s15] =	ssyncadd.s32 $0xFFFFF400  }
0x1a: {  	s12 =	rddreg [dreg:$0x0]  }
0x1b: {  	[tilespmem:s17], [sflag:$0x1] =	stream.indirect.gather [hbm4b:s12+s16], $0x80, s4, s16, $0xb8;
	[tilespmem:$0x18C00] =	vst v63  }
0x1c: {  	_ = 	snop  }
0x1d: {  	[tilespmem:s18], [sflag:$0x2] =	stream.indirect.gather [hbm4b:s3+s16], $0x80, s16, s16, $0xb8;
	[tilespmem:$0x18C00] =	vst v63  }
0x1e: {  	s13 =	simm.s32 $0x100  }
0x1f: {  	[tilespmem:s20], [sflag:$0x5] =	stream.indirect.gather [hbm4b:s3+s16], $0x80, s13, s16, $0xb8;
	[tilespmem:$0x18C00] =	vst v63  }
0x20: {  	s10 =	simm.s32 $0x180  }
0x21: {  	[tilespmem:s22], [sflag:$0x6] =	stream.indirect.gather [hbm4b:s3+s16], $0x80, s10, s16, $0xb8;
	[tilespmem:$0x18C00] =	vst v63  }
0x22: {  	s11 =	simm.s32 $0x200  }
0x23: {  	[tilespmem:s24], [sflag:$0x7] =	stream.indirect.gather [hbm4b:s3+s16], $0x80, s11, s16, $0xb8;
	[tilespmem:$0x18C00] =	vst v63  }
0x24: {  	_ =	swait.ge [sflag:s25], $0x4000  }
0x25: {  	[sflag:s25] =	ssyncset.done $0x0  }
0x26: {  	s12 =	simm.s32 $0x280;
	[sflag:s25] =	ssyncadd.s32 $0xFFFFC000  }
0x27: {  	[tilespmem:s28], [sflag:$0x8] =	stream.indirect.gather [hbm4b:s3+s16], $0x80, s12, s16, $0xb8;
	[tilespmem:$0x18C00] =	vst v63  }
0x28: {  	_ = 	snop  }
0x29: {  	[hbm4b:s7+s4] =	stream.linear.scatter [tilespmem:s20], [sflag:$0x9], $0x4000, $0x38;
	[tilespmem:$0x18C00] =	vst v63  }
0x2a: {  	_ =	swait.ge [sflag:s29], $0x4000  }
0x2b: {  	[sflag:s29] =	ssyncset.done $0x0  }
0x2c: {  	[sflag:s29] =	ssyncadd.s32 $0xFFFFC000  }
0x2d: {  	_ =	swait.ge [sflag:s30], $0x4000  }
0x2e: {  	[sflag:s30] =	ssyncset.done $0x0  }
0x2f: {  	s13 =	simm.s32 $0x300;
	s10 =	sor.u32 $0x10000, s14;
	[sflag:s30] =	ssyncadd.s32 $0xFFFFC000  }
0x30: {  	[tilespmem:s20], [sflag:$0x5] =	stream.indirect.gather [hbm4b:s3+s16], $0x80, s13, s16, $0xb8;
	[tilespmem:$0x18C00] =	vst v63  }
0x31: {  	s11 =	sadd.s32 s5, s10  }
0x32: {  	[hbm4b:s11+s4] =	stream.linear.scatter [tilespmem:s22], [sflag:$0xA], $0x4000, $0x38;
	[tilespmem:$0x18C00] =	vst v63  }
0x33: {  	_ =	swait.ge [sflag:s31], $0x4000  }
0x34: {  	[sflag:s31] =	ssyncset.done $0x0  }
0x35: {  	[sflag:s31] =	ssyncadd.s32 $0xFFFFC000  }
0x36: {  	_ =	swait.ge [sflag:s2], $0x4000  }
0x37: {  	[sflag:s2] =	ssyncset.done $0x0  }
0x38: {  	s12 =	simm.s32 $0x380;
	s13 =	sor.u32 $0x20000, s14;
	[sflag:s2] =	ssyncadd.s32 $0xFFFFC000  }
0x39: {  	[tilespmem:s22], [sflag:$0x6] =	stream.indirect.gather [hbm4b:s3+s16], $0x80, s12, s16, $0xb8;
	[tilespmem:$0x18C00] =	vst v63  }
0x3a: {  	s11 =	sadd.s32 s5, s13  }
0x3b: {  	[hbm4b:s11+s4] =	stream.linear.scatter [tilespmem:s24], [sflag:$0xB], $0x4000, $0x38;
	[tilespmem:$0x18C00] =	vst v63  }
0x3c: {  	_ =	swait.ge [sflag:s0], $0x4000  }
0x3d: {  	[sflag:s0] =	ssyncset.done $0x0  }
0x3e: {  	[sflag:s0] =	ssyncadd.s32 $0xFFFFC000  }
0x3f: {  	_ =	swait.ge [sflag:s1], $0x4000  }
0x40: {  	[sflag:s1] =	ssyncset.done $0x0  }
0x41: {  	s13 =	sor.u32 $0x30000, s14;
	s12 =	simm.s32 $0x400;
	[sflag:s1] =	ssyncadd.s32 $0xFFFFC000  }
0x42: {  	[tilespmem:s24], [sflag:$0x7] =	stream.indirect.gather [hbm4b:s3+s16], $0x80, s12, s16, $0xb8;
	[tilespmem:$0x18C00] =	vst v63  }
0x43: {  	s11 =	sadd.s32 s5, s13  }
0x44: {  	[hbm4b:s11+s4] =	stream.linear.scatter [tilespmem:s28], [sflag:$0xC], $0x4000, $0x38;
	[tilespmem:$0x18C00] =	vst v63  }
0x45: {  	_ =	swait.ge [sflag:s25], $0x4000  }
0x46: {  	[sflag:s25] =	ssyncset.done $0x0  }
0x47: {  	[sflag:s25] =	ssyncadd.s32 $0xFFFFC000  }
0x48: {  	s9 =	simm.s32 $0x800;
	_ =	swait.ge [sflag:s19], $0x4000  }
0x49: {  	s10 =	sadd.s32 $0x40000, s14;
	[sflag:s19] =	ssyncset.done $0x0;
	s12 =	rddreg [dreg:$0x4]  }
0x4a: {  	s13 =	simm.s32 $0x480;
	[sflag:s19] =	ssyncadd.s32 $0xFFFFC000;
	s11 =	sadd.s32 s14, s12  }
0x4b: {  	[tilespmem:s28], [sflag:$0x8] =	stream.indirect.gather [hbm4b:s3+s16], $0x80, s13, s16, $0xb8;
	[tilespmem:$0x18C00] =	vst v63  }
.LBB2_2:
0x4c: {  	[hbm4b:s11+s4] =	stream.linear.scatter [tilespmem:s20], [sflag:$0x9], $0x4000, $0x38;
	[tilespmem:$0x18C00] =	vst v63  }
0x4d: {  	_ =	swait.ge [sflag:s29], $0x4000  }
0x4e: {  	[sflag:s29] =	ssyncset.done $0x0  }
0x4f: {  	[sflag:s29] =	ssyncadd.s32 $0xFFFFC000  }
0x50: {  	s12 =	smov.u32 s9;
	_ =	swait.ge [sflag:s30], $0x4000  }
0x51: {  	s11 =	sshra.s32 s12, $0x2;
	[sflag:s30] =	ssyncset.done $0x0  }
0x52: {  	s13 =	sor.u32 $0x10000, s10;
	s12 =	sadd.s32 $0x300, s11;
	[sflag:s30] =	ssyncadd.s32 $0xFFFFC000  }
0x53: {  	[tilespmem:s20], [sflag:$0x5] =	stream.indirect.gather [hbm4b:s3+s16], $0x80, s12, s16, $0xb8;
	[tilespmem:$0x18C00] =	vst v63  }
0x54: {  	s13 =	sadd.s32 s5, s13  }
0x55: {  	[hbm4b:s13+s4] =	stream.linear.scatter [tilespmem:s22], [sflag:$0xA], $0x4000, $0x38;
	[tilespmem:$0x18C00] =	vst v63  }
0x56: {  	_ =	swait.ge [sflag:s31], $0x4000  }
0x57: {  	[sflag:s31] =	ssyncset.done $0x0  }
0x58: {  	[sflag:s31] =	ssyncadd.s32 $0xFFFFC000  }
0x59: {  	_ =	swait.ge [sflag:s2], $0x4000  }
0x5a: {  	[sflag:s2] =	ssyncset.done $0x0  }
0x5b: {  	s12 =	sadd.s32 $0x380, s11;
	s13 =	sor.u32 $0x20000, s10;
	[sflag:s2] =	ssyncadd.s32 $0xFFFFC000  }
0x5c: {  	[tilespmem:s22], [sflag:$0x6] =	stream.indirect.gather [hbm4b:s3+s16], $0x80, s12, s16, $0xb8;
	[tilespmem:$0x18C00] =	vst v63  }
0x5d: {  	s13 =	sadd.s32 s5, s13  }
0x5e: {  	[hbm4b:s13+s4] =	stream.linear.scatter [tilespmem:s24], [sflag:$0xB], $0x4000, $0x38;
	[tilespmem:$0x18C00] =	vst v63  }
0x5f: {  	_ =	swait.ge [sflag:s0], $0x4000  }
0x60: {  	[sflag:s0] =	ssyncset.done $0x0  }
0x61: {  	[sflag:s0] =	ssyncadd.s32 $0xFFFFC000  }
0x62: {  	_ =	swait.ge [sflag:s1], $0x4000  }
0x63: {  	[sflag:s1] =	ssyncset.done $0x0  }
0x64: {  	s12 =	sadd.s32 $0x400, s11;
	s13 =	sor.u32 $0x30000, s10;
	[sflag:s1] =	ssyncadd.s32 $0xFFFFC000  }
0x65: {  	[tilespmem:s24], [sflag:$0x7] =	stream.indirect.gather [hbm4b:s3+s16], $0x80, s12, s16, $0xb8;
	[tilespmem:$0x18C00] =	vst v63  }
0x66: {  	s13 =	sadd.s32 s5, s13  }
0x67: {  	[hbm4b:s13+s4] =	stream.linear.scatter [tilespmem:s28], [sflag:$0xC], $0x4000, $0x38;
	[tilespmem:$0x18C00] =	vst v63  }
0x68: {  	_ =	swait.ge [sflag:s25], $0x4000  }
0x69: {  	[sflag:s25] =	ssyncset.done $0x0  }
0x6a: {  	p0 =	sne.s32 s9, $0x1800;
	[sflag:s25] =	ssyncadd.s32 $0xFFFFC000  }
.Ltmp0:
0x6b: {  	_ =	swait.ge [sflag:s19], $0x4000;
	(pc) =	sbr.rel @p0 .LBB2_2-.Ltmp0, $4  }
0x6c: {  	[sflag:s19] =	ssyncset.done $0x0  }
0x6d: {  	s11 =	sadd.s32 $0x480, s11;
	s13 =	rddreg [dreg:$0x4];
	[sflag:s19] =	ssyncadd.s32 $0xFFFFC000  }
0x6e: {  	[tilespmem:s28], [sflag:$0x8] =	stream.indirect.gather [hbm4b:s3+s16], $0x80, s11, s16, $0xb8;
	[tilespmem:$0x18C00] =	vst v63  }
0x6f: {  	s9 =	sadd.s32 $0x800, s9;
	s11 =	sadd.s32 s10, s13;
	s10 =	sadd.s32 $0x40000, s10  }
0x70: {  	[hbm4b:s11+s4] =	stream.linear.scatter [tilespmem:s20], [sflag:$0x9], $0x4000, $0x38;
	[tilespmem:$0x18C00] =	vst v63  }
0x71: {  	_ =	swait.ge [sflag:s29], $0x4000  }
0x72: {  	[sflag:s29] =	ssyncset.done $0x0  }
0x73: {  	[sflag:s29] =	ssyncadd.s32 $0xFFFFC000  }
0x74: {  	_ =	swait.ge [sflag:s30], $0x4000  }
0x75: {  	[sflag:s30] =	ssyncset.done $0x0  }
0x76: {  	s9 =	rddreg [dreg:$0x6];
	[sflag:s30] =	ssyncadd.s32 $0xFFFFC000  }
0x77: {  	[hbm4b:s9+s4] =	stream.linear.scatter [tilespmem:s22], [sflag:$0xA], $0x4000, $0x38;
	[tilespmem:$0x18C00] =	vst v63  }
0x78: {  	_ =	swait.ge [sflag:s31], $0x4000  }
0x79: {  	[sflag:s31] =	ssyncset.done $0x0  }
0x7a: {  	[sflag:s31] =	ssyncadd.s32 $0xFFFFC000  }
0x7b: {  	_ =	swait.ge [sflag:s2], $0x4000  }
0x7c: {  	[sflag:s2] =	ssyncset.done $0x0  }
0x7d: {  	s13 =	rddreg [dreg:$0x7];
	[sflag:s2] =	ssyncadd.s32 $0xFFFFC000  }
0x7e: {  	[hbm4b:s13+s4] =	stream.linear.scatter [tilespmem:s24], [sflag:$0xB], $0x4000, $0x38;
	[tilespmem:$0x18C00] =	vst v63  }
0x7f: {  	_ =	swait.ge [sflag:s0], $0x4000  }
0x80: {  	[sflag:s0] =	ssyncset.done $0x0  }
0x81: {  	[sflag:s0] =	ssyncadd.s32 $0xFFFFC000  }
0x82: {  	_ =	swait.ge [sflag:s1], $0x4000  }
0x83: {  	[sflag:s1] =	ssyncset.done $0x0  }
0x84: {  	s10 =	rddreg [dreg:$0x8];
	[sflag:s1] =	ssyncadd.s32 $0xFFFFC000  }
0x85: {  	[hbm4b:s10+s4] =	stream.linear.scatter [tilespmem:s28], [sflag:$0xC], $0x4000, $0x38;
	[tilespmem:$0x18C00] =	vst v63  }
0x86: {  	_ =	swait.ge [sflag:s21], $0x4000  }
0x87: {  	[sflag:s21] =	ssyncset.done $0x0  }
0x88: {  	s11 =	rddreg [dreg:$0x9];
	[sflag:s21] =	ssyncadd.s32 $0xFFFFC000  }
0x89: {  	[hbm4b:s11+s4] =	stream.linear.scatter [tilespmem:s17], [sflag:$0x3], $0x4000, $0x38;
	[tilespmem:$0x18C00] =	vst v63  }
0x8a: {  	_ =	swait.ge [sflag:s23], $0x4000  }
0x8b: {  	[sflag:s23] =	ssyncset.done $0x0  }
0x8c: {  	s12 =	rddreg [dreg:$0xa];
	[sflag:s23] =	ssyncadd.s32 $0xFFFFC000  }
0x8d: {  	[hbm4b:s12+s4] =	stream.linear.scatter [tilespmem:s18], [sflag:$0x4], $0x4000, $0x38;
	[tilespmem:$0x18C00] =	vst v63  }
0x8e: {  	_ =	swait.ge [sflag:s19], $0x4000  }
0x8f: {  	[sflag:s19] =	ssyncset.done $0x0  }
0x90: {  	[sflag:s19] =	ssyncadd.s32 $0xFFFFC000  }
0x91: {  	_ =	swait.ge [sflag:s26], $0x4000  }
0x92: {  	[sflag:s26] =	ssyncset.done $0x0  }
0x93: {  	[sflag:s26] =	ssyncadd.s32 $0xFFFFC000  }
0x94: {  	_ =	swait.ge [sflag:s6], $0x4000  }
0x95: {  	s8 =	sadd.s32 $0x1, s8;
	s13 =	rddreg [dreg:$0xb]  }
0x96: {  	p0 =	sne.s32 s8, s13  }
.Ltmp1:
0x97: {  	_ = 	snop;
	(pc) =	sbr.rel @p0 .LBB2_1-.Ltmp1, $3  }
0x98: {  	_ =	sdelay $0x1  }
0x99: {  	[sflag:s6] =	ssyncset.done $0x0  }
0x9a: {  	[sflag:s6] =	ssyncadd.s32 $0xFFFFC000  }
0x9b: {  	_ =	sfence.sel $0x180000  }
0x9c: {  	[bflag:$0x0] =	sbarrier.arrive $0xFFFF  }
0x9d: {  	_ =	strace $0x90000047  }
0x9e: {  	s0 =	stileid.u32;
	[bflag:$0x2] =	sbarrier.arrive $0xFFFF  }
0x9f: {  	p0 =	sne.s32 s0, $0x0;
	s0 =	rddreg [dreg:$0x3]  }
0xa0: {  	s0 =	sadd.s32 @!p0 $0x100000, s0  }
0xa1: {  	[sflag:s0] =	ssyncadd.tile.s32 @!p0 $0x1;
	_ =	shalt  }
.Lfunc_end2:
_tile_overlayer_lowered:
.L_overlay_start_2:
0xa2: {  	(tag) =	ssettag $0x2  }
0xa3: {  	s0 =	rddreg [dreg:$0x0];
	s2 =	stileid.u32  }
0xa4: {  	s1 =	rddreg [dreg:$0x1];
	p0 =	sne.s32 s2, $0x0  }
0xa5: {  	s3 =	rddreg [dreg:$0x2];
	[bflag:$0x3] =	sbarrier.arrive $0xFFFF;
	s2 =	simm.s32 @!p0 $0x1C0D  }
0xa6: {  	[timem:s3], [sflag:s2] =	dma.local @!p0 [hbm:s0], s1  }
0xa7: {  	s0 =	simm.s32 @!p0 $0xD  }
0xa8: {  	_ =	swait.ge @!p0 [sflag:s0], s1  }
0xa9: {  	s1 =	ssub.s32 @!p0 $0x0, s1;
	[sflag:s0] =	ssyncset.done @!p0 $0x0  }
0xaa: {  	[sflag:s0] =	ssyncadd.s32 @!p0 s1  }
0xab: {  	[bflag:$0x3] =	sbarrier.arrive $0xFFFF  }
0xac: {  	_ =	shalt  }

// kernel: kernel.16.cloned.1.call-start
scs
__scs_entry_jumppad:
0x0: {  	(pc) =	sbr.rel $0x88, $3  }
0x1: {  	(tag) =	ssettag $0x0;
	lr =	simm.s32 $0x1  }
0x2: {  	[smem:$0x3F9C] =	sst lr;
	_ =	strace $0xD0000000  }
0x3: {  	_ = 	snop  }
0x4: {  	_ = 	snop  }
0x5: {  	_ = 	snop  }
0x6: {  	_ = 	snop  }
0x7: {  	_ = 	snop  }
__scs_overlays_trampoline_lowered:
0x8: {  	[smem:$0x3FAB] =	sst s0  }
0x9: {  	[smem:$0x3FAC] =	sst s1  }
0xa: {  	[smem:$0x3FAD] =	sst s2  }
0xb: {  	[smem:$0x3FAE] =	sst s3  }
0xc: {  	[smem:$0x3FAF] =	sst s4  }
0xd: {  	[smem:$0x3FB0] =	sst s5  }
0xe: {  	[smem:$0x3FB1] =	sst s6  }
0xf: {  	[smem:$0x3FB2] =	sst s7  }
0x10: {  	[smem:$0x3FB3] =	sst s8  }
0x11: {  	[smem:$0x3FB4] =	sst s9;
	s0 =	simm.s32 @!p0 $0x0  }
0x12: {  	s1 =	sld [smem:$0x3F9A];
	s0 =	simm.s32 @p0 $0x1  }
0x13: {  	[smem:$0x3FB5] =	sst s0;
	s0 =	simm.s32 @!p1 $0x0  }
0x14: {  	s2 =	sld [smem:$0x3F99];
	s0 =	simm.s32 @p1 $0x1  }
0x15: {  	[smem:$0x3FB6] =	sst s0;
	s0 =	simm.s32 @!p2 $0x0  }
0x16: {  	s3 =	sld [smem:$0x3FDB];
	s0 =	simm.s32 @p2 $0x1  }
0x17: {  	s4 =	simm.s32 $0x1BF5;
	[smem:$0x3FB8] =	sst s0  }
0x18: {  	s0 =	sld [smem:$0x3F9B];
	_ =	swait.ge [sflag:s4], $0x0  }
0x19: {  	s7 =	sld [smem:$0x3F9C]  }
0x1a: {  	s8 =	sadd.s32 $0xFFFFE003, lr  }
0x1b: {  	s9 =	sadd.s32 $0xFFFFFEF7, lr;
	s5 =	simm.s32 $0xFFFFFFFF;
	p2 =	slt.u32 s8, $0xFFFFF086  }
0x1c: {  	p1 =	slt.u32 s9, $0xF7A;
	s5 =	simm.s32 @!p2 $0x0  }
0x1d: {  	s5 =	simm.s32 @p1 $0x1;
	p0 =	seq.s32 s7, s2  }
0x1e: {  	s7 =	smul.u32 @!p0 $0xF7A, s2;
	p2 =	seq.s32 @!p0 s5, $0x0  }
0x1f: {  	s9 =	smul.u32 $0xF7A, s1;
	s8 =	simm.s32 @!p0 $0x1BF5;
	p2 =	por !p2, p0  }
0x20: {  	[sflag:s8] =	ssyncset.s32 @!p0 $0xFFFFF086;
	s6 =	sadd.s32 @!p0 s3, s7;
	s7 =	simm.s32 @!p0 $0x108  }
0x21: {  	s3 =	sadd.s32 s3, s9;
	s6 =	sadd.s32 @!p0 $0x88, s6;
	s7 =	simm.s32 @p2 $0x1082  }
0x22: {  	[simem:s7], [sflag:s8] =	dma.local @!p0 [hbm:s6], $0xF7A  }
0x23: {  	s9 =	sor.u32 $0xD0000000, s2;
	s6 =	simm.s32 $0x108;
	_ =	swait.ge @!p0 [sflag:s8], $0x0  }
0x24: {  	s3 =	sadd.s32 $0x88, s3;
	s6 =	simm.s32 @!p1 $0x1082;
	[sflag:s4] =	ssyncset.s32 $0xFFFFF086  }
0x25: {  	[simem:s6], [sflag:s4] =	dma.local [hbm:s3], $0xF7A  }
0x26: {  	[smem:$0x3F9C] =	sst s1;
	(tag) =	ssettag s2;
	_ =	strace s9  }
0x27: {  	s1 =	sld [smem:$0x3FAC]  }
0x28: {  	s2 =	sld [smem:$0x3FAD]  }
0x29: {  	s4 =	sld [smem:$0x3FAF]  }
0x2a: {  	p0 =	seq.s32 s5, $0x0;
	s5 =	sld [smem:$0x3FB0]  }
0x2b: {  	s6 =	sld [smem:$0x3FB1]  }
0x2c: {  	s7 =	sld [smem:$0x3FB2]  }
0x2d: {  	s3 =	simm.s32 $0x108;
	s8 =	sld [smem:$0x3FB3]  }
0x2e: {  	s3 =	simm.s32 @!p0 $0x1082;
	s9 =	sld [smem:$0x3FB4]  }
0x2f: {  	lr =	sadd.s32 s0, s3;
	s0 =	sld [smem:$0x3FAB]  }
0x30: {  	s3 =	sld [smem:$0x3FAE]  }
0x31: {  	[smem:$0x3FB7] =	sst s10  }
0x32: {  	s10 =	sld [smem:$0x3FB5];
	_ =	sdelay $0x3  }
0x33: {  	p0 =	seq.s32 s10, $0x1;
	s10 =	sld [smem:$0x3FB7];
	_ =	sdelay $0x3  }
0x34: {  	[smem:$0x3FB7] =	sst s10  }
0x35: {  	s10 =	sld [smem:$0x3FB6];
	_ =	sdelay $0x3  }
0x36: {  	p1 =	seq.s32 s10, $0x1;
	s10 =	sld [smem:$0x3FB7];
	_ =	sdelay $0x3  }
0x37: {  	[smem:$0x3FB7] =	sst s10  }
0x38: {  	s10 =	sld [smem:$0x3FB8]  }
0x39: {  	_ = 	snop;
	(pc) =	sbr.ind lr, $3  }
0x3a: {  	_ = 	snop  }
0x3b: {  	_ = 	snop  }
0x3c: {  	p2 =	seq.s32 s10, $0x1;
	s10 =	sld [smem:$0x3FB7]  }
0x3d: {  	_ =	shalt  }
0x3e: {  	_ =	shalt  }
0x3f: {  	_ =	shalt  }
0x40: {  	_ =	shalt  }
0x41: {  	_ =	shalt  }
0x42: {  	_ =	shalt  }
0x43: {  	_ =	shalt  }
0x44: {  	_ =	shalt  }
0x45: {  	_ =	shalt  }
0x46: {  	_ =	shalt  }
0x47: {  	_ =	shalt  }
0x48: {  	_ =	shalt  }
0x49: {  	_ =	shalt  }
0x4a: {  	_ =	shalt  }
0x4b: {  	_ =	shalt  }
0x4c: {  	_ =	shalt  }
0x4d: {  	_ =	shalt  }
0x4e: {  	_ =	shalt  }
0x4f: {  	_ =	shalt  }
0x50: {  	_ =	shalt  }
0x51: {  	_ =	shalt  }
0x52: {  	_ =	shalt  }
0x53: {  	_ =	shalt  }
0x54: {  	_ =	shalt  }
0x55: {  	_ =	shalt  }
0x56: {  	_ =	shalt  }
0x57: {  	_ =	shalt  }
0x58: {  	_ =	shalt  }
0x59: {  	_ =	shalt  }
0x5a: {  	_ =	shalt  }
0x5b: {  	_ =	shalt  }
0x5c: {  	_ =	shalt  }
0x5d: {  	_ =	shalt  }
0x5e: {  	_ =	shalt  }
0x5f: {  	_ =	shalt  }
0x60: {  	_ =	shalt  }
0x61: {  	_ =	shalt  }
0x62: {  	_ =	shalt  }
0x63: {  	_ =	shalt  }
0x64: {  	_ =	shalt  }
0x65: {  	_ =	shalt  }
0x66: {  	_ =	shalt  }
0x67: {  	_ =	shalt  }
0x68: {  	_ =	shalt  }
0x69: {  	_ =	shalt  }
0x6a: {  	_ =	shalt  }
0x6b: {  	_ =	shalt  }
0x6c: {  	_ =	shalt  }
0x6d: {  	_ =	shalt  }
0x6e: {  	_ =	shalt  }
0x6f: {  	_ =	shalt  }
0x70: {  	_ =	shalt  }
0x71: {  	_ =	shalt  }
0x72: {  	_ =	shalt  }
0x73: {  	_ =	shalt  }
0x74: {  	_ =	shalt  }
0x75: {  	_ =	shalt  }
0x76: {  	_ =	shalt  }
0x77: {  	_ =	shalt  }
0x78: {  	_ =	shalt  }
0x79: {  	_ =	shalt  }
0x7a: {  	_ =	shalt  }
0x7b: {  	_ =	shalt  }
0x7c: {  	_ =	shalt  }
0x7d: {  	_ =	shalt  }
0x7e: {  	_ =	shalt  }
0x7f: {  	_ =	shalt  }
0x80: {  	_ =	shalt  }
0x81: {  	_ =	shalt  }
0x82: {  	_ =	shalt  }
0x83: {  	_ =	shalt  }
0x84: {  	_ =	shalt  }
0x85: {  	_ =	shalt  }
0x86: {  	_ =	shalt  }
0x87: {  	_ =	shalt  }
.Lfunc_end0:
.L_simem_size_0:
called_computation.2_lowered:
.L_overlay_start_0:
0x88: {  	s2 =	sld [smem:$0x3FD9]  }
0x89: {  	s3 =	sld [smem:$0x3FFE];
	_ =	sdelay $0x1  }
0x8a: {  	s1 =	srdreg.scid  }
0x8b: {  	s0 =	sand.u32 $0x1, s1  }
0x8c: {  	s17 =	sshll.u32 s0, $0xA;
	s2 =	sadd.s32 s3, s2  }
0x8d: {  	s2 =	sadd.s32 s2, s17  }
0x8e: {  	[smem:$0x3FC3] =	sst s2  }
0x8f: {  	_ = 	snop  }
0x90: {  	s18 =	sld [smem:$0x3FC9]  }
0x91: {  	s4 =	sld [smem:$0x3FC8];
	(tm) =	ssettm $0x1  }
0x92: {  	s19 =	sld [smem:$0x3FFB];
	_ =	sdelay $0x3  }
0x93: {  	_ =	strace s19  }
0x94: {  	s2 =	sld [smem:$0x3FFC];
	_ =	sdelay $0x3  }
0x95: {  	_ =	strace s2  }
0x96: {  	s2 =	sld [smem:$0x3FFD];
	_ =	sdelay $0x3  }
0x97: {  	_ =	strace s2  }
0x98: {  	_ =	strace $0x8FFFFFFF  }
0x99: {  	s20 =	sld [smem:$0x3FDB];
	_ =	sdelay $0x1  }
0x9a: {  	s5 =	simm.s32 $_scs_section_size  }
0x9b: {  	s6 =	simm.s32 $_size__tile_overlayer_lowered;
	s7 =	simm.s32 $_tile_overlayer_lowered  }
0x9c: {  	s8 =	simm.s32 $0x1BFF;
	s21 =	sshll.u32 s7, $0x1;
	s5 =	sadd.s32 s5, s20  }
0x9d: {  	s22 =	simm.s32 $0x0;
	s6 =	sshll.u32 s6, $0x1;
	s7 =	sadd.s32 s21, s5  }
0x9e: {  	[timem:s22], [sflag:s8] =	dma.local [hbm:s7], s6  }
0x9f: {  	_ =	swait.ge [sflag:s8], s6  }
0xa0: {  	s6 =	ssub.s32 $0x0, s6;
	[sflag:s8] =	ssyncset.done $0x0  }
0xa1: {  	[sflag:s8] =	ssyncadd.s32 s6;
	_ =	sdelay $0x1  }
0xa2: {  	s23 =	simm.s32 $0x1B8B  }
0xa3: {  	_ =	swait.ge [sflag:s23], $0x1  }
0xa4: {  	[sflag:s23] =	ssyncset.done $0x0  }
0xa5: {  	[sflag:s23] =	ssyncadd.s32 $0xFFFFFFFF  }
0xa6: {  	s6 =	sld [smem:$0x0]  }
0xa7: {  	s7 =	sand.u32 $0xFFFFFFFE, s1  }
0xa8: {  	p0 =	sne.s32 s1, s7  }
0xa9: {  	s7 =	sshll.u32 @p0 s7, $0xE  }
0xaa: {  	s7 =	sadd.s32 @p0 $0x11B8D, s7;
	s8 =	sshll.u32 @p0 s6, $0x11  }
0xab: {  	s7 =	sor.u32 @p0 s8, s7  }
0xac: {  	[sflag:s7] =	ssyncadd.remote.s32 @p0 $0x1;
	_ =	sdelay $0x1  }
0xad: {  	s7 =	simm.s32 @p0 $0x1B8D  }
0xae: {  	_ =	swait.eq @p0 [sflag:s7], $0x1  }
0xaf: {  	[sflag:s7] =	ssyncadd.s32 @p0 $0xFFFFFFFF  }
0xb0: {  	s8 =	sshll.u32 @!p0 s1, $0xE  }
0xb1: {  	s8 =	sor.u32 @!p0 $0x4000, s8;
	s7 =	simm.s32 @!p0 $0x1B8D  }
0xb2: {  	s6 =	sshll.u32 @!p0 s6, $0x11;
	s8 =	sadd.s32 @!p0 $0x11B8D, s8;
	_ =	swait.eq @!p0 [sflag:s7], $0x1  }
0xb3: {  	s6 =	sor.u32 @!p0 s6, s8;
	[sflag:s7] =	ssyncadd.s32 @!p0 $0xFFFFFFFF  }
0xb4: {  	s25 =	simm.s32 $0x1B8E;
	s24 =	sld [smem:$0x3FFE];
	[sflag:s6] =	ssyncadd.remote.s32 @!p0 $0x1  }
0xb5: {  	s26 =	simm.s32 $execute0_lowered;
	[smem:$0x3FD2] =	sst s25  }
0xb6: {  	s7 =	sshll.u32 s26, $0x1;
	_ =	strace $0x8000004C;
	[dreg:$0x1] =	wrdreg $0xFFFFFFFF  }
0xb7: {  	s28 =	simm.s32 $_size_execute0_lowered;
	s5 =	sadd.s32 s5, s7;
	[dreg:$0x0] =	wrdreg $0x0  }
0xb8: {  	s7 =	sshll.u32 s28, $0x1;
	[dreg:$0x2] =	wrdreg s5  }
0xb9: {  	[dreg:$0x3] =	wrdreg s7  }
0xba: {  	[dreg:$0x4] =	wrdreg $0xC0  }
0xbb: {  	_ =	task [dreg:s22], $0x5FFFF  }
0xbc: {  	[dreg:$0x1] =	wrdreg $0xFFFFFFFF  }
0xbd: {  	[dreg:$0x0] =	wrdreg $0x60  }
0xbe: {  	[dreg:$0x2] =	wrdreg s18  }
0xbf: {  	[dreg:$0x3] =	wrdreg s4  }
0xc0: {  	[dreg:$0x4] =	wrdreg s24  }
0xc1: {  	[dreg:$0x5] =	wrdreg $0xB  }
0xc2: {  	_ =	task.clear_ibuf [dreg:s22], $0x6FFFF;
	_ =	strace $0x9000004C  }
0xc3: {  	s29 =	simm.s32 $0xB;
	_ =	strace $0x8000004E  }
0xc4: {  	_ =	swait.ge [sflag:s29], $0x1  }
0xc5: {  	[sflag:s29] =	ssyncadd.s32 $0xFFFFFFFF  }
0xc6: {  	_ =	strace $0x9000004E  }
0xc7: {  	_ =	sfence  }
0xc8: {  	s30 =	sld [smem:$0x0];
	_ =	sdelay $0x2  }
0xc9: {  	s31 =	sshll.u32 s1, $0xD;
	s1 =	sshrl.u32 s1, $0x2  }
0xca: {  	s4 =	sand.u32 $0x4000, s31;
	s1 =	sadd.s32 s1, s30  }
0xcb: {  	s0 =	sor.u32 s4, s0;
	s1 =	sshll.u32 s1, $0x11  }
0xcc: {  	s0 =	sor.u32 s1, s0  }
0xcd: {  	s0 =	sadd.s32 $0x8F2B, s0  }
0xce: {  	[sflag:s0] =	ssyncadd.remote.s32 $0x1  }
0xcf: {  	_ =	sfence.sel $0xFFFF  }
0xd0: {  	[dreg:$0x0] =	wrdreg $0xFFFFFFFF;
	(pc) =	sbr.abs _section_cstart, $3  }
0xd1: {  	[dreg:$0x1] =	wrdreg $0xFFFFFFFF  }
0xd2: {  	_ =	task.clear_ibuf [dreg:s22], $0x2FFFF;
	_ =	strace $0x9FFFFFFF  }
0xd3: {  	(tm) =	ssettm $0x7FFFFFFF  }
tec
execute0_lowered:
.L_overlay_start_1:
0x0: {  	(tag) =	ssettag $0x1  }
0x1: {  	s3 =	rddreg [dreg:$0x1];
	s0 =	srdreg.scid  }
0x2: {  	s10 =	stileid.u32;
	s1 =	rddreg [dreg:$0x2];
	s4 =	simm.s32 $0x0  }
0x3: {  	s15 =	simm.s32 $0xD;
	s16 =	simm.s32 $0x80;
	s17 =	simm.s32 $0xC00  }
0x4: {  	s18 =	simm.s32 $0x4C00;
	s20 =	simm.s32 $0x8C00;
	s28 =	simm.s32 $0x14C00  }
0x5: {  	s29 =	simm.s32 $0x6;
	s30 =	simm.s32 $0x9;
	s31 =	simm.s32 $0x7  }
0x6: {  	s19 =	simm.s32 $0xC;
	s0 =	sand.u32 $0x1, s0;
	s2 =	sshll.u32 s10, $0x1  }
0x7: {  	[smem:$0x7FF] =	sst s4;
	s26 =	sshll.u32 s10, $0xC;
	s2 =	sor.u32 s0, s2  }
0x8: {  	_ =	strace $0x8000004D;
	s7 =	ssub.s32 $0x2, s0;
	s0 =	sshll.u32 s0, $0xB  }
0x9: {  	s5 =	smul.u32 $0x180, s2;
	s2 =	sshll.u32 s2, $0xB;
	s9 =	sshrl.u32 s7, $0x1  }
0xa: {  	s14 =	sor.u32 s0, s26;
	s0 =	simm.s32 $0x8;
	s8 =	sadd.s32 s2, s1  }
0xb: {  	s26 =	simm.s32 $0x3;
	s9 =	ssub.s32 s7, s9;
	s23 =	sadd.s32 $0x2CF800, s8  }
0xc: {  	s6 =	sadd.s32 s5, s1;
	s24 =	sadd.s32 $0x2DF800, s8;
	[dreg:$0x9] =	wrdreg s23  }
0xd: {  	s5 =	sadd.s32 $0x2EF800, s1;
	s25 =	smax.u32 s9, $0x1;
	[dreg:$0xa] =	wrdreg s24  }
0xe: {  	s1 =	sadd.s32 $0x32F800, s1;
	s8 =	simm.s32 $0x0;
	[dreg:$0xb] =	wrdreg s25  }
0xf: {  	s6 =	sadd.s32 $0x6800, s6;
	s7 =	sadd.s32 s5, s2;
	[dreg:$0x4] =	wrdreg s1  }
0x10: {  	s24 =	simm.s32 $0x10C00;
	[dreg:$0x5] =	wrdreg s6;
	s2 =	sadd.s32 $0x110000, s7  }
0x11: {  	s25 =	simm.s32 $0x5;
	s21 =	sadd.s32 $0x120000, s7;
	[dreg:$0x6] =	wrdreg s2  }
0x12: {  	s1 =	simm.s32 $0xB;
	s22 =	sadd.s32 $0x130000, s7;
	[dreg:$0x7] =	wrdreg s21  }
0x13: {  	s23 =	simm.s32 $0x2;
	s6 =	simm.s32 $0x4;
	[dreg:$0x8] =	wrdreg s22  }
0x14: {  	s22 =	simm.s32 $0xCC00;
	s2 =	simm.s32 $0xA;
	s21 =	simm.s32 $0x1  }
.LBB2_1:
0x15: {  	s9 =	rddreg [dreg:$0x5]  }
0x16: {  	[tilespmem:s4], [sflag:$0xD] =	stream.linear.gather [hbm4b:s9+s4], $0xC00, $0x38;
	[tilespmem:$0x18C00] =	vst v63  }
0x17: {  	_ =	swait.ge [sflag:s15], $0xC00  }
0x18: {  	[sflag:s15] =	ssyncset.done $0x0  }
0x19: {  	[sflag:s15] =	ssyncadd.s32 $0xFFFFF400  }
0x1a: {  	s12 =	rddreg [dreg:$0x0]  }
0x1b: {  	[tilespmem:s17], [sflag:$0x1] =	stream.indirect.gather [hbm4b:s12+s16], $0x80, s4, s16, $0xb8;
	[tilespmem:$0x18C00] =	vst v63  }
0x1c: {  	_ = 	snop  }
0x1d: {  	[tilespmem:s18], [sflag:$0x2] =	stream.indirect.gather [hbm4b:s3+s16], $0x80, s16, s16, $0xb8;
	[tilespmem:$0x18C00] =	vst v63  }
0x1e: {  	s13 =	simm.s32 $0x100  }
0x1f: {  	[tilespmem:s20], [sflag:$0x5] =	stream.indirect.gather [hbm4b:s3+s16], $0x80, s13, s16, $0xb8;
	[tilespmem:$0x18C00] =	vst v63  }
0x20: {  	s10 =	simm.s32 $0x180  }
0x21: {  	[tilespmem:s22], [sflag:$0x6] =	stream.indirect.gather [hbm4b:s3+s16], $0x80, s10, s16, $0xb8;
	[tilespmem:$0x18C00] =	vst v63  }
0x22: {  	s11 =	simm.s32 $0x200  }
0x23: {  	[tilespmem:s24], [sflag:$0x7] =	stream.indirect.gather [hbm4b:s3+s16], $0x80, s11, s16, $0xb8;
	[tilespmem:$0x18C00] =	vst v63  }
0x24: {  	_ =	swait.ge [sflag:s25], $0x4000  }
0x25: {  	[sflag:s25] =	ssyncset.done $0x0  }
0x26: {  	s12 =	simm.s32 $0x280;
	[sflag:s25] =	ssyncadd.s32 $0xFFFFC000  }
0x27: {  	[tilespmem:s28], [sflag:$0x8] =	stream.indirect.gather [hbm4b:s3+s16], $0x80, s12, s16, $0xb8;
	[tilespmem:$0x18C00] =	vst v63  }
0x28: {  	_ = 	snop  }
0x29: {  	[hbm4b:s7+s4] =	stream.linear.scatter [tilespmem:s20], [sflag:$0x9], $0x4000, $0x38;
	[tilespmem:$0x18C00] =	vst v63  }
0x2a: {  	_ =	swait.ge [sflag:s29], $0x4000  }
0x2b: {  	[sflag:s29] =	ssyncset.done $0x0  }
0x2c: {  	[sflag:s29] =	ssyncadd.s32 $0xFFFFC000  }
0x2d: {  	_ =	swait.ge [sflag:s30], $0x4000  }
0x2e: {  	[sflag:s30] =	ssyncset.done $0x0  }
0x2f: {  	s13 =	simm.s32 $0x300;
	s10 =	sor.u32 $0x10000, s14;
	[sflag:s30] =	ssyncadd.s32 $0xFFFFC000  }
0x30: {  	[tilespmem:s20], [sflag:$0x5] =	stream.indirect.gather [hbm4b:s3+s16], $0x80, s13, s16, $0xb8;
	[tilespmem:$0x18C00] =	vst v63  }
0x31: {  	s11 =	sadd.s32 s5, s10  }
0x32: {  	[hbm4b:s11+s4] =	stream.linear.scatter [tilespmem:s22], [sflag:$0xA], $0x4000, $0x38;
	[tilespmem:$0x18C00] =	vst v63  }
0x33: {  	_ =	swait.ge [sflag:s31], $0x4000  }
0x34: {  	[sflag:s31] =	ssyncset.done $0x0  }
0x35: {  	[sflag:s31] =	ssyncadd.s32 $0xFFFFC000  }
0x36: {  	_ =	swait.ge [sflag:s2], $0x4000  }
0x37: {  	[sflag:s2] =	ssyncset.done $0x0  }
0x38: {  	s12 =	simm.s32 $0x380;
	s13 =	sor.u32 $0x20000, s14;
	[sflag:s2] =	ssyncadd.s32 $0xFFFFC000  }
0x39: {  	[tilespmem:s22], [sflag:$0x6] =	stream.indirect.gather [hbm4b:s3+s16], $0x80, s12, s16, $0xb8;
	[tilespmem:$0x18C00] =	vst v63  }
0x3a: {  	s11 =	sadd.s32 s5, s13  }
0x3b: {  	[hbm4b:s11+s4] =	stream.linear.scatter [tilespmem:s24], [sflag:$0xB], $0x4000, $0x38;
	[tilespmem:$0x18C00] =	vst v63  }
0x3c: {  	_ =	swait.ge [sflag:s0], $0x4000  }
0x3d: {  	[sflag:s0] =	ssyncset.done $0x0  }
0x3e: {  	[sflag:s0] =	ssyncadd.s32 $0xFFFFC000  }
0x3f: {  	_ =	swait.ge [sflag:s1], $0x4000  }
0x40: {  	[sflag:s1] =	ssyncset.done $0x0  }
0x41: {  	s13 =	sor.u32 $0x30000, s14;
	s12 =	simm.s32 $0x400;
	[sflag:s1] =	ssyncadd.s32 $0xFFFFC000  }
0x42: {  	[tilespmem:s24], [sflag:$0x7] =	stream.indirect.gather [hbm4b:s3+s16], $0x80, s12, s16, $0xb8;
	[tilespmem:$0x18C00] =	vst v63  }
0x43: {  	s11 =	sadd.s32 s5, s13  }
0x44: {  	[hbm4b:s11+s4] =	stream.linear.scatter [tilespmem:s28], [sflag:$0xC], $0x4000, $0x38;
	[tilespmem:$0x18C00] =	vst v63  }
0x45: {  	_ =	swait.ge [sflag:s25], $0x4000  }
0x46: {  	[sflag:s25] =	ssyncset.done $0x0  }
0x47: {  	[sflag:s25] =	ssyncadd.s32 $0xFFFFC000  }
0x48: {  	s9 =	simm.s32 $0x800;
	_ =	swait.ge [sflag:s19], $0x4000  }
0x49: {  	s10 =	sadd.s32 $0x40000, s14;
	[sflag:s19] =	ssyncset.done $0x0;
	s12 =	rddreg [dreg:$0x4]  }
0x4a: {  	s13 =	simm.s32 $0x480;
	[sflag:s19] =	ssyncadd.s32 $0xFFFFC000;
	s11 =	sadd.s32 s14, s12  }
0x4b: {  	[tilespmem:s28], [sflag:$0x8] =	stream.indirect.gather [hbm4b:s3+s16], $0x80, s13, s16, $0xb8;
	[tilespmem:$0x18C00] =	vst v63  }
.LBB2_2:
0x4c: {  	[hbm4b:s11+s4] =	stream.linear.scatter [tilespmem:s20], [sflag:$0x9], $0x4000, $0x38;
	[tilespmem:$0x18C00] =	vst v63  }
0x4d: {  	_ =	swait.ge [sflag:s29], $0x4000  }
0x4e: {  	[sflag:s29] =	ssyncset.done $0x0  }
0x4f: {  	[sflag:s29] =	ssyncadd.s32 $0xFFFFC000  }
0x50: {  	s12 =	smov.u32 s9;
	_ =	swait.ge [sflag:s30], $0x4000  }
0x51: {  	s11 =	sshra.s32 s12, $0x2;
	[sflag:s30] =	ssyncset.done $0x0  }
0x52: {  	s13 =	sor.u32 $0x10000, s10;
	s12 =	sadd.s32 $0x300, s11;
	[sflag:s30] =	ssyncadd.s32 $0xFFFFC000  }
0x53: {  	[tilespmem:s20], [sflag:$0x5] =	stream.indirect.gather [hbm4b:s3+s16], $0x80, s12, s16, $0xb8;
	[tilespmem:$0x18C00] =	vst v63  }
0x54: {  	s13 =	sadd.s32 s5, s13  }
0x55: {  	[hbm4b:s13+s4] =	stream.linear.scatter [tilespmem:s22], [sflag:$0xA], $0x4000, $0x38;
	[tilespmem:$0x18C00] =	vst v63  }
0x56: {  	_ =	swait.ge [sflag:s31], $0x4000  }
0x57: {  	[sflag:s31] =	ssyncset.done $0x0  }
0x58: {  	[sflag:s31] =	ssyncadd.s32 $0xFFFFC000  }
0x59: {  	_ =	swait.ge [sflag:s2], $0x4000  }
0x5a: {  	[sflag:s2] =	ssyncset.done $0x0  }
0x5b: {  	s12 =	sadd.s32 $0x380, s11;
	s13 =	sor.u32 $0x20000, s10;
	[sflag:s2] =	ssyncadd.s32 $0xFFFFC000  }
0x5c: {  	[tilespmem:s22], [sflag:$0x6] =	stream.indirect.gather [hbm4b:s3+s16], $0x80, s12, s16, $0xb8;
	[tilespmem:$0x18C00] =	vst v63  }
0x5d: {  	s13 =	sadd.s32 s5, s13  }
0x5e: {  	[hbm4b:s13+s4] =	stream.linear.scatter [tilespmem:s24], [sflag:$0xB], $0x4000, $0x38;
	[tilespmem:$0x18C00] =	vst v63  }
0x5f: {  	_ =	swait.ge [sflag:s0], $0x4000  }
0x60: {  	[sflag:s0] =	ssyncset.done $0x0  }
0x61: {  	[sflag:s0] =	ssyncadd.s32 $0xFFFFC000  }
0x62: {  	_ =	swait.ge [sflag:s1], $0x4000  }
0x63: {  	[sflag:s1] =	ssyncset.done $0x0  }
0x64: {  	s12 =	sadd.s32 $0x400, s11;
	s13 =	sor.u32 $0x30000, s10;
	[sflag:s1] =	ssyncadd.s32 $0xFFFFC000  }
0x65: {  	[tilespmem:s24], [sflag:$0x7] =	stream.indirect.gather [hbm4b:s3+s16], $0x80, s12, s16, $0xb8;
	[tilespmem:$0x18C00] =	vst v63  }
0x66: {  	s13 =	sadd.s32 s5, s13  }
0x67: {  	[hbm4b:s13+s4] =	stream.linear.scatter [tilespmem:s28], [sflag:$0xC], $0x4000, $0x38;
	[tilespmem:$0x18C00] =	vst v63  }
0x68: {  	_ =	swait.ge [sflag:s25], $0x4000  }
0x69: {  	[sflag:s25] =	ssyncset.done $0x0  }
0x6a: {  	p0 =	sne.s32 s9, $0x1800;
	[sflag:s25] =	ssyncadd.s32 $0xFFFFC000  }
.Ltmp0:
0x6b: {  	_ =	swait.ge [sflag:s19], $0x4000;
	(pc) =	sbr.rel @p0 .LBB2_2-.Ltmp0, $4  }
0x6c: {  	[sflag:s19] =	ssyncset.done $0x0  }
0x6d: {  	s11 =	sadd.s32 $0x480, s11;
	s13 =	rddreg [dreg:$0x4];
	[sflag:s19] =	ssyncadd.s32 $0xFFFFC000  }
0x6e: {  	[tilespmem:s28], [sflag:$0x8] =	stream.indirect.gather [hbm4b:s3+s16], $0x80, s11, s16, $0xb8;
	[tilespmem:$0x18C00] =	vst v63  }
0x6f: {  	s9 =	sadd.s32 $0x800, s9;
	s11 =	sadd.s32 s10, s13;
	s10 =	sadd.s32 $0x40000, s10  }
0x70: {  	[hbm4b:s11+s4] =	stream.linear.scatter [tilespmem:s20], [sflag:$0x9], $0x4000, $0x38;
	[tilespmem:$0x18C00] =	vst v63  }
0x71: {  	_ =	swait.ge [sflag:s29], $0x4000  }
0x72: {  	[sflag:s29] =	ssyncset.done $0x0  }
0x73: {  	[sflag:s29] =	ssyncadd.s32 $0xFFFFC000  }
0x74: {  	_ =	swait.ge [sflag:s30], $0x4000  }
0x75: {  	[sflag:s30] =	ssyncset.done $0x0  }
0x76: {  	s9 =	rddreg [dreg:$0x6];
	[sflag:s30] =	ssyncadd.s32 $0xFFFFC000  }
0x77: {  	[hbm4b:s9+s4] =	stream.linear.scatter [tilespmem:s22], [sflag:$0xA], $0x4000, $0x38;
	[tilespmem:$0x18C00] =	vst v63  }
0x78: {  	_ =	swait.ge [sflag:s31], $0x4000  }
0x79: {  	[sflag:s31] =	ssyncset.done $0x0  }
0x7a: {  	[sflag:s31] =	ssyncadd.s32 $0xFFFFC000  }
0x7b: {  	_ =	swait.ge [sflag:s2], $0x4000  }
0x7c: {  	[sflag:s2] =	ssyncset.done $0x0  }
0x7d: {  	s13 =	rddreg [dreg:$0x7];
	[sflag:s2] =	ssyncadd.s32 $0xFFFFC000  }
0x7e: {  	[hbm4b:s13+s4] =	stream.linear.scatter [tilespmem:s24], [sflag:$0xB], $0x4000, $0x38;
	[tilespmem:$0x18C00] =	vst v63  }
0x7f: {  	_ =	swait.ge [sflag:s0], $0x4000  }
0x80: {  	[sflag:s0] =	ssyncset.done $0x0  }
0x81: {  	[sflag:s0] =	ssyncadd.s32 $0xFFFFC000  }
0x82: {  	_ =	swait.ge [sflag:s1], $0x4000  }
0x83: {  	[sflag:s1] =	ssyncset.done $0x0  }
0x84: {  	s10 =	rddreg [dreg:$0x8];
	[sflag:s1] =	ssyncadd.s32 $0xFFFFC000  }
0x85: {  	[hbm4b:s10+s4] =	stream.linear.scatter [tilespmem:s28], [sflag:$0xC], $0x4000, $0x38;
	[tilespmem:$0x18C00] =	vst v63  }
0x86: {  	_ =	swait.ge [sflag:s21], $0x4000  }
0x87: {  	[sflag:s21] =	ssyncset.done $0x0  }
0x88: {  	s11 =	rddreg [dreg:$0x9];
	[sflag:s21] =	ssyncadd.s32 $0xFFFFC000  }
0x89: {  	[hbm4b:s11+s4] =	stream.linear.scatter [tilespmem:s17], [sflag:$0x3], $0x4000, $0x38;
	[tilespmem:$0x18C00] =	vst v63  }
0x8a: {  	_ =	swait.ge [sflag:s23], $0x4000  }
0x8b: {  	[sflag:s23] =	ssyncset.done $0x0  }
0x8c: {  	s12 =	rddreg [dreg:$0xa];
	[sflag:s23] =	ssyncadd.s32 $0xFFFFC000  }
0x8d: {  	[hbm4b:s12+s4] =	stream.linear.scatter [tilespmem:s18], [sflag:$0x4], $0x4000, $0x38;
	[tilespmem:$0x18C00] =	vst v63  }
0x8e: {  	_ =	swait.ge [sflag:s19], $0x4000  }
0x8f: {  	[sflag:s19] =	ssyncset.done $0x0  }
0x90: {  	[sflag:s19] =	ssyncadd.s32 $0xFFFFC000  }
0x91: {  	_ =	swait.ge [sflag:s26], $0x4000  }
0x92: {  	[sflag:s26] =	ssyncset.done $0x0  }
0x93: {  	[sflag:s26] =	ssyncadd.s32 $0xFFFFC000  }
0x94: {  	_ =	swait.ge [sflag:s6], $0x4000  }
0x95: {  	s8 =	sadd.s32 $0x1, s8;
	s13 =	rddreg [dreg:$0xb]  }
0x96: {  	p0 =	sne.s32 s8, s13  }
.Ltmp1:
0x97: {  	_ = 	snop;
	(pc) =	sbr.rel @p0 .LBB2_1-.Ltmp1, $3  }
0x98: {  	_ =	sdelay $0x1  }
0x99: {  	[sflag:s6] =	ssyncset.done $0x0  }
0x9a: {  	[sflag:s6] =	ssyncadd.s32 $0xFFFFC000  }
0x9b: {  	_ =	sfence.sel $0x180000  }
0x9c: {  	[bflag:$0x0] =	sbarrier.arrive $0xFFFF  }
0x9d: {  	_ =	strace $0x9000004D  }
0x9e: {  	s0 =	stileid.u32;
	[bflag:$0x2] =	sbarrier.arrive $0xFFFF  }
0x9f: {  	p0 =	sne.s32 s0, $0x0;
	s0 =	rddreg [dreg:$0x3]  }
0xa0: {  	s0 =	sadd.s32 @!p0 $0x100000, s0  }
0xa1: {  	[sflag:s0] =	ssyncadd.tile.s32 @!p0 $0x1;
	_ =	shalt  }
.Lfunc_end2:
_tile_overlayer_lowered:
.L_overlay_start_2:
0xa2: {  	(tag) =	ssettag $0x2  }
0xa3: {  	s0 =	rddreg [dreg:$0x0];
	s2 =	stileid.u32  }
0xa4: {  	s1 =	rddreg [dreg:$0x1];
	p0 =	sne.s32 s2, $0x0  }
0xa5: {  	s3 =	rddreg [dreg:$0x2];
	[bflag:$0x3] =	sbarrier.arrive $0xFFFF;
	s2 =	simm.s32 @!p0 $0x1C0D  }
0xa6: {  	[timem:s3], [sflag:s2] =	dma.local @!p0 [hbm:s0], s1  }
0xa7: {  	s0 =	simm.s32 @!p0 $0xD  }
0xa8: {  	_ =	swait.ge @!p0 [sflag:s0], s1  }
0xa9: {  	s1 =	ssub.s32 @!p0 $0x0, s1;
	[sflag:s0] =	ssyncset.done @!p0 $0x0  }
0xaa: {  	[sflag:s0] =	ssyncadd.s32 @!p0 s1  }
0xab: {  	[bflag:$0x3] =	sbarrier.arrive $0xFFFF  }
0xac: {  	_ =	shalt  }

// kernel: kernel.19.cloned.1.call-start
scs
__scs_entry_jumppad:
0x0: {  	(pc) =	sbr.rel $0x88, $3  }
0x1: {  	(tag) =	ssettag $0x0;
	lr =	simm.s32 $0x1  }
0x2: {  	[smem:$0x3F9C] =	sst lr;
	_ =	strace $0xD0000000  }
0x3: {  	_ = 	snop  }
0x4: {  	_ = 	snop  }
0x5: {  	_ = 	snop  }
0x6: {  	_ = 	snop  }
0x7: {  	_ = 	snop  }
__scs_overlays_trampoline_lowered:
0x8: {  	[smem:$0x3FAB] =	sst s0  }
0x9: {  	[smem:$0x3FAC] =	sst s1  }
0xa: {  	[smem:$0x3FAD] =	sst s2  }
0xb: {  	[smem:$0x3FAE] =	sst s3  }
0xc: {  	[smem:$0x3FAF] =	sst s4  }
0xd: {  	[smem:$0x3FB0] =	sst s5  }
0xe: {  	[smem:$0x3FB1] =	sst s6  }
0xf: {  	[smem:$0x3FB2] =	sst s7  }
0x10: {  	[smem:$0x3FB3] =	sst s8  }
0x11: {  	[smem:$0x3FB4] =	sst s9;
	s0 =	simm.s32 @!p0 $0x0  }
0x12: {  	s1 =	sld [smem:$0x3F9A];
	s0 =	simm.s32 @p0 $0x1  }
0x13: {  	[smem:$0x3FB5] =	sst s0;
	s0 =	simm.s32 @!p1 $0x0  }
0x14: {  	s2 =	sld [smem:$0x3F99];
	s0 =	simm.s32 @p1 $0x1  }
0x15: {  	[smem:$0x3FB6] =	sst s0;
	s0 =	simm.s32 @!p2 $0x0  }
0x16: {  	s3 =	sld [smem:$0x3FDB];
	s0 =	simm.s32 @p2 $0x1  }
0x17: {  	s4 =	simm.s32 $0x1BF5;
	[smem:$0x3FB8] =	sst s0  }
0x18: {  	s0 =	sld [smem:$0x3F9B];
	_ =	swait.ge [sflag:s4], $0x0  }
0x19: {  	s7 =	sld [smem:$0x3F9C]  }
0x1a: {  	s8 =	sadd.s32 $0xFFFFE003, lr  }
0x1b: {  	s9 =	sadd.s32 $0xFFFFFEF7, lr;
	s5 =	simm.s32 $0xFFFFFFFF;
	p2 =	slt.u32 s8, $0xFFFFF086  }
0x1c: {  	p1 =	slt.u32 s9, $0xF7A;
	s5 =	simm.s32 @!p2 $0x0  }
0x1d: {  	s5 =	simm.s32 @p1 $0x1;
	p0 =	seq.s32 s7, s2  }
0x1e: {  	s7 =	smul.u32 @!p0 $0xF7A, s2;
	p2 =	seq.s32 @!p0 s5, $0x0  }
0x1f: {  	s9 =	smul.u32 $0xF7A, s1;
	s8 =	simm.s32 @!p0 $0x1BF5;
	p2 =	por !p2, p0  }
0x20: {  	[sflag:s8] =	ssyncset.s32 @!p0 $0xFFFFF086;
	s6 =	sadd.s32 @!p0 s3, s7;
	s7 =	simm.s32 @!p0 $0x108  }
0x21: {  	s3 =	sadd.s32 s3, s9;
	s6 =	sadd.s32 @!p0 $0x88, s6;
	s7 =	simm.s32 @p2 $0x1082  }
0x22: {  	[simem:s7], [sflag:s8] =	dma.local @!p0 [hbm:s6], $0xF7A  }
0x23: {  	s9 =	sor.u32 $0xD0000000, s2;
	s6 =	simm.s32 $0x108;
	_ =	swait.ge @!p0 [sflag:s8], $0x0  }
0x24: {  	s3 =	sadd.s32 $0x88, s3;
	s6 =	simm.s32 @!p1 $0x1082;
	[sflag:s4] =	ssyncset.s32 $0xFFFFF086  }
0x25: {  	[simem:s6], [sflag:s4] =	dma.local [hbm:s3], $0xF7A  }
0x26: {  	[smem:$0x3F9C] =	sst s1;
	(tag) =	ssettag s2;
	_ =	strace s9  }
0x27: {  	s1 =	sld [smem:$0x3FAC]  }
0x28: {  	s2 =	sld [smem:$0x3FAD]  }
0x29: {  	s4 =	sld [smem:$0x3FAF]  }
0x2a: {  	p0 =	seq.s32 s5, $0x0;
	s5 =	sld [smem:$0x3FB0]  }
0x2b: {  	s6 =	sld [smem:$0x3FB1]  }
0x2c: {  	s7 =	sld [smem:$0x3FB2]  }
0x2d: {  	s3 =	simm.s32 $0x108;
	s8 =	sld [smem:$0x3FB3]  }
0x2e: {  	s3 =	simm.s32 @!p0 $0x1082;
	s9 =	sld [smem:$0x3FB4]  }
0x2f: {  	lr =	sadd.s32 s0, s3;
	s0 =	sld [smem:$0x3FAB]  }
0x30: {  	s3 =	sld [smem:$0x3FAE]  }
0x31: {  	[smem:$0x3FB7] =	sst s10  }
0x32: {  	s10 =	sld [smem:$0x3FB5];
	_ =	sdelay $0x3  }
0x33: {  	p0 =	seq.s32 s10, $0x1;
	s10 =	sld [smem:$0x3FB7];
	_ =	sdelay $0x3  }
0x34: {  	[smem:$0x3FB7] =	sst s10  }
0x35: {  	s10 =	sld [smem:$0x3FB6];
	_ =	sdelay $0x3  }
0x36: {  	p1 =	seq.s32 s10, $0x1;
	s10 =	sld [smem:$0x3FB7];
	_ =	sdelay $0x3  }
0x37: {  	[smem:$0x3FB7] =	sst s10  }
0x38: {  	s10 =	sld [smem:$0x3FB8]  }
0x39: {  	_ = 	snop;
	(pc) =	sbr.ind lr, $3  }
0x3a: {  	_ = 	snop  }
0x3b: {  	_ = 	snop  }
0x3c: {  	p2 =	seq.s32 s10, $0x1;
	s10 =	sld [smem:$0x3FB7]  }
0x3d: {  	_ =	shalt  }
0x3e: {  	_ =	shalt  }
0x3f: {  	_ =	shalt  }
0x40: {  	_ =	shalt  }
0x41: {  	_ =	shalt  }
0x42: {  	_ =	shalt  }
0x43: {  	_ =	shalt  }
0x44: {  	_ =	shalt  }
0x45: {  	_ =	shalt  }
0x46: {  	_ =	shalt  }
0x47: {  	_ =	shalt  }
0x48: {  	_ =	shalt  }
0x49: {  	_ =	shalt  }
0x4a: {  	_ =	shalt  }
0x4b: {  	_ =	shalt  }
0x4c: {  	_ =	shalt  }
0x4d: {  	_ =	shalt  }
0x4e: {  	_ =	shalt  }
0x4f: {  	_ =	shalt  }
0x50: {  	_ =	shalt  }
0x51: {  	_ =	shalt  }
0x52: {  	_ =	shalt  }
0x53: {  	_ =	shalt  }
0x54: {  	_ =	shalt  }
0x55: {  	_ =	shalt  }
0x56: {  	_ =	shalt  }
0x57: {  	_ =	shalt  }
0x58: {  	_ =	shalt  }
0x59: {  	_ =	shalt  }
0x5a: {  	_ =	shalt  }
0x5b: {  	_ =	shalt  }
0x5c: {  	_ =	shalt  }
0x5d: {  	_ =	shalt  }
0x5e: {  	_ =	shalt  }
0x5f: {  	_ =	shalt  }
0x60: {  	_ =	shalt  }
0x61: {  	_ =	shalt  }
0x62: {  	_ =	shalt  }
0x63: {  	_ =	shalt  }
0x64: {  	_ =	shalt  }
0x65: {  	_ =	shalt  }
0x66: {  	_ =	shalt  }
0x67: {  	_ =	shalt  }
0x68: {  	_ =	shalt  }
0x69: {  	_ =	shalt  }
0x6a: {  	_ =	shalt  }
0x6b: {  	_ =	shalt  }
0x6c: {  	_ =	shalt  }
0x6d: {  	_ =	shalt  }
0x6e: {  	_ =	shalt  }
0x6f: {  	_ =	shalt  }
0x70: {  	_ =	shalt  }
0x71: {  	_ =	shalt  }
0x72: {  	_ =	shalt  }
0x73: {  	_ =	shalt  }
0x74: {  	_ =	shalt  }
0x75: {  	_ =	shalt  }
0x76: {  	_ =	shalt  }
0x77: {  	_ =	shalt  }
0x78: {  	_ =	shalt  }
0x79: {  	_ =	shalt  }
0x7a: {  	_ =	shalt  }
0x7b: {  	_ =	shalt  }
0x7c: {  	_ =	shalt  }
0x7d: {  	_ =	shalt  }
0x7e: {  	_ =	shalt  }
0x7f: {  	_ =	shalt  }
0x80: {  	_ =	shalt  }
0x81: {  	_ =	shalt  }
0x82: {  	_ =	shalt  }
0x83: {  	_ =	shalt  }
0x84: {  	_ =	shalt  }
0x85: {  	_ =	shalt  }
0x86: {  	_ =	shalt  }
0x87: {  	_ =	shalt  }
.Lfunc_end0:
.L_simem_size_0:
called_computation.3_lowered:
.L_overlay_start_0:
0x88: {  	s2 =	sld [smem:$0x3FD9]  }
0x89: {  	s3 =	sld [smem:$0x3FFE];
	_ =	sdelay $0x1  }
0x8a: {  	s1 =	srdreg.scid  }
0x8b: {  	s0 =	sand.u32 $0x1, s1  }
0x8c: {  	s17 =	sshll.u32 s0, $0xA;
	s2 =	sadd.s32 s3, s2  }
0x8d: {  	s2 =	sadd.s32 s2, s17  }
0x8e: {  	[smem:$0x3FC3] =	sst s2  }
0x8f: {  	_ = 	snop  }
0x90: {  	s18 =	sld [smem:$0x3FC9]  }
0x91: {  	s4 =	sld [smem:$0x3FC8];
	(tm) =	ssettm $0x1  }
0x92: {  	s19 =	sld [smem:$0x3FFB];
	_ =	sdelay $0x3  }
0x93: {  	_ =	strace s19  }
0x94: {  	s2 =	sld [smem:$0x3FFC];
	_ =	sdelay $0x3  }
0x95: {  	_ =	strace s2  }
0x96: {  	s2 =	sld [smem:$0x3FFD];
	_ =	sdelay $0x3  }
0x97: {  	_ =	strace s2  }
0x98: {  	_ =	strace $0x8FFFFFFF  }
0x99: {  	s20 =	sld [smem:$0x3FDB];
	_ =	sdelay $0x1  }
0x9a: {  	s5 =	simm.s32 $_scs_section_size  }
0x9b: {  	s6 =	simm.s32 $_size__tile_overlayer_lowered;
	s7 =	simm.s32 $_tile_overlayer_lowered  }
0x9c: {  	s8 =	simm.s32 $0x1BFF;
	s21 =	sshll.u32 s7, $0x1;
	s5 =	sadd.s32 s5, s20  }
0x9d: {  	s22 =	simm.s32 $0x0;
	s6 =	sshll.u32 s6, $0x1;
	s7 =	sadd.s32 s21, s5  }
0x9e: {  	[timem:s22], [sflag:s8] =	dma.local [hbm:s7], s6  }
0x9f: {  	_ =	swait.ge [sflag:s8], s6  }
0xa0: {  	s6 =	ssub.s32 $0x0, s6;
	[sflag:s8] =	ssyncset.done $0x0  }
0xa1: {  	[sflag:s8] =	ssyncadd.s32 s6;
	_ =	sdelay $0x1  }
0xa2: {  	s23 =	simm.s32 $0x1B8B  }
0xa3: {  	_ =	swait.ge [sflag:s23], $0x1  }
0xa4: {  	[sflag:s23] =	ssyncset.done $0x0  }
0xa5: {  	[sflag:s23] =	ssyncadd.s32 $0xFFFFFFFF  }
0xa6: {  	s6 =	sld [smem:$0x0]  }
0xa7: {  	s7 =	sand.u32 $0xFFFFFFFE, s1  }
0xa8: {  	p0 =	sne.s32 s1, s7  }
0xa9: {  	s7 =	sshll.u32 @p0 s7, $0xE  }
0xaa: {  	s7 =	sadd.s32 @p0 $0x11B8D, s7;
	s8 =	sshll.u32 @p0 s6, $0x11  }
0xab: {  	s7 =	sor.u32 @p0 s8, s7  }
0xac: {  	[sflag:s7] =	ssyncadd.remote.s32 @p0 $0x1;
	_ =	sdelay $0x1  }
0xad: {  	s7 =	simm.s32 @p0 $0x1B8D  }
0xae: {  	_ =	swait.eq @p0 [sflag:s7], $0x1  }
0xaf: {  	[sflag:s7] =	ssyncadd.s32 @p0 $0xFFFFFFFF  }
0xb0: {  	s8 =	sshll.u32 @!p0 s1, $0xE  }
0xb1: {  	s8 =	sor.u32 @!p0 $0x4000, s8;
	s7 =	simm.s32 @!p0 $0x1B8D  }
0xb2: {  	s6 =	sshll.u32 @!p0 s6, $0x11;
	s8 =	sadd.s32 @!p0 $0x11B8D, s8;
	_ =	swait.eq @!p0 [sflag:s7], $0x1  }
0xb3: {  	s6 =	sor.u32 @!p0 s6, s8;
	[sflag:s7] =	ssyncadd.s32 @!p0 $0xFFFFFFFF  }
0xb4: {  	s25 =	simm.s32 $0x1B8E;
	s24 =	sld [smem:$0x3FFE];
	[sflag:s6] =	ssyncadd.remote.s32 @!p0 $0x1  }
0xb5: {  	s26 =	simm.s32 $execute0_lowered;
	[smem:$0x3FD2] =	sst s25  }
0xb6: {  	s7 =	sshll.u32 s26, $0x1;
	_ =	strace $0x8000004F;
	[dreg:$0x1] =	wrdreg $0xFFFFFFFF  }
0xb7: {  	s28 =	simm.s32 $_size_execute0_lowered;
	s5 =	sadd.s32 s5, s7;
	[dreg:$0x0] =	wrdreg $0x0  }
0xb8: {  	s7 =	sshll.u32 s28, $0x1;
	[dreg:$0x2] =	wrdreg s5  }
0xb9: {  	[dreg:$0x3] =	wrdreg s7  }
0xba: {  	[dreg:$0x4] =	wrdreg $0xC0  }
0xbb: {  	_ =	task [dreg:s22], $0x5FFFF  }
0xbc: {  	[dreg:$0x1] =	wrdreg $0xFFFFFFFF  }
0xbd: {  	[dreg:$0x0] =	wrdreg $0x60  }
0xbe: {  	[dreg:$0x2] =	wrdreg s18  }
0xbf: {  	[dreg:$0x3] =	wrdreg s4  }
0xc0: {  	[dreg:$0x4] =	wrdreg s24  }
0xc1: {  	[dreg:$0x5] =	wrdreg $0xC  }
0xc2: {  	_ =	task.clear_ibuf [dreg:s22], $0x6FFFF;
	_ =	strace $0x9000004F  }
0xc3: {  	s29 =	simm.s32 $0xC;
	_ =	strace $0x80000051  }
0xc4: {  	_ =	swait.ge [sflag:s29], $0x1  }
0xc5: {  	[sflag:s29] =	ssyncadd.s32 $0xFFFFFFFF  }
0xc6: {  	_ =	strace $0x90000051  }
0xc7: {  	_ =	sfence  }
0xc8: {  	s30 =	sld [smem:$0x0];
	_ =	sdelay $0x2  }
0xc9: {  	s31 =	sshll.u32 s1, $0xD;
	s1 =	sshrl.u32 s1, $0x2  }
0xca: {  	s4 =	sand.u32 $0x4000, s31;
	s1 =	sadd.s32 s1, s30  }
0xcb: {  	s0 =	sor.u32 s4, s0;
	s1 =	sshll.u32 s1, $0x11  }
0xcc: {  	s0 =	sor.u32 s1, s0  }
0xcd: {  	s0 =	sadd.s32 $0x8F2B, s0  }
0xce: {  	[sflag:s0] =	ssyncadd.remote.s32 $0x1  }
0xcf: {  	_ =	sfence.sel $0xFFFF  }
0xd0: {  	[dreg:$0x0] =	wrdreg $0xFFFFFFFF;
	(pc) =	sbr.abs _section_cstart, $3  }
0xd1: {  	[dreg:$0x1] =	wrdreg $0xFFFFFFFF  }
0xd2: {  	_ =	task.clear_ibuf [dreg:s22], $0x2FFFF;
	_ =	strace $0x9FFFFFFF  }
0xd3: {  	(tm) =	ssettm $0x7FFFFFFF  }
tec
execute0_lowered:
.L_overlay_start_1:
0x0: {  	(tag) =	ssettag $0x1  }
0x1: {  	s3 =	rddreg [dreg:$0x1];
	s0 =	srdreg.scid  }
0x2: {  	s10 =	stileid.u32;
	s1 =	rddreg [dreg:$0x2];
	s4 =	simm.s32 $0x0  }
0x3: {  	s15 =	simm.s32 $0xD;
	s16 =	simm.s32 $0x80;
	s17 =	simm.s32 $0xC00  }
0x4: {  	s18 =	simm.s32 $0x4C00;
	s20 =	simm.s32 $0x8C00;
	s28 =	simm.s32 $0x14C00  }
0x5: {  	s29 =	simm.s32 $0x6;
	s30 =	simm.s32 $0x9;
	s31 =	simm.s32 $0x7  }
0x6: {  	s19 =	simm.s32 $0xC;
	s0 =	sand.u32 $0x1, s0;
	s2 =	sshll.u32 s10, $0x1  }
0x7: {  	[smem:$0x7FF] =	sst s4;
	s26 =	sshll.u32 s10, $0xC;
	s2 =	sor.u32 s0, s2  }
0x8: {  	_ =	strace $0x80000050;
	s7 =	ssub.s32 $0x2, s0;
	s0 =	sshll.u32 s0, $0xB  }
0x9: {  	s5 =	smul.u32 $0x180, s2;
	s2 =	sshll.u32 s2, $0xB;
	s9 =	sshrl.u32 s7, $0x1  }
0xa: {  	s14 =	sor.u32 s0, s26;
	s0 =	simm.s32 $0x8;
	s8 =	sadd.s32 s2, s1  }
0xb: {  	s26 =	simm.s32 $0x3;
	s9 =	ssub.s32 s7, s9;
	s23 =	sadd.s32 $0x42F800, s8  }
0xc: {  	s6 =	sadd.s32 s5, s1;
	s24 =	sadd.s32 $0x43F800, s8;
	[dreg:$0x9] =	wrdreg s23  }
0xd: {  	s5 =	sadd.s32 $0x44F800, s1;
	s25 =	smax.u32 s9, $0x1;
	[dreg:$0xa] =	wrdreg s24  }
0xe: {  	s1 =	sadd.s32 $0x48F800, s1;
	s8 =	simm.s32 $0x0;
	[dreg:$0xb] =	wrdreg s25  }
0xf: {  	s6 =	sadd.s32 $0x9800, s6;
	s7 =	sadd.s32 s5, s2;
	[dreg:$0x4] =	wrdreg s1  }
0x10: {  	s24 =	simm.s32 $0x10C00;
	[dreg:$0x5] =	wrdreg s6;
	s2 =	sadd.s32 $0x110000, s7  }
0x11: {  	s25 =	simm.s32 $0x5;
	s21 =	sadd.s32 $0x120000, s7;
	[dreg:$0x6] =	wrdreg s2  }
0x12: {  	s1 =	simm.s32 $0xB;
	s22 =	sadd.s32 $0x130000, s7;
	[dreg:$0x7] =	wrdreg s21  }
0x13: {  	s23 =	simm.s32 $0x2;
	s6 =	simm.s32 $0x4;
	[dreg:$0x8] =	wrdreg s22  }
0x14: {  	s22 =	simm.s32 $0xCC00;
	s2 =	simm.s32 $0xA;
	s21 =	simm.s32 $0x1  }
.LBB2_1:
0x15: {  	s9 =	rddreg [dreg:$0x5]  }
0x16: {  	[tilespmem:s4], [sflag:$0xD] =	stream.linear.gather [hbm4b:s9+s4], $0xC00, $0x38;
	[tilespmem:$0x18C00] =	vst v63  }
0x17: {  	_ =	swait.ge [sflag:s15], $0xC00  }
0x18: {  	[sflag:s15] =	ssyncset.done $0x0  }
0x19: {  	[sflag:s15] =	ssyncadd.s32 $0xFFFFF400  }
0x1a: {  	s12 =	rddreg [dreg:$0x0]  }
0x1b: {  	[tilespmem:s17], [sflag:$0x1] =	stream.indirect.gather [hbm4b:s12+s16], $0x80, s4, s16, $0xb8;
	[tilespmem:$0x18C00] =	vst v63  }
0x1c: {  	_ = 	snop  }
0x1d: {  	[tilespmem:s18], [sflag:$0x2] =	stream.indirect.gather [hbm4b:s3+s16], $0x80, s16, s16, $0xb8;
	[tilespmem:$0x18C00] =	vst v63  }
0x1e: {  	s13 =	simm.s32 $0x100  }
0x1f: {  	[tilespmem:s20], [sflag:$0x5] =	stream.indirect.gather [hbm4b:s3+s16], $0x80, s13, s16, $0xb8;
	[tilespmem:$0x18C00] =	vst v63  }
0x20: {  	s10 =	simm.s32 $0x180  }
0x21: {  	[tilespmem:s22], [sflag:$0x6] =	stream.indirect.gather [hbm4b:s3+s16], $0x80, s10, s16, $0xb8;
	[tilespmem:$0x18C00] =	vst v63  }
0x22: {  	s11 =	simm.s32 $0x200  }
0x23: {  	[tilespmem:s24], [sflag:$0x7] =	stream.indirect.gather [hbm4b:s3+s16], $0x80, s11, s16, $0xb8;
	[tilespmem:$0x18C00] =	vst v63  }
0x24: {  	_ =	swait.ge [sflag:s25], $0x4000  }
0x25: {  	[sflag:s25] =	ssyncset.done $0x0  }
0x26: {  	s12 =	simm.s32 $0x280;
	[sflag:s25] =	ssyncadd.s32 $0xFFFFC000  }
0x27: {  	[tilespmem:s28], [sflag:$0x8] =	stream.indirect.gather [hbm4b:s3+s16], $0x80, s12, s16, $0xb8;
	[tilespmem:$0x18C00] =	vst v63  }
0x28: {  	_ = 	snop  }
0x29: {  	[hbm4b:s7+s4] =	stream.linear.scatter [tilespmem:s20], [sflag:$0x9], $0x4000, $0x38;
	[tilespmem:$0x18C00] =	vst v63  }
0x2a: {  	_ =	swait.ge [sflag:s29], $0x4000  }
0x2b: {  	[sflag:s29] =	ssyncset.done $0x0  }
0x2c: {  	[sflag:s29] =	ssyncadd.s32 $0xFFFFC000  }
0x2d: {  	_ =	swait.ge [sflag:s30], $0x4000  }
0x2e: {  	[sflag:s30] =	ssyncset.done $0x0  }
0x2f: {  	s13 =	simm.s32 $0x300;
	s10 =	sor.u32 $0x10000, s14;
	[sflag:s30] =	ssyncadd.s32 $0xFFFFC000  }
0x30: {  	[tilespmem:s20], [sflag:$0x5] =	stream.indirect.gather [hbm4b:s3+s16], $0x80, s13, s16, $0xb8;
	[tilespmem:$0x18C00] =	vst v63  }
0x31: {  	s11 =	sadd.s32 s5, s10  }
0x32: {  	[hbm4b:s11+s4] =	stream.linear.scatter [tilespmem:s22], [sflag:$0xA], $0x4000, $0x38;
	[tilespmem:$0x18C00] =	vst v63  }
0x33: {  	_ =	swait.ge [sflag:s31], $0x4000  }
0x34: {  	[sflag:s31] =	ssyncset.done $0x0  }
0x35: {  	[sflag:s31] =	ssyncadd.s32 $0xFFFFC000  }
0x36: {  	_ =	swait.ge [sflag:s2], $0x4000  }
0x37: {  	[sflag:s2] =	ssyncset.done $0x0  }
0x38: {  	s12 =	simm.s32 $0x380;
	s13 =	sor.u32 $0x20000, s14;
	[sflag:s2] =	ssyncadd.s32 $0xFFFFC000  }
0x39: {  	[tilespmem:s22], [sflag:$0x6] =	stream.indirect.gather [hbm4b:s3+s16], $0x80, s12, s16, $0xb8;
	[tilespmem:$0x18C00] =	vst v63  }
0x3a: {  	s11 =	sadd.s32 s5, s13  }
0x3b: {  	[hbm4b:s11+s4] =	stream.linear.scatter [tilespmem:s24], [sflag:$0xB], $0x4000, $0x38;
	[tilespmem:$0x18C00] =	vst v63  }
0x3c: {  	_ =	swait.ge [sflag:s0], $0x4000  }
0x3d: {  	[sflag:s0] =	ssyncset.done $0x0  }
0x3e: {  	[sflag:s0] =	ssyncadd.s32 $0xFFFFC000  }
0x3f: {  	_ =	swait.ge [sflag:s1], $0x4000  }
0x40: {  	[sflag:s1] =	ssyncset.done $0x0  }
0x41: {  	s13 =	sor.u32 $0x30000, s14;
	s12 =	simm.s32 $0x400;
	[sflag:s1] =	ssyncadd.s32 $0xFFFFC000  }
0x42: {  	[tilespmem:s24], [sflag:$0x7] =	stream.indirect.gather [hbm4b:s3+s16], $0x80, s12, s16, $0xb8;
	[tilespmem:$0x18C00] =	vst v63  }
0x43: {  	s11 =	sadd.s32 s5, s13  }
0x44: {  	[hbm4b:s11+s4] =	stream.linear.scatter [tilespmem:s28], [sflag:$0xC], $0x4000, $0x38;
	[tilespmem:$0x18C00] =	vst v63  }
0x45: {  	_ =	swait.ge [sflag:s25], $0x4000  }
0x46: {  	[sflag:s25] =	ssyncset.done $0x0  }
0x47: {  	[sflag:s25] =	ssyncadd.s32 $0xFFFFC000  }
0x48: {  	s9 =	simm.s32 $0x800;
	_ =	swait.ge [sflag:s19], $0x4000  }
0x49: {  	s10 =	sadd.s32 $0x40000, s14;
	[sflag:s19] =	ssyncset.done $0x0;
	s12 =	rddreg [dreg:$0x4]  }
0x4a: {  	s13 =	simm.s32 $0x480;
	[sflag:s19] =	ssyncadd.s32 $0xFFFFC000;
	s11 =	sadd.s32 s14, s12  }
0x4b: {  	[tilespmem:s28], [sflag:$0x8] =	stream.indirect.gather [hbm4b:s3+s16], $0x80, s13, s16, $0xb8;
	[tilespmem:$0x18C00] =	vst v63  }
.LBB2_2:
0x4c: {  	[hbm4b:s11+s4] =	stream.linear.scatter [tilespmem:s20], [sflag:$0x9], $0x4000, $0x38;
	[tilespmem:$0x18C00] =	vst v63  }
0x4d: {  	_ =	swait.ge [sflag:s29], $0x4000  }
0x4e: {  	[sflag:s29] =	ssyncset.done $0x0  }
0x4f: {  	[sflag:s29] =	ssyncadd.s32 $0xFFFFC000  }
0x50: {  	s12 =	smov.u32 s9;
	_ =	swait.ge [sflag:s30], $0x4000  }
0x51: {  	s11 =	sshra.s32 s12, $0x2;
	[sflag:s30] =	ssyncset.done $0x0  }
0x52: {  	s13 =	sor.u32 $0x10000, s10;
	s12 =	sadd.s32 $0x300, s11;
	[sflag:s30] =	ssyncadd.s32 $0xFFFFC000  }
0x53: {  	[tilespmem:s20], [sflag:$0x5] =	stream.indirect.gather [hbm4b:s3+s16], $0x80, s12, s16, $0xb8;
	[tilespmem:$0x18C00] =	vst v63  }
0x54: {  	s13 =	sadd.s32 s5, s13  }
0x55: {  	[hbm4b:s13+s4] =	stream.linear.scatter [tilespmem:s22], [sflag:$0xA], $0x4000, $0x38;
	[tilespmem:$0x18C00] =	vst v63  }
0x56: {  	_ =	swait.ge [sflag:s31], $0x4000  }
0x57: {  	[sflag:s31] =	ssyncset.done $0x0  }
0x58: {  	[sflag:s31] =	ssyncadd.s32 $0xFFFFC000  }
0x59: {  	_ =	swait.ge [sflag:s2], $0x4000  }
0x5a: {  	[sflag:s2] =	ssyncset.done $0x0  }
0x5b: {  	s12 =	sadd.s32 $0x380, s11;
	s13 =	sor.u32 $0x20000, s10;
	[sflag:s2] =	ssyncadd.s32 $0xFFFFC000  }
0x5c: {  	[tilespmem:s22], [sflag:$0x6] =	stream.indirect.gather [hbm4b:s3+s16], $0x80, s12, s16, $0xb8;
	[tilespmem:$0x18C00] =	vst v63  }
0x5d: {  	s13 =	sadd.s32 s5, s13  }
0x5e: {  	[hbm4b:s13+s4] =	stream.linear.scatter [tilespmem:s24], [sflag:$0xB], $0x4000, $0x38;
	[tilespmem:$0x18C00] =	vst v63  }
0x5f: {  	_ =	swait.ge [sflag:s0], $0x4000  }
0x60: {  	[sflag:s0] =	ssyncset.done $0x0  }
0x61: {  	[sflag:s0] =	ssyncadd.s32 $0xFFFFC000  }
0x62: {  	_ =	swait.ge [sflag:s1], $0x4000  }
0x63: {  	[sflag:s1] =	ssyncset.done $0x0  }
0x64: {  	s12 =	sadd.s32 $0x400, s11;
	s13 =	sor.u32 $0x30000, s10;
	[sflag:s1] =	ssyncadd.s32 $0xFFFFC000  }
0x65: {  	[tilespmem:s24], [sflag:$0x7] =	stream.indirect.gather [hbm4b:s3+s16], $0x80, s12, s16, $0xb8;
	[tilespmem:$0x18C00] =	vst v63  }
0x66: {  	s13 =	sadd.s32 s5, s13  }
0x67: {  	[hbm4b:s13+s4] =	stream.linear.scatter [tilespmem:s28], [sflag:$0xC], $0x4000, $0x38;
	[tilespmem:$0x18C00] =	vst v63  }
0x68: {  	_ =	swait.ge [sflag:s25], $0x4000  }
0x69: {  	[sflag:s25] =	ssyncset.done $0x0  }
0x6a: {  	p0 =	sne.s32 s9, $0x1800;
	[sflag:s25] =	ssyncadd.s32 $0xFFFFC000  }
.Ltmp0:
0x6b: {  	_ =	swait.ge [sflag:s19], $0x4000;
	(pc) =	sbr.rel @p0 .LBB2_2-.Ltmp0, $4  }
0x6c: {  	[sflag:s19] =	ssyncset.done $0x0  }
0x6d: {  	s11 =	sadd.s32 $0x480, s11;
	s13 =	rddreg [dreg:$0x4];
	[sflag:s19] =	ssyncadd.s32 $0xFFFFC000  }
0x6e: {  	[tilespmem:s28], [sflag:$0x8] =	stream.indirect.gather [hbm4b:s3+s16], $0x80, s11, s16, $0xb8;
	[tilespmem:$0x18C00] =	vst v63  }
0x6f: {  	s9 =	sadd.s32 $0x800, s9;
	s11 =	sadd.s32 s10, s13;
	s10 =	sadd.s32 $0x40000, s10  }
0x70: {  	[hbm4b:s11+s4] =	stream.linear.scatter [tilespmem:s20], [sflag:$0x9], $0x4000, $0x38;
	[tilespmem:$0x18C00] =	vst v63  }
0x71: {  	_ =	swait.ge [sflag:s29], $0x4000  }
0x72: {  	[sflag:s29] =	ssyncset.done $0x0  }
0x73: {  	[sflag:s29] =	ssyncadd.s32 $0xFFFFC000  }
0x74: {  	_ =	swait.ge [sflag:s30], $0x4000  }
0x75: {  	[sflag:s30] =	ssyncset.done $0x0  }
0x76: {  	s9 =	rddreg [dreg:$0x6];
	[sflag:s30] =	ssyncadd.s32 $0xFFFFC000  }
0x77: {  	[hbm4b:s9+s4] =	stream.linear.scatter [tilespmem:s22], [sflag:$0xA], $0x4000, $0x38;
	[tilespmem:$0x18C00] =	vst v63  }
0x78: {  	_ =	swait.ge [sflag:s31], $0x4000  }
0x79: {  	[sflag:s31] =	ssyncset.done $0x0  }
0x7a: {  	[sflag:s31] =	ssyncadd.s32 $0xFFFFC000  }
0x7b: {  	_ =	swait.ge [sflag:s2], $0x4000  }
0x7c: {  	[sflag:s2] =	ssyncset.done $0x0  }
0x7d: {  	s13 =	rddreg [dreg:$0x7];
	[sflag:s2] =	ssyncadd.s32 $0xFFFFC000  }
0x7e: {  	[hbm4b:s13+s4] =	stream.linear.scatter [tilespmem:s24], [sflag:$0xB], $0x4000, $0x38;
	[tilespmem:$0x18C00] =	vst v63  }
0x7f: {  	_ =	swait.ge [sflag:s0], $0x4000  }
0x80: {  	[sflag:s0] =	ssyncset.done $0x0  }
0x81: {  	[sflag:s0] =	ssyncadd.s32 $0xFFFFC000  }
0x82: {  	_ =	swait.ge [sflag:s1], $0x4000  }
0x83: {  	[sflag:s1] =	ssyncset.done $0x0  }
0x84: {  	s10 =	rddreg [dreg:$0x8];
	[sflag:s1] =	ssyncadd.s32 $0xFFFFC000  }
0x85: {  	[hbm4b:s10+s4] =	stream.linear.scatter [tilespmem:s28], [sflag:$0xC], $0x4000, $0x38;
	[tilespmem:$0x18C00] =	vst v63  }
0x86: {  	_ =	swait.ge [sflag:s21], $0x4000  }
0x87: {  	[sflag:s21] =	ssyncset.done $0x0  }
0x88: {  	s11 =	rddreg [dreg:$0x9];
	[sflag:s21] =	ssyncadd.s32 $0xFFFFC000  }
0x89: {  	[hbm4b:s11+s4] =	stream.linear.scatter [tilespmem:s17], [sflag:$0x3], $0x4000, $0x38;
	[tilespmem:$0x18C00] =	vst v63  }
0x8a: {  	_ =	swait.ge [sflag:s23], $0x4000  }
0x8b: {  	[sflag:s23] =	ssyncset.done $0x0  }
0x8c: {  	s12 =	rddreg [dreg:$0xa];
	[sflag:s23] =	ssyncadd.s32 $0xFFFFC000  }
0x8d: {  	[hbm4b:s12+s4] =	stream.linear.scatter [tilespmem:s18], [sflag:$0x4], $0x4000, $0x38;
	[tilespmem:$0x18C00] =	vst v63  }
0x8e: {  	_ =	swait.ge [sflag:s19], $0x4000  }
0x8f: {  	[sflag:s19] =	ssyncset.done $0x0  }
0x90: {  	[sflag:s19] =	ssyncadd.s32 $0xFFFFC000  }
0x91: {  	_ =	swait.ge [sflag:s26], $0x4000  }
0x92: {  	[sflag:s26] =	ssyncset.done $0x0  }
0x93: {  	[sflag:s26] =	ssyncadd.s32 $0xFFFFC000  }
0x94: {  	_ =	swait.ge [sflag:s6], $0x4000  }
0x95: {  	s8 =	sadd.s32 $0x1, s8;
	s13 =	rddreg [dreg:$0xb]  }
0x96: {  	p0 =	sne.s32 s8, s13  }
.Ltmp1:
0x97: {  	_ = 	snop;
	(pc) =	sbr.rel @p0 .LBB2_1-.Ltmp1, $3  }
0x98: {  	_ =	sdelay $0x1  }
0x99: {  	[sflag:s6] =	ssyncset.done $0x0  }
0x9a: {  	[sflag:s6] =	ssyncadd.s32 $0xFFFFC000  }
0x9b: {  	_ =	sfence.sel $0x180000  }
0x9c: {  	[bflag:$0x0] =	sbarrier.arrive $0xFFFF  }
0x9d: {  	_ =	strace $0x90000050  }
0x9e: {  	s0 =	stileid.u32;
	[bflag:$0x2] =	sbarrier.arrive $0xFFFF  }
0x9f: {  	p0 =	sne.s32 s0, $0x0;
	s0 =	rddreg [dreg:$0x3]  }
0xa0: {  	s0 =	sadd.s32 @!p0 $0x100000, s0  }
0xa1: {  	[sflag:s0] =	ssyncadd.tile.s32 @!p0 $0x1;
	_ =	shalt  }
.Lfunc_end2:
_tile_overlayer_lowered:
.L_overlay_start_2:
0xa2: {  	(tag) =	ssettag $0x2  }
0xa3: {  	s0 =	rddreg [dreg:$0x0];
	s2 =	stileid.u32  }
0xa4: {  	s1 =	rddreg [dreg:$0x1];
	p0 =	sne.s32 s2, $0x0  }
0xa5: {  	s3 =	rddreg [dreg:$0x2];
	[bflag:$0x3] =	sbarrier.arrive $0xFFFF;
	s2 =	simm.s32 @!p0 $0x1C0D  }
0xa6: {  	[timem:s3], [sflag:s2] =	dma.local @!p0 [hbm:s0], s1  }
0xa7: {  	s0 =	simm.s32 @!p0 $0xD  }
0xa8: {  	_ =	swait.ge @!p0 [sflag:s0], s1  }
0xa9: {  	s1 =	ssub.s32 @!p0 $0x0, s1;
	[sflag:s0] =	ssyncset.done @!p0 $0x0  }
0xaa: {  	[sflag:s0] =	ssyncadd.s32 @!p0 s1  }
0xab: {  	[bflag:$0x3] =	sbarrier.arrive $0xFFFF  }
0xac: {  	_ =	shalt  }

</sc_bundles>
